<compile_context>
chip_gen: v7x
topology: tpu7x:2x2x1
jax: 0.10.2.dev20260603
libtpu: 0.0.44.dev20260713+nightly
codegen_flags: <defaults>
</compile_context>

<pallas_src>
import functools

import jax
import jax.numpy as jnp
from jax import lax
from jax.experimental import pallas as pl
from jax.experimental.pallas import tpu as pltpu
from jax.experimental.pallas import tpu_sc as plsc

N_NODES = 10000
D = 128
NUM_GRAPHS = 128
NC = 2
NS = 16
CH = 128
NCH_TILE = 80
E_PAD = NC * NS * NCH_TILE * CH
ACC_ROWS = 10240
ROWS_PER_TILE = ACC_ROWS // NS


def _sc_aggregate(h, src2, dst2):
    mesh = plsc.VectorSubcoreMesh(core_axis_name="c", subcore_axis_name="s")

    @functools.partial(
        pl.kernel,
        out_type=jax.ShapeDtypeStruct((NC, ACC_ROWS, D), jnp.float32),
        mesh=mesh,
        scratch_types=[
            pltpu.VMEM((NCH_TILE // 2, CH), jnp.int32),
            pltpu.VMEM((NCH_TILE // 2, CH), jnp.int32),
            pltpu.VMEM((CH, D), jnp.float32),
            pltpu.VMEM((CH, D), jnp.float32),
            pltpu.VMEM_SHARED((ACC_ROWS, D), jnp.float32),
            pltpu.SemaphoreType.DMA,
            pltpu.SemaphoreType.DMA,
        ],
    )
    def agg(h_hbm, src_hbm, dst_hbm, out_hbm, si_v, di_v, ra_v, rb_v, acc_sh,
            gsa, gsb):
        c = lax.axis_index("c")
        s = lax.axis_index("s")
        w = c * NS + s

        @pl.loop(0, CH)
        def _zrow(r):
            @pl.loop(0, D, step=16)
            def _zcol(col):
                ra_v[r, pl.ds(col, 16)] = jnp.zeros((16,), jnp.float32)

        @pl.loop(0, ROWS_PER_TILE // CH)
        def _zacc(k):
            pltpu.sync_copy(ra_v, acc_sh.at[pl.ds(s * ROWS_PER_TILE + k * CH, CH)])

        plsc.subcore_barrier()

        half = NCH_TILE // 2
        for p in range(2):
            pltpu.sync_copy(src_hbm.at[pl.ds(w * NCH_TILE + p * half, half)], si_v)
            pltpu.sync_copy(dst_hbm.at[pl.ds(w * NCH_TILE + p * half, half)], di_v)
            pltpu.async_copy(h_hbm.at[si_v.at[0]], ra_v, gsa)
            pltpu.async_copy(h_hbm.at[si_v.at[1]], rb_v, gsb)

            @pl.loop(0, half, step=2)
            def _edge(j):
                pltpu.make_async_copy(h_hbm.at[si_v.at[j]], ra_v, gsa).wait()
                pltpu.sync_copy(ra_v, acc_sh.at[di_v.at[j]], add=True)

                @pl.when(j + 2 < half)
                def _():
                    pltpu.async_copy(h_hbm.at[si_v.at[j + 2]], ra_v, gsa)

                pltpu.make_async_copy(h_hbm.at[si_v.at[j + 1]], rb_v, gsb).wait()
                pltpu.sync_copy(rb_v, acc_sh.at[di_v.at[j + 1]], add=True)

                @pl.when(j + 3 < half)
                def _():
                    pltpu.async_copy(h_hbm.at[si_v.at[j + 3]], rb_v, gsb)

        plsc.subcore_barrier()

        pltpu.sync_copy(
            acc_sh.at[pl.ds(s * ROWS_PER_TILE, ROWS_PER_TILE)],
            out_hbm.at[c, pl.ds(s * ROWS_PER_TILE, ROWS_PER_TILE)],
        )

    return agg(h, src2, dst2)


def _dot(a, b):
    return lax.dot_general(a, b, (((1,), (0,)), ((), ())),
                           preferred_element_type=jnp.float32)


BLK = 1000


def _layer_body(p_ref, h_ref, wr_ref, wo_ref, b_ref, o_ref):
    agg = p_ref[0] + p_ref[1]
    acc = _dot(agg, wr_ref[...]) + _dot(h_ref[...], wo_ref[...]) + b_ref[...]
    o_ref[...] = jnp.maximum(acc, 0.0)


def _layer_tc(parts, h, w_rel, w_root, b2d):
    n = h.shape[0]
    return pl.pallas_call(
        _layer_body,
        grid=(n // BLK,),
        in_specs=[
            pl.BlockSpec((NC, BLK, D), lambda i: (0, i, 0)),
            pl.BlockSpec((BLK, D), lambda i: (i, 0)),
            pl.BlockSpec((D, D), lambda i: (0, 0)),
            pl.BlockSpec((D, D), lambda i: (0, 0)),
            pl.BlockSpec((1, D), lambda i: (0, 0)),
        ],
        out_specs=pl.BlockSpec((BLK, D), lambda i: (i, 0)),
        out_shape=jax.ShapeDtypeStruct((n, D), jnp.float32),
    )(parts, h, w_rel, w_root, b2d)


def _final_body(p_ref, h_ref, wr_ref, wo_ref, b_ref, bt_ref, wm1_ref, bm1_ref,
                wm2_ref, bm2_ref, out_ref, pooled_ref):
    i = pl.program_id(0)
    agg = p_ref[0] + p_ref[1]
    h3 = jnp.maximum(
        _dot(agg, wr_ref[...]) + _dot(h_ref[...], wo_ref[...]) + b_ref[...], 0.0)
    bt = bt_ref[0, 0, :]
    gids = lax.broadcasted_iota(jnp.int32, (NUM_GRAPHS, BLK), 0)
    onehot = (gids == bt[None, :]).astype(jnp.float32)
    part = _dot(onehot, h3)

    @pl.when(i == 0)
    def _():
        pooled_ref[...] = part

    @pl.when(i > 0)
    def _():
        pooled_ref[...] = pooled_ref[...] + part

    @pl.when(i == pl.num_programs(0) - 1)
    def _():
        m = jnp.maximum(_dot(pooled_ref[...], wm1_ref[...]) + bm1_ref[...], 0.0)
        out_ref[...] = jax.nn.sigmoid(_dot(m, wm2_ref[...]) + bm2_ref[...])


def _final_tc(parts, h, w_rel, w_root, b2d, batch3, wm1, bm1, wm2, bm2):
    n = h.shape[0]
    d_mlp = wm1.shape[1]
    d_out = wm2.shape[1]
    out, pooled = pl.pallas_call(
        _final_body,
        grid=(n // BLK,),
        in_specs=[
            pl.BlockSpec((NC, BLK, D), lambda i: (0, i, 0)),
            pl.BlockSpec((BLK, D), lambda i: (i, 0)),
            pl.BlockSpec((D, D), lambda i: (0, 0)),
            pl.BlockSpec((D, D), lambda i: (0, 0)),
            pl.BlockSpec((1, D), lambda i: (0, 0)),
            pl.BlockSpec((1, 1, BLK), lambda i: (i, 0, 0)),
            pl.BlockSpec((D, d_mlp), lambda i: (0, 0)),
            pl.BlockSpec((1, d_mlp), lambda i: (0, 0)),
            pl.BlockSpec((d_mlp, d_out), lambda i: (0, 0)),
            pl.BlockSpec((1, d_out), lambda i: (0, 0)),
        ],
        out_specs=[
            pl.BlockSpec((NUM_GRAPHS, d_out), lambda i: (0, 0)),
            pl.BlockSpec((NUM_GRAPHS, D), lambda i: (0, 0)),
        ],
        out_shape=[
            jax.ShapeDtypeStruct((NUM_GRAPHS, d_out), jnp.float32),
            jax.ShapeDtypeStruct((NUM_GRAPHS, D), jnp.float32),
        ],
    )(parts, h, w_rel, w_root, b2d, batch3, wm1, bm1, wm2, bm2)
    return out, pooled


def kernel(x, edge_index, batch, W_rel0, W_root0, b0, W_rel1, W_root1, b1,
           W_rel2, W_root2, b2, Wm1, bm1, Wm2, bm2):
    src = edge_index[0].astype(jnp.int32)
    dst = edge_index[1].astype(jnp.int32)
    e = src.shape[0]
    pad = E_PAD - e
    src2 = jnp.concatenate([src, jnp.zeros((pad,), jnp.int32)]).reshape(E_PAD // CH, CH)
    dst2 = jnp.concatenate([dst, jnp.full((pad,), N_NODES, jnp.int32)]).reshape(E_PAD // CH, CH)
    batch3 = batch.astype(jnp.int32).reshape(x.shape[0] // BLK, 1, BLK)
    b0r, b1r, b2r = b0.reshape(1, -1), b1.reshape(1, -1), b2.reshape(1, -1)

    a0 = _sc_aggregate(x, src2, dst2)
    h1 = _layer_tc(a0, x, W_rel0, W_root0, b0r)
    a1 = _sc_aggregate(h1, src2, dst2)
    h2 = _layer_tc(a1, h1, W_rel1, W_root1, b1r)
    a2 = _sc_aggregate(h2, src2, dst2)
    out, pooled = _final_tc(a2, h2, W_rel2, W_root2, b2r, batch3,
                            Wm1, bm1.reshape(1, -1), Wm2, bm2.reshape(1, -1))
    return (out, pooled)

# --- scband reference (transcript-rebuilt; emitter-appended) ---
"""Pipeline reference for scband-gconv-60224031425327 (READ-ONLY COPY).

The authoritative reference and input builder live on the scoring server;
editing this copy changes nothing except your own understanding.
"""

import jax, jax.numpy as jnp
import numpy as np

N_NODES = 10000
N_EDGES = 320000
D_IN = 128
D_HID = 128
D_OUT = 64
NUM_GRAPHS = 128


def setup_inputs(seed: int = 0) -> dict:
    key = jax.random.key(seed)
    ks = jax.random.split(key, 20)
    x = jax.random.normal(ks[0], (N_NODES, D_IN), dtype=jnp.float32)
    edge_index = jax.random.randint(ks[1], (2, N_EDGES), 0, N_NODES, dtype=jnp.int64)
    batch = jnp.sort(jax.random.randint(ks[2], (N_NODES,), 0, NUM_GRAPHS, dtype=jnp.int64))
    s_in = 1.0 / np.sqrt(D_IN)
    s_hid = 1.0 / np.sqrt(D_HID)
    s_mlp = 1.0 / np.sqrt(2 * D_HID)
    inp = {
        'x': x,
        'edge_index': edge_index,
        'batch': batch,
        'W_rel0': jax.random.normal(ks[3], (D_IN, D_HID), dtype=jnp.float32) * s_in,
        'W_root0': jax.random.normal(ks[4], (D_IN, D_HID), dtype=jnp.float32) * s_in,
        'b0': jnp.zeros((D_HID,), dtype=jnp.float32),
        'W_rel1': jax.random.normal(ks[5], (D_HID, D_HID), dtype=jnp.float32) * s_hid,
        'W_root1': jax.random.normal(ks[6], (D_HID, D_HID), dtype=jnp.float32) * s_hid,
        'b1': jnp.zeros((D_HID,), dtype=jnp.float32),
        'W_rel2': jax.random.normal(ks[7], (D_HID, D_HID), dtype=jnp.float32) * s_hid,
        'W_root2': jax.random.normal(ks[8], (D_HID, D_HID), dtype=jnp.float32) * s_hid,
        'b2': jnp.zeros((D_HID,), dtype=jnp.float32),
        'Wm1': jax.random.normal(ks[9], (D_HID, 2 * D_HID), dtype=jnp.float32) * s_hid,
        'bm1': jnp.zeros((2 * D_HID,), dtype=jnp.float32),
        'Wm2': jax.random.normal(ks[10], (2 * D_HID, D_OUT), dtype=jnp.float32) * s_mlp,
        'bm2': jnp.zeros((D_OUT,), dtype=jnp.float32),
    }
    return inp


def _graph_conv(x, edge_index, W_rel, W_root, b, num_nodes):
    # PyG GraphConv (aggr='add'): out = lin_rel(sum_{j in N(i)} x_j) + lin_root(x_i)
    src = edge_index[0]
    dst = edge_index[1]
    msgs = jnp.take(x, src, axis=0)
    agg = jax.ops.segment_sum(msgs, dst, num_segments=num_nodes)
    return agg @ W_rel + x @ W_root + b


def reference(x, edge_index, batch, W_rel0, W_root0, b0, W_rel1, W_root1, b1,
              W_rel2, W_root2, b2, Wm1, bm1, Wm2, bm2):
    n = x.shape[0]
    h = jax.nn.relu(_graph_conv(x, edge_index, W_rel0, W_root0, b0, n))
    h = jax.nn.relu(_graph_conv(h, edge_index, W_rel1, W_root1, b1, n))
    h = jax.nn.relu(_graph_conv(h, edge_index, W_rel2, W_root2, b2, n))
    pooled = jax.ops.segment_sum(h, batch, num_segments=NUM_GRAPHS)  # global_add_pool
    m = jax.nn.relu(pooled @ Wm1 + bm1)
    out = jax.nn.sigmoid(m @ Wm2 + bm2)
    return (out, pooled)

if __name__ == "__main__":
    import jax
    _d = setup_inputs()
    print(jax.jit(kernel)(*tuple(_d.values())))

</pallas_src>

<mosaic_0001>
#map = affine_map<(d0, d1) -> (0, 0)>
#map1 = affine_map<(d0, d1) -> (0, 0, 0)>
module attributes {stable_mosaic.version = 14 : i64} {
  func.func @agg(%arg0: i32, %arg1: i32, %arg2: memref<10000x128xf32, #tpu.memory_space<hbm>>, %arg3: memref<2560x128xi32, #tpu.memory_space<hbm>>, %arg4: memref<2560x128xi32, #tpu.memory_space<hbm>>, %arg5: memref<2x10240x128xf32, #tpu.memory_space<hbm>>, %arg6: memref<40x128xi32, #tpu.memory_space<vmem>>, %arg7: memref<40x128xi32, #tpu.memory_space<vmem>>, %arg8: memref<128x128xf32, #tpu.memory_space<vmem>>, %arg9: memref<128x128xf32, #tpu.memory_space<vmem>>, %arg10: memref<10240x128xf32, #tpu.memory_space<vmem_shared>>, %arg11: memref<!tpu.dma_semaphore, #tpu.memory_space<semaphore_mem>>, %arg12: memref<!tpu.dma_semaphore, #tpu.memory_space<semaphore_mem>>) attributes {dimension_semantics = [#tpu.dimension_semantics<core_parallel>, #tpu.dimension_semantics<subcore_parallel>], iteration_bounds = array<i64: 2, 16>, scalar_prefetch = 0 : i64, scratch_operands = 7 : i64, tpu.core_type = #tpu.core_type<sc_vector_subcore>, window_params = [{transform_indices = #map}, {transform_indices = #map}, {transform_indices = #map}, {transform_indices = #map1}]} {
    %mul3A = arith.constant 16 : i32
    %mul3A_0 = arith.muli %arg0, %mul3A : i32
    %add3A = arith.addi %mul3A_0, %arg1 : i32
    %scan3A = arith.constant 0 : i32
    %scan3A_1 = arith.constant 128 : i32
    %scan3A_2 = arith.addi %scan3A, %scan3A_1 : i32
    %scan3A_3 = arith.constant 1 : i32
    scf.for %scan3A_68 = %scan3A to %scan3A_2 step %scan3A_3  : i32 {
      %mul3A_69 = arith.constant 1 : i32
      %mul3A_70 = arith.muli %scan3A_68, %mul3A_69 : i32
      %add3A_71 = arith.constant 0 : i32
      %add3A_72 = arith.addi %add3A_71, %mul3A_70 : i32
      %scan3A_73 = arith.constant 0 : i32
      %scan3A_74 = arith.constant 8 : i32
      %scan3A_75 = arith.addi %scan3A_73, %scan3A_74 : i32
      %scan3A_76 = arith.constant 1 : i32
      scf.for %scan3A_78 = %scan3A_73 to %scan3A_75 step %scan3A_76  : i32 {
        %mul3A_79 = arith.constant 16 : i32
        %mul3A_80 = arith.muli %scan3A_78, %mul3A_79 : i32
        %add3A_81 = arith.constant 0 : i32
        %add3A_82 = arith.addi %add3A_81, %mul3A_80 : i32
        %broadcast_in_dim3A = arith.constant 0.000000e+00 : f32
        %broadcast_in_dim3A_83 = vector.broadcast %broadcast_in_dim3A : f32 to vector<16xf32>
        %swap3A = arith.index_cast %add3A_72 : i32 to index
        %swap3A_84 = arith.index_cast %add3A_82 : i32 to index
        %swap3A_85 = tpu.vector_load %arg8[%swap3A, %swap3A_84] {strides = array<i32>} : memref<128x128xf32, #tpu.memory_space<vmem>>, vector<1x16xf32>,
        %swap3A_86 = vector.shape_cast %swap3A_85 : vector<1x16xf32> to vector<16xf32>
        %swap3A_87 = vector.shape_cast %broadcast_in_dim3A_83 : vector<16xf32> to vector<1x16xf32>
        tpu.vector_store %arg8[%swap3A, %swap3A_84], %swap3A_87 {strides = array<i32>} : memref<128x128xf32, #tpu.memory_space<vmem>>, vector<1x16xf32>,
      }
      %scan3A_77 = arith.constant 8 : i32
    }
    %scan3A_4 = arith.constant 128 : i32
    %scan3A_5 = arith.constant 0 : i32
    %scan3A_6 = arith.constant 5 : i32
    %scan3A_7 = arith.addi %scan3A_5, %scan3A_6 : i32
    %scan3A_8 = arith.constant 1 : i32
    scf.for %scan3A_68 = %scan3A_5 to %scan3A_7 step %scan3A_8  : i32 {
      %mul3A_69 = arith.constant 1 : i32
      %mul3A_70 = arith.muli %scan3A_68, %mul3A_69 : i32
      %add3A_71 = arith.constant 0 : i32
      %add3A_72 = arith.addi %add3A_71, %mul3A_70 : i32
      %mul3A_73 = arith.constant 640 : i32
      %mul3A_74 = arith.muli %arg1, %mul3A_73 : i32
      %mul3A_75 = arith.constant 128 : i32
      %mul3A_76 = arith.muli %add3A_72, %mul3A_75 : i32
      %add3A_77 = arith.addi %mul3A_74, %mul3A_76 : i32
      "tpu.region"() ({
        %run_scoped3A = tpu.sem_alloc : memref<!tpu.dma_semaphore, #tpu.memory_space<semaphore_mem>>
        %dma_start3A_78 = arith.constant 0 : i32
        %dma_start3A_79 = tpu.memref_slice %arg10[%add3A_77, %dma_start3A_78] : memref<10240x128xf32, #tpu.memory_space<vmem_shared>> -> memref<128x128xf32, #tpu.memory_space<vmem_shared>>
        %dma_start3A_80 = arith.constant 0 : i32
        %dma_start3A_81 = tpu.memref_slice %arg10[%add3A_77, %dma_start3A_80] : memref<10240x128xf32, #tpu.memory_space<vmem_shared>> -> memref<128x128xf32, #tpu.memory_space<vmem_shared>>
        tpu.enqueue_dma source(%arg8 : memref<128x128xf32, #tpu.memory_space<vmem>>) target(%dma_start3A_81 : memref<128x128xf32, #tpu.memory_space<vmem_shared>>) target_semaphore(%run_scoped3A : memref<!tpu.dma_semaphore, #tpu.memory_space<semaphore_mem>>)
        %dma_wait3A = arith.constant 0 : i32
        %dma_wait3A_82 = tpu.memref_slice %arg10[%add3A_77, %dma_wait3A] : memref<10240x128xf32, #tpu.memory_space<vmem_shared>> -> memref<128x128xf32, #tpu.memory_space<vmem_shared>>
        %dma_wait3A_83 = arith.constant 0 : i32
        %dma_wait3A_84 = tpu.memref_slice %arg10[%add3A_77, %dma_wait3A_83] : memref<10240x128xf32, #tpu.memory_space<vmem_shared>> -> memref<128x128xf32, #tpu.memory_space<vmem_shared>>
        tpu.wait_dma2 semaphore(%run_scoped3A : memref<!tpu.dma_semaphore, #tpu.memory_space<semaphore_mem>>) src(%arg8 : memref<128x128xf32, #tpu.memory_space<vmem>>) dst(%dma_wait3A_84 : memref<128x128xf32, #tpu.memory_space<vmem_shared>>)
        tpu.yield
      }) : () -> ()
    }
    %scan3A_9 = arith.constant 5 : i32
    %barrier3A = arith.constant 0 : index
    tpu.barrier barrier_id(%barrier3A)
    %mul3A_10 = arith.constant 80 : i32
    %mul3A_11 = arith.muli %add3A, %mul3A_10 : i32
    %add3A_12 = arith.constant 0 : i32
    %add3A_13 = arith.addi %mul3A_11, %add3A_12 : i32
    "tpu.region"() ({
      %run_scoped3A = tpu.sem_alloc : memref<!tpu.dma_semaphore, #tpu.memory_space<semaphore_mem>>
      %dma_start3A_68 = arith.constant 0 : i32
      %dma_start3A_69 = tpu.memref_slice %arg3[%add3A_13, %dma_start3A_68] : memref<2560x128xi32, #tpu.memory_space<hbm>> -> memref<40x128xi32, #tpu.memory_space<hbm>>
      %dma_start3A_70 = arith.constant 0 : i32
      %dma_start3A_71 = tpu.memref_slice %arg3[%add3A_13, %dma_start3A_70] : memref<2560x128xi32, #tpu.memory_space<hbm>> -> memref<40x128xi32, #tpu.memory_space<hbm>>
      tpu.enqueue_dma source(%dma_start3A_71 : memref<40x128xi32, #tpu.memory_space<hbm>>) target(%arg6 : memref<40x128xi32, #tpu.memory_space<vmem>>) target_semaphore(%run_scoped3A : memref<!tpu.dma_semaphore, #tpu.memory_space<semaphore_mem>>)
      %dma_wait3A = arith.constant 0 : i32
      %dma_wait3A_72 = tpu.memref_slice %arg3[%add3A_13, %dma_wait3A] : memref<2560x128xi32, #tpu.memory_space<hbm>> -> memref<40x128xi32, #tpu.memory_space<hbm>>
      %dma_wait3A_73 = arith.constant 0 : i32
      %dma_wait3A_74 = tpu.memref_slice %arg3[%add3A_13, %dma_wait3A_73] : memref<2560x128xi32, #tpu.memory_space<hbm>> -> memref<40x128xi32, #tpu.memory_space<hbm>>
      tpu.wait_dma2 semaphore(%run_scoped3A : memref<!tpu.dma_semaphore, #tpu.memory_space<semaphore_mem>>) src(%dma_wait3A_74 : memref<40x128xi32, #tpu.memory_space<hbm>>) dst(%arg6 : memref<40x128xi32, #tpu.memory_space<vmem>>)
      tpu.yield
    }) : () -> ()
    %mul3A_14 = arith.constant 80 : i32
    %mul3A_15 = arith.muli %add3A, %mul3A_14 : i32
    %add3A_16 = arith.constant 0 : i32
    %add3A_17 = arith.addi %mul3A_15, %add3A_16 : i32
    "tpu.region"() ({
      %run_scoped3A = tpu.sem_alloc : memref<!tpu.dma_semaphore, #tpu.memory_space<semaphore_mem>>
      %dma_start3A_68 = arith.constant 0 : i32
      %dma_start3A_69 = tpu.memref_slice %arg4[%add3A_17, %dma_start3A_68] : memref<2560x128xi32, #tpu.memory_space<hbm>> -> memref<40x128xi32, #tpu.memory_space<hbm>>
      %dma_start3A_70 = arith.constant 0 : i32
      %dma_start3A_71 = tpu.memref_slice %arg4[%add3A_17, %dma_start3A_70] : memref<2560x128xi32, #tpu.memory_space<hbm>> -> memref<40x128xi32, #tpu.memory_space<hbm>>
      tpu.enqueue_dma source(%dma_start3A_71 : memref<40x128xi32, #tpu.memory_space<hbm>>) target(%arg7 : memref<40x128xi32, #tpu.memory_space<vmem>>) target_semaphore(%run_scoped3A : memref<!tpu.dma_semaphore, #tpu.memory_space<semaphore_mem>>)
      %dma_wait3A = arith.constant 0 : i32
      %dma_wait3A_72 = tpu.memref_slice %arg4[%add3A_17, %dma_wait3A] : memref<2560x128xi32, #tpu.memory_space<hbm>> -> memref<40x128xi32, #tpu.memory_space<hbm>>
      %dma_wait3A_73 = arith.constant 0 : i32
      %dma_wait3A_74 = tpu.memref_slice %arg4[%add3A_17, %dma_wait3A_73] : memref<2560x128xi32, #tpu.memory_space<hbm>> -> memref<40x128xi32, #tpu.memory_space<hbm>>
      tpu.wait_dma2 semaphore(%run_scoped3A : memref<!tpu.dma_semaphore, #tpu.memory_space<semaphore_mem>>) src(%dma_wait3A_74 : memref<40x128xi32, #tpu.memory_space<hbm>>) dst(%arg7 : memref<40x128xi32, #tpu.memory_space<vmem>>)
      tpu.yield
    }) : () -> ()
    %dma_start3A = arith.constant 0 : i32
    %dma_start3A_18 = arith.constant 0 : i32
    %dma_start3A_19 = tpu.memref_slice %arg6[%dma_start3A, %dma_start3A_18] : memref<40x128xi32, #tpu.memory_space<vmem>> -> memref<1x128xi32, #tpu.memory_space<vmem>>
    %dma_start3A_20 = tpu.memref_squeeze %dma_start3A_19 : memref<1x128xi32, #tpu.memory_space<vmem>> -> memref<128xi32, #tpu.memory_space<vmem>>
    %dma_start3A_21 = arith.constant 0 : i32
    %dma_start3A_22 = arith.constant 0 : i32
    %dma_start3A_23 = tpu.memref_slice %arg2[%dma_start3A_21, %dma_start3A_22] : memref<10000x128xf32, #tpu.memory_space<hbm>> -> memref<10000x128xf32, #tpu.memory_space<hbm>>
    tpu.enqueue_indirect_dma source(%dma_start3A_23 : memref<10000x128xf32, #tpu.memory_space<hbm>>) target(%arg8 : memref<128x128xf32, #tpu.memory_space<vmem>>) offsets(%dma_start3A_20 : memref<128xi32, #tpu.memory_space<vmem>>) semaphore(%arg11 : memref<!tpu.dma_semaphore, #tpu.memory_space<semaphore_mem>>)
    %dma_start3A_24 = arith.constant 1 : i32
    %dma_start3A_25 = arith.constant 0 : i32
    %dma_start3A_26 = tpu.memref_slice %arg6[%dma_start3A_24, %dma_start3A_25] : memref<40x128xi32, #tpu.memory_space<vmem>> -> memref<1x128xi32, #tpu.memory_space<vmem>>
    %dma_start3A_27 = tpu.memref_squeeze %dma_start3A_26 : memref<1x128xi32, #tpu.memory_space<vmem>> -> memref<128xi32, #tpu.memory_space<vmem>>
    %dma_start3A_28 = arith.constant 0 : i32
    %dma_start3A_29 = arith.constant 0 : i32
    %dma_start3A_30 = tpu.memref_slice %arg2[%dma_start3A_28, %dma_start3A_29] : memref<10000x128xf32, #tpu.memory_space<hbm>> -> memref<10000x128xf32, #tpu.memory_space<hbm>>
    tpu.enqueue_indirect_dma source(%dma_start3A_30 : memref<10000x128xf32, #tpu.memory_space<hbm>>) target(%arg9 : memref<128x128xf32, #tpu.memory_space<vmem>>) offsets(%dma_start3A_27 : memref<128xi32, #tpu.memory_space<vmem>>) semaphore(%arg12 : memref<!tpu.dma_semaphore, #tpu.memory_space<semaphore_mem>>)
    %scan3A_31 = arith.constant 0 : i32
    %scan3A_32 = arith.constant 20 : i32
    %scan3A_33 = arith.addi %scan3A_31, %scan3A_32 : i32
    %scan3A_34 = arith.constant 1 : i32
    scf.for %scan3A_68 = %scan3A_31 to %scan3A_33 step %scan3A_34  : i32 {
      %mul3A_69 = arith.constant 2 : i32
      %mul3A_70 = arith.muli %scan3A_68, %mul3A_69 : i32
      %add3A_71 = arith.constant 0 : i32
      %add3A_72 = arith.addi %add3A_71, %mul3A_70 : i32
      %dma_wait3A = arith.constant 0 : i32
      %dma_wait3A_73 = tpu.memref_slice %arg6[%add3A_72, %dma_wait3A] : memref<40x128xi32, #tpu.memory_space<vmem>> -> memref<1x128xi32, #tpu.memory_space<vmem>>
      %dma_wait3A_74 = tpu.memref_squeeze %dma_wait3A_73 : memref<1x128xi32, #tpu.memory_space<vmem>> -> memref<128xi32, #tpu.memory_space<vmem>>
      %dma_wait3A_75 = arith.constant 0 : i32
      %dma_wait3A_76 = arith.constant 0 : i32
      %dma_wait3A_77 = tpu.memref_slice %arg2[%dma_wait3A_75, %dma_wait3A_76] : memref<10000x128xf32, #tpu.memory_space<hbm>> -> memref<10000x128xf32, #tpu.memory_space<hbm>>
      tpu.wait_indirect_dma semaphore(%arg11 : memref<!tpu.dma_semaphore, #tpu.memory_space<semaphore_mem>>) src(%dma_wait3A_77 : memref<10000x128xf32, #tpu.memory_space<hbm>>) dst(%arg8 : memref<128x128xf32, #tpu.memory_space<vmem>>)
      "tpu.region"() ({
        %run_scoped3A = tpu.sem_alloc : memref<!tpu.dma_semaphore, #tpu.memory_space<semaphore_mem>>
        %dma_start3A_99 = arith.constant 0 : i32
        %dma_start3A_100 = tpu.memref_slice %arg7[%add3A_72, %dma_start3A_99] : memref<40x128xi32, #tpu.memory_space<vmem>> -> memref<1x128xi32, #tpu.memory_space<vmem>>
        %dma_start3A_101 = tpu.memref_squeeze %dma_start3A_100 : memref<1x128xi32, #tpu.memory_space<vmem>> -> memref<128xi32, #tpu.memory_space<vmem>>
        %dma_start3A_102 = arith.constant 0 : i32
        %dma_start3A_103 = arith.constant 0 : i32
        %dma_start3A_104 = tpu.memref_slice %arg10[%dma_start3A_102, %dma_start3A_103] : memref<10240x128xf32, #tpu.memory_space<vmem_shared>> -> memref<10240x128xf32, #tpu.memory_space<vmem_shared>>
        tpu.enqueue_indirect_dma source(%arg8 : memref<128x128xf32, #tpu.memory_space<vmem>>) target(%dma_start3A_104 : memref<10240x128xf32, #tpu.memory_space<vmem_shared>>) offsets(%dma_start3A_101 : memref<128xi32, #tpu.memory_space<vmem>>) semaphore(%run_scoped3A : memref<!tpu.dma_semaphore, #tpu.memory_space<semaphore_mem>>) {add = true}
        %dma_wait3A_105 = arith.constant 0 : i32
        %dma_wait3A_106 = tpu.memref_slice %arg7[%add3A_72, %dma_wait3A_105] : memref<40x128xi32, #tpu.memory_space<vmem>> -> memref<1x128xi32, #tpu.memory_space<vmem>>
        %dma_wait3A_107 = tpu.memref_squeeze %dma_wait3A_106 : memref<1x128xi32, #tpu.memory_space<vmem>> -> memref<128xi32, #tpu.memory_space<vmem>>
        %dma_wait3A_108 = arith.constant 0 : i32
        %dma_wait3A_109 = arith.constant 0 : i32
        %dma_wait3A_110 = tpu.memref_slice %arg10[%dma_wait3A_108, %dma_wait3A_109] : memref<10240x128xf32, #tpu.memory_space<vmem_shared>> -> memref<10240x128xf32, #tpu.memory_space<vmem_shared>>
        tpu.wait_indirect_dma semaphore(%run_scoped3A : memref<!tpu.dma_semaphore, #tpu.memory_space<semaphore_mem>>) src(%arg8 : memref<128x128xf32, #tpu.memory_space<vmem>>) dst(%dma_wait3A_110 : memref<10240x128xf32, #tpu.memory_space<vmem_shared>>)
        tpu.yield
      }) : () -> ()
      %add3A_78 = arith.constant 2 : i32
      %add3A_79 = arith.addi %add3A_72, %add3A_78 : i32
      %lt3A = arith.constant 40 : i32
      %lt3A_80 = arith.cmpi slt, %add3A_79, %lt3A : i32
      %convert_element_type3A = arith.extui %lt3A_80 : i1 to i32
      %cond3A = arith.constant 0 : i32
      %cond3A_81 = arith.cmpi ne, %convert_element_type3A, %cond3A : i32
      scf.if %cond3A_81 {
        %add3A_99 = arith.constant 2 : i32
        %add3A_100 = arith.addi %add3A_72, %add3A_99 : i32
        %dma_start3A_101 = arith.constant 0 : i32
        %dma_start3A_102 = tpu.memref_slice %arg6[%add3A_100, %dma_start3A_101] : memref<40x128xi32, #tpu.memory_space<vmem>> -> memref<1x128xi32, #tpu.memory_space<vmem>>
        %dma_start3A_103 = tpu.memref_squeeze %dma_start3A_102 : memref<1x128xi32, #tpu.memory_space<vmem>> -> memref<128xi32, #tpu.memory_space<vmem>>
        %dma_start3A_104 = arith.constant 0 : i32
        %dma_start3A_105 = arith.constant 0 : i32
        %dma_start3A_106 = tpu.memref_slice %arg2[%dma_start3A_104, %dma_start3A_105] : memref<10000x128xf32, #tpu.memory_space<hbm>> -> memref<10000x128xf32, #tpu.memory_space<hbm>>
        tpu.enqueue_indirect_dma source(%dma_start3A_106 : memref<10000x128xf32, #tpu.memory_space<hbm>>) target(%arg8 : memref<128x128xf32, #tpu.memory_space<vmem>>) offsets(%dma_start3A_103 : memref<128xi32, #tpu.memory_space<vmem>>) semaphore(%arg11 : memref<!tpu.dma_semaphore, #tpu.memory_space<semaphore_mem>>)
      } else {
      }
      %add3A_82 = arith.constant 1 : i32
      %add3A_83 = arith.addi %add3A_72, %add3A_82 : i32
      %dma_wait3A_84 = arith.constant 0 : i32
      %dma_wait3A_85 = tpu.memref_slice %arg6[%add3A_83, %dma_wait3A_84] : memref<40x128xi32, #tpu.memory_space<vmem>> -> memref<1x128xi32, #tpu.memory_space<vmem>>
      %dma_wait3A_86 = tpu.memref_squeeze %dma_wait3A_85 : memref<1x128xi32, #tpu.memory_space<vmem>> -> memref<128xi32, #tpu.memory_space<vmem>>
      %dma_wait3A_87 = arith.constant 0 : i32
      %dma_wait3A_88 = arith.constant 0 : i32
      %dma_wait3A_89 = tpu.memref_slice %arg2[%dma_wait3A_87, %dma_wait3A_88] : memref<10000x128xf32, #tpu.memory_space<hbm>> -> memref<10000x128xf32, #tpu.memory_space<hbm>>
      tpu.wait_indirect_dma semaphore(%arg12 : memref<!tpu.dma_semaphore, #tpu.memory_space<semaphore_mem>>) src(%dma_wait3A_89 : memref<10000x128xf32, #tpu.memory_space<hbm>>) dst(%arg9 : memref<128x128xf32, #tpu.memory_space<vmem>>)
      %add3A_90 = arith.constant 1 : i32
      %add3A_91 = arith.addi %add3A_72, %add3A_90 : i32
      "tpu.region"() ({
        %run_scoped3A = tpu.sem_alloc : memref<!tpu.dma_semaphore, #tpu.memory_space<semaphore_mem>>
        %dma_start3A_99 = arith.constant 0 : i32
        %dma_start3A_100 = tpu.memref_slice %arg7[%add3A_91, %dma_start3A_99] : memref<40x128xi32, #tpu.memory_space<vmem>> -> memref<1x128xi32, #tpu.memory_space<vmem>>
        %dma_start3A_101 = tpu.memref_squeeze %dma_start3A_100 : memref<1x128xi32, #tpu.memory_space<vmem>> -> memref<128xi32, #tpu.memory_space<vmem>>
        %dma_start3A_102 = arith.constant 0 : i32
        %dma_start3A_103 = arith.constant 0 : i32
        %dma_start3A_104 = tpu.memref_slice %arg10[%dma_start3A_102, %dma_start3A_103] : memref<10240x128xf32, #tpu.memory_space<vmem_shared>> -> memref<10240x128xf32, #tpu.memory_space<vmem_shared>>
        tpu.enqueue_indirect_dma source(%arg9 : memref<128x128xf32, #tpu.memory_space<vmem>>) target(%dma_start3A_104 : memref<10240x128xf32, #tpu.memory_space<vmem_shared>>) offsets(%dma_start3A_101 : memref<128xi32, #tpu.memory_space<vmem>>) semaphore(%run_scoped3A : memref<!tpu.dma_semaphore, #tpu.memory_space<semaphore_mem>>) {add = true}
        %dma_wait3A_105 = arith.constant 0 : i32
        %dma_wait3A_106 = tpu.memref_slice %arg7[%add3A_91, %dma_wait3A_105] : memref<40x128xi32, #tpu.memory_space<vmem>> -> memref<1x128xi32, #tpu.memory_space<vmem>>
        %dma_wait3A_107 = tpu.memref_squeeze %dma_wait3A_106 : memref<1x128xi32, #tpu.memory_space<vmem>> -> memref<128xi32, #tpu.memory_space<vmem>>
        %dma_wait3A_108 = arith.constant 0 : i32
        %dma_wait3A_109 = arith.constant 0 : i32
        %dma_wait3A_110 = tpu.memref_slice %arg10[%dma_wait3A_108, %dma_wait3A_109] : memref<10240x128xf32, #tpu.memory_space<vmem_shared>> -> memref<10240x128xf32, #tpu.memory_space<vmem_shared>>
        tpu.wait_indirect_dma semaphore(%run_scoped3A : memref<!tpu.dma_semaphore, #tpu.memory_space<semaphore_mem>>) src(%arg9 : memref<128x128xf32, #tpu.memory_space<vmem>>) dst(%dma_wait3A_110 : memref<10240x128xf32, #tpu.memory_space<vmem_shared>>)
        tpu.yield
      }) : () -> ()
      %add3A_92 = arith.constant 3 : i32
      %add3A_93 = arith.addi %add3A_72, %add3A_92 : i32
      %lt3A_94 = arith.constant 40 : i32
      %lt3A_95 = arith.cmpi slt, %add3A_93, %lt3A_94 : i32
      %convert_element_type3A_96 = arith.extui %lt3A_95 : i1 to i32
      %cond3A_97 = arith.constant 0 : i32
      %cond3A_98 = arith.cmpi ne, %convert_element_type3A_96, %cond3A_97 : i32
      scf.if %cond3A_98 {
        %add3A_99 = arith.constant 3 : i32
        %add3A_100 = arith.addi %add3A_72, %add3A_99 : i32
        %dma_start3A_101 = arith.constant 0 : i32
        %dma_start3A_102 = tpu.memref_slice %arg6[%add3A_100, %dma_start3A_101] : memref<40x128xi32, #tpu.memory_space<vmem>> -> memref<1x128xi32, #tpu.memory_space<vmem>>
        %dma_start3A_103 = tpu.memref_squeeze %dma_start3A_102 : memref<1x128xi32, #tpu.memory_space<vmem>> -> memref<128xi32, #tpu.memory_space<vmem>>
        %dma_start3A_104 = arith.constant 0 : i32
        %dma_start3A_105 = arith.constant 0 : i32
        %dma_start3A_106 = tpu.memref_slice %arg2[%dma_start3A_104, %dma_start3A_105] : memref<10000x128xf32, #tpu.memory_space<hbm>> -> memref<10000x128xf32, #tpu.memory_space<hbm>>
        tpu.enqueue_indirect_dma source(%dma_start3A_106 : memref<10000x128xf32, #tpu.memory_space<hbm>>) target(%arg9 : memref<128x128xf32, #tpu.memory_space<vmem>>) offsets(%dma_start3A_103 : memref<128xi32, #tpu.memory_space<vmem>>) semaphore(%arg12 : memref<!tpu.dma_semaphore, #tpu.memory_space<semaphore_mem>>)
      } else {
      }
    }
    %scan3A_35 = arith.constant 20 : i32
    %mul3A_36 = arith.constant 80 : i32
    %mul3A_37 = arith.muli %add3A, %mul3A_36 : i32
    %add3A_38 = arith.constant 40 : i32
    %add3A_39 = arith.addi %mul3A_37, %add3A_38 : i32
    "tpu.region"() ({
      %run_scoped3A = tpu.sem_alloc : memref<!tpu.dma_semaphore, #tpu.memory_space<semaphore_mem>>
      %dma_start3A_68 = arith.constant 0 : i32
      %dma_start3A_69 = tpu.memref_slice %arg3[%add3A_39, %dma_start3A_68] : memref<2560x128xi32, #tpu.memory_space<hbm>> -> memref<40x128xi32, #tpu.memory_space<hbm>>
      %dma_start3A_70 = arith.constant 0 : i32
      %dma_start3A_71 = tpu.memref_slice %arg3[%add3A_39, %dma_start3A_70] : memref<2560x128xi32, #tpu.memory_space<hbm>> -> memref<40x128xi32, #tpu.memory_space<hbm>>
      tpu.enqueue_dma source(%dma_start3A_71 : memref<40x128xi32, #tpu.memory_space<hbm>>) target(%arg6 : memref<40x128xi32, #tpu.memory_space<vmem>>) target_semaphore(%run_scoped3A : memref<!tpu.dma_semaphore, #tpu.memory_space<semaphore_mem>>)
      %dma_wait3A = arith.constant 0 : i32
      %dma_wait3A_72 = tpu.memref_slice %arg3[%add3A_39, %dma_wait3A] : memref<2560x128xi32, #tpu.memory_space<hbm>> -> memref<40x128xi32, #tpu.memory_space<hbm>>
      %dma_wait3A_73 = arith.constant 0 : i32
      %dma_wait3A_74 = tpu.memref_slice %arg3[%add3A_39, %dma_wait3A_73] : memref<2560x128xi32, #tpu.memory_space<hbm>> -> memref<40x128xi32, #tpu.memory_space<hbm>>
      tpu.wait_dma2 semaphore(%run_scoped3A : memref<!tpu.dma_semaphore, #tpu.memory_space<semaphore_mem>>) src(%dma_wait3A_74 : memref<40x128xi32, #tpu.memory_space<hbm>>) dst(%arg6 : memref<40x128xi32, #tpu.memory_space<vmem>>)
      tpu.yield
    }) : () -> ()
    %mul3A_40 = arith.constant 80 : i32
    %mul3A_41 = arith.muli %add3A, %mul3A_40 : i32
    %add3A_42 = arith.constant 40 : i32
    %add3A_43 = arith.addi %mul3A_41, %add3A_42 : i32
    "tpu.region"() ({
      %run_scoped3A = tpu.sem_alloc : memref<!tpu.dma_semaphore, #tpu.memory_space<semaphore_mem>>
      %dma_start3A_68 = arith.constant 0 : i32
      %dma_start3A_69 = tpu.memref_slice %arg4[%add3A_43, %dma_start3A_68] : memref<2560x128xi32, #tpu.memory_space<hbm>> -> memref<40x128xi32, #tpu.memory_space<hbm>>
      %dma_start3A_70 = arith.constant 0 : i32
      %dma_start3A_71 = tpu.memref_slice %arg4[%add3A_43, %dma_start3A_70] : memref<2560x128xi32, #tpu.memory_space<hbm>> -> memref<40x128xi32, #tpu.memory_space<hbm>>
      tpu.enqueue_dma source(%dma_start3A_71 : memref<40x128xi32, #tpu.memory_space<hbm>>) target(%arg7 : memref<40x128xi32, #tpu.memory_space<vmem>>) target_semaphore(%run_scoped3A : memref<!tpu.dma_semaphore, #tpu.memory_space<semaphore_mem>>)
      %dma_wait3A = arith.constant 0 : i32
      %dma_wait3A_72 = tpu.memref_slice %arg4[%add3A_43, %dma_wait3A] : memref<2560x128xi32, #tpu.memory_space<hbm>> -> memref<40x128xi32, #tpu.memory_space<hbm>>
      %dma_wait3A_73 = arith.constant 0 : i32
      %dma_wait3A_74 = tpu.memref_slice %arg4[%add3A_43, %dma_wait3A_73] : memref<2560x128xi32, #tpu.memory_space<hbm>> -> memref<40x128xi32, #tpu.memory_space<hbm>>
      tpu.wait_dma2 semaphore(%run_scoped3A : memref<!tpu.dma_semaphore, #tpu.memory_space<semaphore_mem>>) src(%dma_wait3A_74 : memref<40x128xi32, #tpu.memory_space<hbm>>) dst(%arg7 : memref<40x128xi32, #tpu.memory_space<vmem>>)
      tpu.yield
    }) : () -> ()
    %dma_start3A_44 = arith.constant 0 : i32
    %dma_start3A_45 = arith.constant 0 : i32
    %dma_start3A_46 = tpu.memref_slice %arg6[%dma_start3A_44, %dma_start3A_45] : memref<40x128xi32, #tpu.memory_space<vmem>> -> memref<1x128xi32, #tpu.memory_space<vmem>>
    %dma_start3A_47 = tpu.memref_squeeze %dma_start3A_46 : memref<1x128xi32, #tpu.memory_space<vmem>> -> memref<128xi32, #tpu.memory_space<vmem>>
    %dma_start3A_48 = arith.constant 0 : i32
    %dma_start3A_49 = arith.constant 0 : i32
    %dma_start3A_50 = tpu.memref_slice %arg2[%dma_start3A_48, %dma_start3A_49] : memref<10000x128xf32, #tpu.memory_space<hbm>> -> memref<10000x128xf32, #tpu.memory_space<hbm>>
    tpu.enqueue_indirect_dma source(%dma_start3A_50 : memref<10000x128xf32, #tpu.memory_space<hbm>>) target(%arg8 : memref<128x128xf32, #tpu.memory_space<vmem>>) offsets(%dma_start3A_47 : memref<128xi32, #tpu.memory_space<vmem>>) semaphore(%arg11 : memref<!tpu.dma_semaphore, #tpu.memory_space<semaphore_mem>>)
    %dma_start3A_51 = arith.constant 1 : i32
    %dma_start3A_52 = arith.constant 0 : i32
    %dma_start3A_53 = tpu.memref_slice %arg6[%dma_start3A_51, %dma_start3A_52] : memref<40x128xi32, #tpu.memory_space<vmem>> -> memref<1x128xi32, #tpu.memory_space<vmem>>
    %dma_start3A_54 = tpu.memref_squeeze %dma_start3A_53 : memref<1x128xi32, #tpu.memory_space<vmem>> -> memref<128xi32, #tpu.memory_space<vmem>>
    %dma_start3A_55 = arith.constant 0 : i32
    %dma_start3A_56 = arith.constant 0 : i32
    %dma_start3A_57 = tpu.memref_slice %arg2[%dma_start3A_55, %dma_start3A_56] : memref<10000x128xf32, #tpu.memory_space<hbm>> -> memref<10000x128xf32, #tpu.memory_space<hbm>>
    tpu.enqueue_indirect_dma source(%dma_start3A_57 : memref<10000x128xf32, #tpu.memory_space<hbm>>) target(%arg9 : memref<128x128xf32, #tpu.memory_space<vmem>>) offsets(%dma_start3A_54 : memref<128xi32, #tpu.memory_space<vmem>>) semaphore(%arg12 : memref<!tpu.dma_semaphore, #tpu.memory_space<semaphore_mem>>)
    %scan3A_58 = arith.constant 0 : i32
    %scan3A_59 = arith.constant 20 : i32
    %scan3A_60 = arith.addi %scan3A_58, %scan3A_59 : i32
    %scan3A_61 = arith.constant 1 : i32
    scf.for %scan3A_68 = %scan3A_58 to %scan3A_60 step %scan3A_61  : i32 {
      %mul3A_69 = arith.constant 2 : i32
      %mul3A_70 = arith.muli %scan3A_68, %mul3A_69 : i32
      %add3A_71 = arith.constant 0 : i32
      %add3A_72 = arith.addi %add3A_71, %mul3A_70 : i32
      %dma_wait3A = arith.constant 0 : i32
      %dma_wait3A_73 = tpu.memref_slice %arg6[%add3A_72, %dma_wait3A] : memref<40x128xi32, #tpu.memory_space<vmem>> -> memref<1x128xi32, #tpu.memory_space<vmem>>
      %dma_wait3A_74 = tpu.memref_squeeze %dma_wait3A_73 : memref<1x128xi32, #tpu.memory_space<vmem>> -> memref<128xi32, #tpu.memory_space<vmem>>
      %dma_wait3A_75 = arith.constant 0 : i32
      %dma_wait3A_76 = arith.constant 0 : i32
      %dma_wait3A_77 = tpu.memref_slice %arg2[%dma_wait3A_75, %dma_wait3A_76] : memref<10000x128xf32, #tpu.memory_space<hbm>> -> memref<10000x128xf32, #tpu.memory_space<hbm>>
      tpu.wait_indirect_dma semaphore(%arg11 : memref<!tpu.dma_semaphore, #tpu.memory_space<semaphore_mem>>) src(%dma_wait3A_77 : memref<10000x128xf32, #tpu.memory_space<hbm>>) dst(%arg8 : memref<128x128xf32, #tpu.memory_space<vmem>>)
      "tpu.region"() ({
        %run_scoped3A = tpu.sem_alloc : memref<!tpu.dma_semaphore, #tpu.memory_space<semaphore_mem>>
        %dma_start3A_99 = arith.constant 0 : i32
        %dma_start3A_100 = tpu.memref_slice %arg7[%add3A_72, %dma_start3A_99] : memref<40x128xi32, #tpu.memory_space<vmem>> -> memref<1x128xi32, #tpu.memory_space<vmem>>
        %dma_start3A_101 = tpu.memref_squeeze %dma_start3A_100 : memref<1x128xi32, #tpu.memory_space<vmem>> -> memref<128xi32, #tpu.memory_space<vmem>>
        %dma_start3A_102 = arith.constant 0 : i32
        %dma_start3A_103 = arith.constant 0 : i32
        %dma_start3A_104 = tpu.memref_slice %arg10[%dma_start3A_102, %dma_start3A_103] : memref<10240x128xf32, #tpu.memory_space<vmem_shared>> -> memref<10240x128xf32, #tpu.memory_space<vmem_shared>>
        tpu.enqueue_indirect_dma source(%arg8 : memref<128x128xf32, #tpu.memory_space<vmem>>) target(%dma_start3A_104 : memref<10240x128xf32, #tpu.memory_space<vmem_shared>>) offsets(%dma_start3A_101 : memref<128xi32, #tpu.memory_space<vmem>>) semaphore(%run_scoped3A : memref<!tpu.dma_semaphore, #tpu.memory_space<semaphore_mem>>) {add = true}
        %dma_wait3A_105 = arith.constant 0 : i32
        %dma_wait3A_106 = tpu.memref_slice %arg7[%add3A_72, %dma_wait3A_105] : memref<40x128xi32, #tpu.memory_space<vmem>> -> memref<1x128xi32, #tpu.memory_space<vmem>>
        %dma_wait3A_107 = tpu.memref_squeeze %dma_wait3A_106 : memref<1x128xi32, #tpu.memory_space<vmem>> -> memref<128xi32, #tpu.memory_space<vmem>>
        %dma_wait3A_108 = arith.constant 0 : i32
        %dma_wait3A_109 = arith.constant 0 : i32
        %dma_wait3A_110 = tpu.memref_slice %arg10[%dma_wait3A_108, %dma_wait3A_109] : memref<10240x128xf32, #tpu.memory_space<vmem_shared>> -> memref<10240x128xf32, #tpu.memory_space<vmem_shared>>
        tpu.wait_indirect_dma semaphore(%run_scoped3A : memref<!tpu.dma_semaphore, #tpu.memory_space<semaphore_mem>>) src(%arg8 : memref<128x128xf32, #tpu.memory_space<vmem>>) dst(%dma_wait3A_110 : memref<10240x128xf32, #tpu.memory_space<vmem_shared>>)
        tpu.yield
      }) : () -> ()
      %add3A_78 = arith.constant 2 : i32
      %add3A_79 = arith.addi %add3A_72, %add3A_78 : i32
      %lt3A = arith.constant 40 : i32
      %lt3A_80 = arith.cmpi slt, %add3A_79, %lt3A : i32
      %convert_element_type3A = arith.extui %lt3A_80 : i1 to i32
      %cond3A = arith.constant 0 : i32
      %cond3A_81 = arith.cmpi ne, %convert_element_type3A, %cond3A : i32
      scf.if %cond3A_81 {
        %add3A_99 = arith.constant 2 : i32
        %add3A_100 = arith.addi %add3A_72, %add3A_99 : i32
        %dma_start3A_101 = arith.constant 0 : i32
        %dma_start3A_102 = tpu.memref_slice %arg6[%add3A_100, %dma_start3A_101] : memref<40x128xi32, #tpu.memory_space<vmem>> -> memref<1x128xi32, #tpu.memory_space<vmem>>
        %dma_start3A_103 = tpu.memref_squeeze %dma_start3A_102 : memref<1x128xi32, #tpu.memory_space<vmem>> -> memref<128xi32, #tpu.memory_space<vmem>>
        %dma_start3A_104 = arith.constant 0 : i32
        %dma_start3A_105 = arith.constant 0 : i32
        %dma_start3A_106 = tpu.memref_slice %arg2[%dma_start3A_104, %dma_start3A_105] : memref<10000x128xf32, #tpu.memory_space<hbm>> -> memref<10000x128xf32, #tpu.memory_space<hbm>>
        tpu.enqueue_indirect_dma source(%dma_start3A_106 : memref<10000x128xf32, #tpu.memory_space<hbm>>) target(%arg8 : memref<128x128xf32, #tpu.memory_space<vmem>>) offsets(%dma_start3A_103 : memref<128xi32, #tpu.memory_space<vmem>>) semaphore(%arg11 : memref<!tpu.dma_semaphore, #tpu.memory_space<semaphore_mem>>)
      } else {
      }
      %add3A_82 = arith.constant 1 : i32
      %add3A_83 = arith.addi %add3A_72, %add3A_82 : i32
      %dma_wait3A_84 = arith.constant 0 : i32
      %dma_wait3A_85 = tpu.memref_slice %arg6[%add3A_83, %dma_wait3A_84] : memref<40x128xi32, #tpu.memory_space<vmem>> -> memref<1x128xi32, #tpu.memory_space<vmem>>
      %dma_wait3A_86 = tpu.memref_squeeze %dma_wait3A_85 : memref<1x128xi32, #tpu.memory_space<vmem>> -> memref<128xi32, #tpu.memory_space<vmem>>
      %dma_wait3A_87 = arith.constant 0 : i32
      %dma_wait3A_88 = arith.constant 0 : i32
      %dma_wait3A_89 = tpu.memref_slice %arg2[%dma_wait3A_87, %dma_wait3A_88] : memref<10000x128xf32, #tpu.memory_space<hbm>> -> memref<10000x128xf32, #tpu.memory_space<hbm>>
      tpu.wait_indirect_dma semaphore(%arg12 : memref<!tpu.dma_semaphore, #tpu.memory_space<semaphore_mem>>) src(%dma_wait3A_89 : memref<10000x128xf32, #tpu.memory_space<hbm>>) dst(%arg9 : memref<128x128xf32, #tpu.memory_space<vmem>>)
      %add3A_90 = arith.constant 1 : i32
      %add3A_91 = arith.addi %add3A_72, %add3A_90 : i32
      "tpu.region"() ({
        %run_scoped3A = tpu.sem_alloc : memref<!tpu.dma_semaphore, #tpu.memory_space<semaphore_mem>>
        %dma_start3A_99 = arith.constant 0 : i32
        %dma_start3A_100 = tpu.memref_slice %arg7[%add3A_91, %dma_start3A_99] : memref<40x128xi32, #tpu.memory_space<vmem>> -> memref<1x128xi32, #tpu.memory_space<vmem>>
        %dma_start3A_101 = tpu.memref_squeeze %dma_start3A_100 : memref<1x128xi32, #tpu.memory_space<vmem>> -> memref<128xi32, #tpu.memory_space<vmem>>
        %dma_start3A_102 = arith.constant 0 : i32
        %dma_start3A_103 = arith.constant 0 : i32
        %dma_start3A_104 = tpu.memref_slice %arg10[%dma_start3A_102, %dma_start3A_103] : memref<10240x128xf32, #tpu.memory_space<vmem_shared>> -> memref<10240x128xf32, #tpu.memory_space<vmem_shared>>
        tpu.enqueue_indirect_dma source(%arg9 : memref<128x128xf32, #tpu.memory_space<vmem>>) target(%dma_start3A_104 : memref<10240x128xf32, #tpu.memory_space<vmem_shared>>) offsets(%dma_start3A_101 : memref<128xi32, #tpu.memory_space<vmem>>) semaphore(%run_scoped3A : memref<!tpu.dma_semaphore, #tpu.memory_space<semaphore_mem>>) {add = true}
        %dma_wait3A_105 = arith.constant 0 : i32
        %dma_wait3A_106 = tpu.memref_slice %arg7[%add3A_91, %dma_wait3A_105] : memref<40x128xi32, #tpu.memory_space<vmem>> -> memref<1x128xi32, #tpu.memory_space<vmem>>
        %dma_wait3A_107 = tpu.memref_squeeze %dma_wait3A_106 : memref<1x128xi32, #tpu.memory_space<vmem>> -> memref<128xi32, #tpu.memory_space<vmem>>
        %dma_wait3A_108 = arith.constant 0 : i32
        %dma_wait3A_109 = arith.constant 0 : i32
        %dma_wait3A_110 = tpu.memref_slice %arg10[%dma_wait3A_108, %dma_wait3A_109] : memref<10240x128xf32, #tpu.memory_space<vmem_shared>> -> memref<10240x128xf32, #tpu.memory_space<vmem_shared>>
        tpu.wait_indirect_dma semaphore(%run_scoped3A : memref<!tpu.dma_semaphore, #tpu.memory_space<semaphore_mem>>) src(%arg9 : memref<128x128xf32, #tpu.memory_space<vmem>>) dst(%dma_wait3A_110 : memref<10240x128xf32, #tpu.memory_space<vmem_shared>>)
        tpu.yield
      }) : () -> ()
      %add3A_92 = arith.constant 3 : i32
      %add3A_93 = arith.addi %add3A_72, %add3A_92 : i32
      %lt3A_94 = arith.constant 40 : i32
      %lt3A_95 = arith.cmpi slt, %add3A_93, %lt3A_94 : i32
      %convert_element_type3A_96 = arith.extui %lt3A_95 : i1 to i32
      %cond3A_97 = arith.constant 0 : i32
      %cond3A_98 = arith.cmpi ne, %convert_element_type3A_96, %cond3A_97 : i32
      scf.if %cond3A_98 {
        %add3A_99 = arith.constant 3 : i32
        %add3A_100 = arith.addi %add3A_72, %add3A_99 : i32
        %dma_start3A_101 = arith.constant 0 : i32
        %dma_start3A_102 = tpu.memref_slice %arg6[%add3A_100, %dma_start3A_101] : memref<40x128xi32, #tpu.memory_space<vmem>> -> memref<1x128xi32, #tpu.memory_space<vmem>>
        %dma_start3A_103 = tpu.memref_squeeze %dma_start3A_102 : memref<1x128xi32, #tpu.memory_space<vmem>> -> memref<128xi32, #tpu.memory_space<vmem>>
        %dma_start3A_104 = arith.constant 0 : i32
        %dma_start3A_105 = arith.constant 0 : i32
        %dma_start3A_106 = tpu.memref_slice %arg2[%dma_start3A_104, %dma_start3A_105] : memref<10000x128xf32, #tpu.memory_space<hbm>> -> memref<10000x128xf32, #tpu.memory_space<hbm>>
        tpu.enqueue_indirect_dma source(%dma_start3A_106 : memref<10000x128xf32, #tpu.memory_space<hbm>>) target(%arg9 : memref<128x128xf32, #tpu.memory_space<vmem>>) offsets(%dma_start3A_103 : memref<128xi32, #tpu.memory_space<vmem>>) semaphore(%arg12 : memref<!tpu.dma_semaphore, #tpu.memory_space<semaphore_mem>>)
      } else {
      }
    }
    %scan3A_62 = arith.constant 20 : i32
    %barrier3A_63 = arith.constant 0 : index
    tpu.barrier barrier_id(%barrier3A_63)
    %mul3A_64 = arith.constant 640 : i32
    %mul3A_65 = arith.muli %arg1, %mul3A_64 : i32
    %mul3A_66 = arith.constant 640 : i32
    %mul3A_67 = arith.muli %arg1, %mul3A_66 : i32
    "tpu.region"() ({
      %run_scoped3A = tpu.sem_alloc : memref<!tpu.dma_semaphore, #tpu.memory_space<semaphore_mem>>
      %dma_start3A_68 = arith.constant 0 : i32
      %dma_start3A_69 = tpu.memref_slice %arg5[%arg0, %mul3A_67, %dma_start3A_68] : memref<2x10240x128xf32, #tpu.memory_space<hbm>> -> memref<1x640x128xf32, #tpu.memory_space<hbm>>
      %dma_start3A_70 = tpu.memref_squeeze %dma_start3A_69 : memref<1x640x128xf32, #tpu.memory_space<hbm>> -> memref<640x128xf32, #tpu.memory_space<hbm>>
      %dma_start3A_71 = arith.constant 0 : i32
      %dma_start3A_72 = tpu.memref_slice %arg10[%mul3A_65, %dma_start3A_71] : memref<10240x128xf32, #tpu.memory_space<vmem_shared>> -> memref<640x128xf32, #tpu.memory_space<vmem_shared>>
      tpu.enqueue_dma source(%dma_start3A_72 : memref<640x128xf32, #tpu.memory_space<vmem_shared>>) target(%dma_start3A_70 : memref<640x128xf32, #tpu.memory_space<hbm>>) target_semaphore(%run_scoped3A : memref<!tpu.dma_semaphore, #tpu.memory_space<semaphore_mem>>)
      %dma_wait3A = arith.constant 0 : i32
      %dma_wait3A_73 = tpu.memref_slice %arg5[%arg0, %mul3A_67, %dma_wait3A] : memref<2x10240x128xf32, #tpu.memory_space<hbm>> -> memref<1x640x128xf32, #tpu.memory_space<hbm>>
      %dma_wait3A_74 = tpu.memref_squeeze %dma_wait3A_73 : memref<1x640x128xf32, #tpu.memory_space<hbm>> -> memref<640x128xf32, #tpu.memory_space<hbm>>
      %dma_wait3A_75 = arith.constant 0 : i32
      %dma_wait3A_76 = tpu.memref_slice %arg10[%mul3A_65, %dma_wait3A_75] : memref<10240x128xf32, #tpu.memory_space<vmem_shared>> -> memref<640x128xf32, #tpu.memory_space<vmem_shared>>
      tpu.wait_dma2 semaphore(%run_scoped3A : memref<!tpu.dma_semaphore, #tpu.memory_space<semaphore_mem>>) src(%dma_wait3A_76 : memref<640x128xf32, #tpu.memory_space<vmem_shared>>) dst(%dma_wait3A_74 : memref<640x128xf32, #tpu.memory_space<hbm>>)
      tpu.yield
    }) : () -> ()
    return
  }
}

#map = affine_map<(d0, d1) -> (0, 0)>
#map1 = affine_map<(d0, d1) -> (0, 0, 0)>
module attributes {stable_mosaic.version = 14 : i64} {
  func.func @agg(%arg0: i32, %arg1: i32, %arg2: memref<10000x128xf32, #tpu.memory_space<hbm>>, %arg3: memref<2560x128xi32, #tpu.memory_space<hbm>>, %arg4: memref<2560x128xi32, #tpu.memory_space<hbm>>, %arg5: memref<2x10240x128xf32, #tpu.memory_space<hbm>>, %arg6: memref<40x128xi32, #tpu.memory_space<vmem>>, %arg7: memref<40x128xi32, #tpu.memory_space<vmem>>, %arg8: memref<128x128xf32, #tpu.memory_space<vmem>>, %arg9: memref<128x128xf32, #tpu.memory_space<vmem>>, %arg10: memref<10240x128xf32, #tpu.memory_space<vmem_shared>>, %arg11: memref<!tpu.dma_semaphore, #tpu.memory_space<semaphore_mem>>, %arg12: memref<!tpu.dma_semaphore, #tpu.memory_space<semaphore_mem>>) attributes {dimension_semantics = [#tpu.dimension_semantics<core_parallel>, #tpu.dimension_semantics<subcore_parallel>], iteration_bounds = array<i64: 2, 16>, scalar_prefetch = 0 : i64, scratch_operands = 7 : i64, tpu.core_type = #tpu.core_type<sc_vector_subcore>, window_params = [{transform_indices = #map}, {transform_indices = #map}, {transform_indices = #map}, {transform_indices = #map1}]} {
    %mul3A = arith.constant 16 : i32
    %mul3A_0 = arith.muli %arg0, %mul3A : i32
    %add3A = arith.addi %mul3A_0, %arg1 : i32
    %scan3A = arith.constant 0 : i32
    %scan3A_1 = arith.constant 128 : i32
    %scan3A_2 = arith.addi %scan3A, %scan3A_1 : i32
    %scan3A_3 = arith.constant 1 : i32
    scf.for %scan3A_68 = %scan3A to %scan3A_2 step %scan3A_3  : i32 {
      %mul3A_69 = arith.constant 1 : i32
      %mul3A_70 = arith.muli %scan3A_68, %mul3A_69 : i32
      %add3A_71 = arith.constant 0 : i32
      %add3A_72 = arith.addi %add3A_71, %mul3A_70 : i32
      %scan3A_73 = arith.constant 0 : i32
      %scan3A_74 = arith.constant 8 : i32
      %scan3A_75 = arith.addi %scan3A_73, %scan3A_74 : i32
      %scan3A_76 = arith.constant 1 : i32
      scf.for %scan3A_78 = %scan3A_73 to %scan3A_75 step %scan3A_76  : i32 {
        %mul3A_79 = arith.constant 16 : i32
        %mul3A_80 = arith.muli %scan3A_78, %mul3A_79 : i32
        %add3A_81 = arith.constant 0 : i32
        %add3A_82 = arith.addi %add3A_81, %mul3A_80 : i32
        %broadcast_in_dim3A = arith.constant 0.000000e+00 : f32
        %broadcast_in_dim3A_83 = vector.broadcast %broadcast_in_dim3A : f32 to vector<16xf32>
        %swap3A = arith.index_cast %add3A_72 : i32 to index
        %swap3A_84 = arith.index_cast %add3A_82 : i32 to index
        %swap3A_85 = tpu.vector_load %arg8[%swap3A, %swap3A_84] {strides = array<i32>} : memref<128x128xf32, #tpu.memory_space<vmem>>, vector<1x16xf32>,
        %swap3A_86 = vector.shape_cast %swap3A_85 : vector<1x16xf32> to vector<16xf32>
        %swap3A_87 = vector.shape_cast %broadcast_in_dim3A_83 : vector<16xf32> to vector<1x16xf32>
        tpu.vector_store %arg8[%swap3A, %swap3A_84], %swap3A_87 {strides = array<i32>} : memref<128x128xf32, #tpu.memory_space<vmem>>, vector<1x16xf32>,
      }
      %scan3A_77 = arith.constant 8 : i32
    }
    %scan3A_4 = arith.constant 128 : i32
    %scan3A_5 = arith.constant 0 : i32
    %scan3A_6 = arith.constant 5 : i32
    %scan3A_7 = arith.addi %scan3A_5, %scan3A_6 : i32
    %scan3A_8 = arith.constant 1 : i32
    scf.for %scan3A_68 = %scan3A_5 to %scan3A_7 step %scan3A_8  : i32 {
      %mul3A_69 = arith.constant 1 : i32
      %mul3A_70 = arith.muli %scan3A_68, %mul3A_69 : i32
      %add3A_71 = arith.constant 0 : i32
      %add3A_72 = arith.addi %add3A_71, %mul3A_70 : i32
      %mul3A_73 = arith.constant 640 : i32
      %mul3A_74 = arith.muli %arg1, %mul3A_73 : i32
      %mul3A_75 = arith.constant 128 : i32
      %mul3A_76 = arith.muli %add3A_72, %mul3A_75 : i32
      %add3A_77 = arith.addi %mul3A_74, %mul3A_76 : i32
      "tpu.region"() ({
        %run_scoped3A = tpu.sem_alloc : memref<!tpu.dma_semaphore, #tpu.memory_space<semaphore_mem>>
        %dma_start3A_78 = arith.constant 0 : i32
        %dma_start3A_79 = tpu.memref_slice %arg10[%add3A_77, %dma_start3A_78] : memref<10240x128xf32, #tpu.memory_space<vmem_shared>> -> memref<128x128xf32, #tpu.memory_space<vmem_shared>>
        %dma_start3A_80 = arith.constant 0 : i32
        %dma_start3A_81 = tpu.memref_slice %arg10[%add3A_77, %dma_start3A_80] : memref<10240x128xf32, #tpu.memory_space<vmem_shared>> -> memref<128x128xf32, #tpu.memory_space<vmem_shared>>
        tpu.enqueue_dma source(%arg8 : memref<128x128xf32, #tpu.memory_space<vmem>>) target(%dma_start3A_81 : memref<128x128xf32, #tpu.memory_space<vmem_shared>>) target_semaphore(%run_scoped3A : memref<!tpu.dma_semaphore, #tpu.memory_space<semaphore_mem>>)
        %dma_wait3A = arith.constant 0 : i32
        %dma_wait3A_82 = tpu.memref_slice %arg10[%add3A_77, %dma_wait3A] : memref<10240x128xf32, #tpu.memory_space<vmem_shared>> -> memref<128x128xf32, #tpu.memory_space<vmem_shared>>
        %dma_wait3A_83 = arith.constant 0 : i32
        %dma_wait3A_84 = tpu.memref_slice %arg10[%add3A_77, %dma_wait3A_83] : memref<10240x128xf32, #tpu.memory_space<vmem_shared>> -> memref<128x128xf32, #tpu.memory_space<vmem_shared>>
        tpu.wait_dma2 semaphore(%run_scoped3A : memref<!tpu.dma_semaphore, #tpu.memory_space<semaphore_mem>>) src(%arg8 : memref<128x128xf32, #tpu.memory_space<vmem>>) dst(%dma_wait3A_84 : memref<128x128xf32, #tpu.memory_space<vmem_shared>>)
        tpu.yield
      }) : () -> ()
    }
    %scan3A_9 = arith.constant 5 : i32
    %barrier3A = arith.constant 0 : index
    tpu.barrier barrier_id(%barrier3A)
    %mul3A_10 = arith.constant 80 : i32
    %mul3A_11 = arith.muli %add3A, %mul3A_10 : i32
    %add3A_12 = arith.constant 0 : i32
    %add3A_13 = arith.addi %mul3A_11, %add3A_12 : i32
    "tpu.region"() ({
      %run_scoped3A = tpu.sem_alloc : memref<!tpu.dma_semaphore, #tpu.memory_space<semaphore_mem>>
      %dma_start3A_68 = arith.constant 0 : i32
      %dma_start3A_69 = tpu.memref_slice %arg3[%add3A_13, %dma_start3A_68] : memref<2560x128xi32, #tpu.memory_space<hbm>> -> memref<40x128xi32, #tpu.memory_space<hbm>>
      %dma_start3A_70 = arith.constant 0 : i32
      %dma_start3A_71 = tpu.memref_slice %arg3[%add3A_13, %dma_start3A_70] : memref<2560x128xi32, #tpu.memory_space<hbm>> -> memref<40x128xi32, #tpu.memory_space<hbm>>
      tpu.enqueue_dma source(%dma_start3A_71 : memref<40x128xi32, #tpu.memory_space<hbm>>) target(%arg6 : memref<40x128xi32, #tpu.memory_space<vmem>>) target_semaphore(%run_scoped3A : memref<!tpu.dma_semaphore, #tpu.memory_space<semaphore_mem>>)
      %dma_wait3A = arith.constant 0 : i32
      %dma_wait3A_72 = tpu.memref_slice %arg3[%add3A_13, %dma_wait3A] : memref<2560x128xi32, #tpu.memory_space<hbm>> -> memref<40x128xi32, #tpu.memory_space<hbm>>
      %dma_wait3A_73 = arith.constant 0 : i32
      %dma_wait3A_74 = tpu.memref_slice %arg3[%add3A_13, %dma_wait3A_73] : memref<2560x128xi32, #tpu.memory_space<hbm>> -> memref<40x128xi32, #tpu.memory_space<hbm>>
      tpu.wait_dma2 semaphore(%run_scoped3A : memref<!tpu.dma_semaphore, #tpu.memory_space<semaphore_mem>>) src(%dma_wait3A_74 : memref<40x128xi32, #tpu.memory_space<hbm>>) dst(%arg6 : memref<40x128xi32, #tpu.memory_space<vmem>>)
      tpu.yield
    }) : () -> ()
    %mul3A_14 = arith.constant 80 : i32
    %mul3A_15 = arith.muli %add3A, %mul3A_14 : i32
    %add3A_16 = arith.constant 0 : i32
    %add3A_17 = arith.addi %mul3A_15, %add3A_16 : i32
    "tpu.region"() ({
      %run_scoped3A = tpu.sem_alloc : memref<!tpu.dma_semaphore, #tpu.memory_space<semaphore_mem>>
      %dma_start3A_68 = arith.constant 0 : i32
      %dma_start3A_69 = tpu.memref_slice %arg4[%add3A_17, %dma_start3A_68] : memref<2560x128xi32, #tpu.memory_space<hbm>> -> memref<40x128xi32, #tpu.memory_space<hbm>>
      %dma_start3A_70 = arith.constant 0 : i32
      %dma_start3A_71 = tpu.memref_slice %arg4[%add3A_17, %dma_start3A_70] : memref<2560x128xi32, #tpu.memory_space<hbm>> -> memref<40x128xi32, #tpu.memory_space<hbm>>
      tpu.enqueue_dma source(%dma_start3A_71 : memref<40x128xi32, #tpu.memory_space<hbm>>) target(%arg7 : memref<40x128xi32, #tpu.memory_space<vmem>>) target_semaphore(%run_scoped3A : memref<!tpu.dma_semaphore, #tpu.memory_space<semaphore_mem>>)
      %dma_wait3A = arith.constant 0 : i32
      %dma_wait3A_72 = tpu.memref_slice %arg4[%add3A_17, %dma_wait3A] : memref<2560x128xi32, #tpu.memory_space<hbm>> -> memref<40x128xi32, #tpu.memory_space<hbm>>
      %dma_wait3A_73 = arith.constant 0 : i32
      %dma_wait3A_74 = tpu.memref_slice %arg4[%add3A_17, %dma_wait3A_73] : memref<2560x128xi32, #tpu.memory_space<hbm>> -> memref<40x128xi32, #tpu.memory_space<hbm>>
      tpu.wait_dma2 semaphore(%run_scoped3A : memref<!tpu.dma_semaphore, #tpu.memory_space<semaphore_mem>>) src(%dma_wait3A_74 : memref<40x128xi32, #tpu.memory_space<hbm>>) dst(%arg7 : memref<40x128xi32, #tpu.memory_space<vmem>>)
      tpu.yield
    }) : () -> ()
    %dma_start3A = arith.constant 0 : i32
    %dma_start3A_18 = arith.constant 0 : i32
    %dma_start3A_19 = tpu.memref_slice %arg6[%dma_start3A, %dma_start3A_18] : memref<40x128xi32, #tpu.memory_space<vmem>> -> memref<1x128xi32, #tpu.memory_space<vmem>>
    %dma_start3A_20 = tpu.memref_squeeze %dma_start3A_19 : memref<1x128xi32, #tpu.memory_space<vmem>> -> memref<128xi32, #tpu.memory_space<vmem>>
    %dma_start3A_21 = arith.constant 0 : i32
    %dma_start3A_22 = arith.constant 0 : i32
    %dma_start3A_23 = tpu.memref_slice %arg2[%dma_start3A_21, %dma_start3A_22] : memref<10000x128xf32, #tpu.memory_space<hbm>> -> memref<10000x128xf32, #tpu.memory_space<hbm>>
    tpu.enqueue_indirect_dma source(%dma_start3A_23 : memref<10000x128xf32, #tpu.memory_space<hbm>>) target(%arg8 : memref<128x128xf32, #tpu.memory_space<vmem>>) offsets(%dma_start3A_20 : memref<128xi32, #tpu.memory_space<vmem>>) semaphore(%arg11 : memref<!tpu.dma_semaphore, #tpu.memory_space<semaphore_mem>>)
    %dma_start3A_24 = arith.constant 1 : i32
    %dma_start3A_25 = arith.constant 0 : i32
    %dma_start3A_26 = tpu.memref_slice %arg6[%dma_start3A_24, %dma_start3A_25] : memref<40x128xi32, #tpu.memory_space<vmem>> -> memref<1x128xi32, #tpu.memory_space<vmem>>
    %dma_start3A_27 = tpu.memref_squeeze %dma_start3A_26 : memref<1x128xi32, #tpu.memory_space<vmem>> -> memref<128xi32, #tpu.memory_space<vmem>>
    %dma_start3A_28 = arith.constant 0 : i32
    %dma_start3A_29 = arith.constant 0 : i32
    %dma_start3A_30 = tpu.memref_slice %arg2[%dma_start3A_28, %dma_start3A_29] : memref<10000x128xf32, #tpu.memory_space<hbm>> -> memref<10000x128xf32, #tpu.memory_space<hbm>>
    tpu.enqueue_indirect_dma source(%dma_start3A_30 : memref<10000x128xf32, #tpu.memory_space<hbm>>) target(%arg9 : memref<128x128xf32, #tpu.memory_space<vmem>>) offsets(%dma_start3A_27 : memref<128xi32, #tpu.memory_space<vmem>>) semaphore(%arg12 : memref<!tpu.dma_semaphore, #tpu.memory_space<semaphore_mem>>)
    %scan3A_31 = arith.constant 0 : i32
    %scan3A_32 = arith.constant 20 : i32
    %scan3A_33 = arith.addi %scan3A_31, %scan3A_32 : i32
    %scan3A_34 = arith.constant 1 : i32
    scf.for %scan3A_68 = %scan3A_31 to %scan3A_33 step %scan3A_34  : i32 {
      %mul3A_69 = arith.constant 2 : i32
      %mul3A_70 = arith.muli %scan3A_68, %mul3A_69 : i32
      %add3A_71 = arith.constant 0 : i32
      %add3A_72 = arith.addi %add3A_71, %mul3A_70 : i32
      %dma_wait3A = arith.constant 0 : i32
      %dma_wait3A_73 = tpu.memref_slice %arg6[%add3A_72, %dma_wait3A] : memref<40x128xi32, #tpu.memory_space<vmem>> -> memref<1x128xi32, #tpu.memory_space<vmem>>
      %dma_wait3A_74 = tpu.memref_squeeze %dma_wait3A_73 : memref<1x128xi32, #tpu.memory_space<vmem>> -> memref<128xi32, #tpu.memory_space<vmem>>
      %dma_wait3A_75 = arith.constant 0 : i32
      %dma_wait3A_76 = arith.constant 0 : i32
      %dma_wait3A_77 = tpu.memref_slice %arg2[%dma_wait3A_75, %dma_wait3A_76] : memref<10000x128xf32, #tpu.memory_space<hbm>> -> memref<10000x128xf32, #tpu.memory_space<hbm>>
      tpu.wait_indirect_dma semaphore(%arg11 : memref<!tpu.dma_semaphore, #tpu.memory_space<semaphore_mem>>) src(%dma_wait3A_77 : memref<10000x128xf32, #tpu.memory_space<hbm>>) dst(%arg8 : memref<128x128xf32, #tpu.memory_space<vmem>>)
      "tpu.region"() ({
        %run_scoped3A = tpu.sem_alloc : memref<!tpu.dma_semaphore, #tpu.memory_space<semaphore_mem>>
        %dma_start3A_99 = arith.constant 0 : i32
        %dma_start3A_100 = tpu.memref_slice %arg7[%add3A_72, %dma_start3A_99] : memref<40x128xi32, #tpu.memory_space<vmem>> -> memref<1x128xi32, #tpu.memory_space<vmem>>
        %dma_start3A_101 = tpu.memref_squeeze %dma_start3A_100 : memref<1x128xi32, #tpu.memory_space<vmem>> -> memref<128xi32, #tpu.memory_space<vmem>>
        %dma_start3A_102 = arith.constant 0 : i32
        %dma_start3A_103 = arith.constant 0 : i32
        %dma_start3A_104 = tpu.memref_slice %arg10[%dma_start3A_102, %dma_start3A_103] : memref<10240x128xf32, #tpu.memory_space<vmem_shared>> -> memref<10240x128xf32, #tpu.memory_space<vmem_shared>>
        tpu.enqueue_indirect_dma source(%arg8 : memref<128x128xf32, #tpu.memory_space<vmem>>) target(%dma_start3A_104 : memref<10240x128xf32, #tpu.memory_space<vmem_shared>>) offsets(%dma_start3A_101 : memref<128xi32, #tpu.memory_space<vmem>>) semaphore(%run_scoped3A : memref<!tpu.dma_semaphore, #tpu.memory_space<semaphore_mem>>) {add = true}
        %dma_wait3A_105 = arith.constant 0 : i32
        %dma_wait3A_106 = tpu.memref_slice %arg7[%add3A_72, %dma_wait3A_105] : memref<40x128xi32, #tpu.memory_space<vmem>> -> memref<1x128xi32, #tpu.memory_space<vmem>>
        %dma_wait3A_107 = tpu.memref_squeeze %dma_wait3A_106 : memref<1x128xi32, #tpu.memory_space<vmem>> -> memref<128xi32, #tpu.memory_space<vmem>>
        %dma_wait3A_108 = arith.constant 0 : i32
        %dma_wait3A_109 = arith.constant 0 : i32
        %dma_wait3A_110 = tpu.memref_slice %arg10[%dma_wait3A_108, %dma_wait3A_109] : memref<10240x128xf32, #tpu.memory_space<vmem_shared>> -> memref<10240x128xf32, #tpu.memory_space<vmem_shared>>
        tpu.wait_indirect_dma semaphore(%run_scoped3A : memref<!tpu.dma_semaphore, #tpu.memory_space<semaphore_mem>>) src(%arg8 : memref<128x128xf32, #tpu.memory_space<vmem>>) dst(%dma_wait3A_110 : memref<10240x128xf32, #tpu.memory_space<vmem_shared>>)
        tpu.yield
      }) : () -> ()
      %add3A_78 = arith.constant 2 : i32
      %add3A_79 = arith.addi %add3A_72, %add3A_78 : i32
      %lt3A = arith.constant 40 : i32
      %lt3A_80 = arith.cmpi slt, %add3A_79, %lt3A : i32
      %convert_element_type3A = arith.extui %lt3A_80 : i1 to i32
      %cond3A = arith.constant 0 : i32
      %cond3A_81 = arith.cmpi ne, %convert_element_type3A, %cond3A : i32
      scf.if %cond3A_81 {
        %add3A_99 = arith.constant 2 : i32
        %add3A_100 = arith.addi %add3A_72, %add3A_99 : i32
        %dma_start3A_101 = arith.constant 0 : i32
        %dma_start3A_102 = tpu.memref_slice %arg6[%add3A_100, %dma_start3A_101] : memref<40x128xi32, #tpu.memory_space<vmem>> -> memref<1x128xi32, #tpu.memory_space<vmem>>
        %dma_start3A_103 = tpu.memref_squeeze %dma_start3A_102 : memref<1x128xi32, #tpu.memory_space<vmem>> -> memref<128xi32, #tpu.memory_space<vmem>>
        %dma_start3A_104 = arith.constant 0 : i32
        %dma_start3A_105 = arith.constant 0 : i32
        %dma_start3A_106 = tpu.memref_slice %arg2[%dma_start3A_104, %dma_start3A_105] : memref<10000x128xf32, #tpu.memory_space<hbm>> -> memref<10000x128xf32, #tpu.memory_space<hbm>>
        tpu.enqueue_indirect_dma source(%dma_start3A_106 : memref<10000x128xf32, #tpu.memory_space<hbm>>) target(%arg8 : memref<128x128xf32, #tpu.memory_space<vmem>>) offsets(%dma_start3A_103 : memref<128xi32, #tpu.memory_space<vmem>>) semaphore(%arg11 : memref<!tpu.dma_semaphore, #tpu.memory_space<semaphore_mem>>)
      } else {
      }
      %add3A_82 = arith.constant 1 : i32
      %add3A_83 = arith.addi %add3A_72, %add3A_82 : i32
      %dma_wait3A_84 = arith.constant 0 : i32
      %dma_wait3A_85 = tpu.memref_slice %arg6[%add3A_83, %dma_wait3A_84] : memref<40x128xi32, #tpu.memory_space<vmem>> -> memref<1x128xi32, #tpu.memory_space<vmem>>
      %dma_wait3A_86 = tpu.memref_squeeze %dma_wait3A_85 : memref<1x128xi32, #tpu.memory_space<vmem>> -> memref<128xi32, #tpu.memory_space<vmem>>
      %dma_wait3A_87 = arith.constant 0 : i32
      %dma_wait3A_88 = arith.constant 0 : i32
      %dma_wait3A_89 = tpu.memref_slice %arg2[%dma_wait3A_87, %dma_wait3A_88] : memref<10000x128xf32, #tpu.memory_space<hbm>> -> memref<10000x128xf32, #tpu.memory_space<hbm>>
      tpu.wait_indirect_dma semaphore(%arg12 : memref<!tpu.dma_semaphore, #tpu.memory_space<semaphore_mem>>) src(%dma_wait3A_89 : memref<10000x128xf32, #tpu.memory_space<hbm>>) dst(%arg9 : memref<128x128xf32, #tpu.memory_space<vmem>>)
      %add3A_90 = arith.constant 1 : i32
      %add3A_91 = arith.addi %add3A_72, %add3A_90 : i32
      "tpu.region"() ({
        %run_scoped3A = tpu.sem_alloc : memref<!tpu.dma_semaphore, #tpu.memory_space<semaphore_mem>>
        %dma_start3A_99 = arith.constant 0 : i32
        %dma_start3A_100 = tpu.memref_slice %arg7[%add3A_91, %dma_start3A_99] : memref<40x128xi32, #tpu.memory_space<vmem>> -> memref<1x128xi32, #tpu.memory_space<vmem>>
        %dma_start3A_101 = tpu.memref_squeeze %dma_start3A_100 : memref<1x128xi32, #tpu.memory_space<vmem>> -> memref<128xi32, #tpu.memory_space<vmem>>
        %dma_start3A_102 = arith.constant 0 : i32
        %dma_start3A_103 = arith.constant 0 : i32
        %dma_start3A_104 = tpu.memref_slice %arg10[%dma_start3A_102, %dma_start3A_103] : memref<10240x128xf32, #tpu.memory_space<vmem_shared>> -> memref<10240x128xf32, #tpu.memory_space<vmem_shared>>
        tpu.enqueue_indirect_dma source(%arg9 : memref<128x128xf32, #tpu.memory_space<vmem>>) target(%dma_start3A_104 : memref<10240x128xf32, #tpu.memory_space<vmem_shared>>) offsets(%dma_start3A_101 : memref<128xi32, #tpu.memory_space<vmem>>) semaphore(%run_scoped3A : memref<!tpu.dma_semaphore, #tpu.memory_space<semaphore_mem>>) {add = true}
        %dma_wait3A_105 = arith.constant 0 : i32
        %dma_wait3A_106 = tpu.memref_slice %arg7[%add3A_91, %dma_wait3A_105] : memref<40x128xi32, #tpu.memory_space<vmem>> -> memref<1x128xi32, #tpu.memory_space<vmem>>
        %dma_wait3A_107 = tpu.memref_squeeze %dma_wait3A_106 : memref<1x128xi32, #tpu.memory_space<vmem>> -> memref<128xi32, #tpu.memory_space<vmem>>
        %dma_wait3A_108 = arith.constant 0 : i32
        %dma_wait3A_109 = arith.constant 0 : i32
        %dma_wait3A_110 = tpu.memref_slice %arg10[%dma_wait3A_108, %dma_wait3A_109] : memref<10240x128xf32, #tpu.memory_space<vmem_shared>> -> memref<10240x128xf32, #tpu.memory_space<vmem_shared>>
        tpu.wait_indirect_dma semaphore(%run_scoped3A : memref<!tpu.dma_semaphore, #tpu.memory_space<semaphore_mem>>) src(%arg9 : memref<128x128xf32, #tpu.memory_space<vmem>>) dst(%dma_wait3A_110 : memref<10240x128xf32, #tpu.memory_space<vmem_shared>>)
        tpu.yield
      }) : () -> ()
      %add3A_92 = arith.constant 3 : i32
      %add3A_93 = arith.addi %add3A_72, %add3A_92 : i32
      %lt3A_94 = arith.constant 40 : i32
      %lt3A_95 = arith.cmpi slt, %add3A_93, %lt3A_94 : i32
      %convert_element_type3A_96 = arith.extui %lt3A_95 : i1 to i32
      %cond3A_97 = arith.constant 0 : i32
      %cond3A_98 = arith.cmpi ne, %convert_element_type3A_96, %cond3A_97 : i32
      scf.if %cond3A_98 {
        %add3A_99 = arith.constant 3 : i32
        %add3A_100 = arith.addi %add3A_72, %add3A_99 : i32
        %dma_start3A_101 = arith.constant 0 : i32
        %dma_start3A_102 = tpu.memref_slice %arg6[%add3A_100, %dma_start3A_101] : memref<40x128xi32, #tpu.memory_space<vmem>> -> memref<1x128xi32, #tpu.memory_space<vmem>>
        %dma_start3A_103 = tpu.memref_squeeze %dma_start3A_102 : memref<1x128xi32, #tpu.memory_space<vmem>> -> memref<128xi32, #tpu.memory_space<vmem>>
        %dma_start3A_104 = arith.constant 0 : i32
        %dma_start3A_105 = arith.constant 0 : i32
        %dma_start3A_106 = tpu.memref_slice %arg2[%dma_start3A_104, %dma_start3A_105] : memref<10000x128xf32, #tpu.memory_space<hbm>> -> memref<10000x128xf32, #tpu.memory_space<hbm>>
        tpu.enqueue_indirect_dma source(%dma_start3A_106 : memref<10000x128xf32, #tpu.memory_space<hbm>>) target(%arg9 : memref<128x128xf32, #tpu.memory_space<vmem>>) offsets(%dma_start3A_103 : memref<128xi32, #tpu.memory_space<vmem>>) semaphore(%arg12 : memref<!tpu.dma_semaphore, #tpu.memory_space<semaphore_mem>>)
      } else {
      }
    }
    %scan3A_35 = arith.constant 20 : i32
    %mul3A_36 = arith.constant 80 : i32
    %mul3A_37 = arith.muli %add3A, %mul3A_36 : i32
    %add3A_38 = arith.constant 40 : i32
    %add3A_39 = arith.addi %mul3A_37, %add3A_38 : i32
    "tpu.region"() ({
      %run_scoped3A = tpu.sem_alloc : memref<!tpu.dma_semaphore, #tpu.memory_space<semaphore_mem>>
      %dma_start3A_68 = arith.constant 0 : i32
      %dma_start3A_69 = tpu.memref_slice %arg3[%add3A_39, %dma_start3A_68] : memref<2560x128xi32, #tpu.memory_space<hbm>> -> memref<40x128xi32, #tpu.memory_space<hbm>>
      %dma_start3A_70 = arith.constant 0 : i32
      %dma_start3A_71 = tpu.memref_slice %arg3[%add3A_39, %dma_start3A_70] : memref<2560x128xi32, #tpu.memory_space<hbm>> -> memref<40x128xi32, #tpu.memory_space<hbm>>
      tpu.enqueue_dma source(%dma_start3A_71 : memref<40x128xi32, #tpu.memory_space<hbm>>) target(%arg6 : memref<40x128xi32, #tpu.memory_space<vmem>>) target_semaphore(%run_scoped3A : memref<!tpu.dma_semaphore, #tpu.memory_space<semaphore_mem>>)
      %dma_wait3A = arith.constant 0 : i32
      %dma_wait3A_72 = tpu.memref_slice %arg3[%add3A_39, %dma_wait3A] : memref<2560x128xi32, #tpu.memory_space<hbm>> -> memref<40x128xi32, #tpu.memory_space<hbm>>
      %dma_wait3A_73 = arith.constant 0 : i32
      %dma_wait3A_74 = tpu.memref_slice %arg3[%add3A_39, %dma_wait3A_73] : memref<2560x128xi32, #tpu.memory_space<hbm>> -> memref<40x128xi32, #tpu.memory_space<hbm>>
      tpu.wait_dma2 semaphore(%run_scoped3A : memref<!tpu.dma_semaphore, #tpu.memory_space<semaphore_mem>>) src(%dma_wait3A_74 : memref<40x128xi32, #tpu.memory_space<hbm>>) dst(%arg6 : memref<40x128xi32, #tpu.memory_space<vmem>>)
      tpu.yield
    }) : () -> ()
    %mul3A_40 = arith.constant 80 : i32
    %mul3A_41 = arith.muli %add3A, %mul3A_40 : i32
    %add3A_42 = arith.constant 40 : i32
    %add3A_43 = arith.addi %mul3A_41, %add3A_42 : i32
    "tpu.region"() ({
      %run_scoped3A = tpu.sem_alloc : memref<!tpu.dma_semaphore, #tpu.memory_space<semaphore_mem>>
      %dma_start3A_68 = arith.constant 0 : i32
      %dma_start3A_69 = tpu.memref_slice %arg4[%add3A_43, %dma_start3A_68] : memref<2560x128xi32, #tpu.memory_space<hbm>> -> memref<40x128xi32, #tpu.memory_space<hbm>>
      %dma_start3A_70 = arith.constant 0 : i32
      %dma_start3A_71 = tpu.memref_slice %arg4[%add3A_43, %dma_start3A_70] : memref<2560x128xi32, #tpu.memory_space<hbm>> -> memref<40x128xi32, #tpu.memory_space<hbm>>
      tpu.enqueue_dma source(%dma_start3A_71 : memref<40x128xi32, #tpu.memory_space<hbm>>) target(%arg7 : memref<40x128xi32, #tpu.memory_space<vmem>>) target_semaphore(%run_scoped3A : memref<!tpu.dma_semaphore, #tpu.memory_space<semaphore_mem>>)
      %dma_wait3A = arith.constant 0 : i32
      %dma_wait3A_72 = tpu.memref_slice %arg4[%add3A_43, %dma_wait3A] : memref<2560x128xi32, #tpu.memory_space<hbm>> -> memref<40x128xi32, #tpu.memory_space<hbm>>
      %dma_wait3A_73 = arith.constant 0 : i32
      %dma_wait3A_74 = tpu.memref_slice %arg4[%add3A_43, %dma_wait3A_73] : memref<2560x128xi32, #tpu.memory_space<hbm>> -> memref<40x128xi32, #tpu.memory_space<hbm>>
      tpu.wait_dma2 semaphore(%run_scoped3A : memref<!tpu.dma_semaphore, #tpu.memory_space<semaphore_mem>>) src(%dma_wait3A_74 : memref<40x128xi32, #tpu.memory_space<hbm>>) dst(%arg7 : memref<40x128xi32, #tpu.memory_space<vmem>>)
      tpu.yield
    }) : () -> ()
    %dma_start3A_44 = arith.constant 0 : i32
    %dma_start3A_45 = arith.constant 0 : i32
    %dma_start3A_46 = tpu.memref_slice %arg6[%dma_start3A_44, %dma_start3A_45] : memref<40x128xi32, #tpu.memory_space<vmem>> -> memref<1x128xi32, #tpu.memory_space<vmem>>
    %dma_start3A_47 = tpu.memref_squeeze %dma_start3A_46 : memref<1x128xi32, #tpu.memory_space<vmem>> -> memref<128xi32, #tpu.memory_space<vmem>>
    %dma_start3A_48 = arith.constant 0 : i32
    %dma_start3A_49 = arith.constant 0 : i32
    %dma_start3A_50 = tpu.memref_slice %arg2[%dma_start3A_48, %dma_start3A_49] : memref<10000x128xf32, #tpu.memory_space<hbm>> -> memref<10000x128xf32, #tpu.memory_space<hbm>>
    tpu.enqueue_indirect_dma source(%dma_start3A_50 : memref<10000x128xf32, #tpu.memory_space<hbm>>) target(%arg8 : memref<128x128xf32, #tpu.memory_space<vmem>>) offsets(%dma_start3A_47 : memref<128xi32, #tpu.memory_space<vmem>>) semaphore(%arg11 : memref<!tpu.dma_semaphore, #tpu.memory_space<semaphore_mem>>)
    %dma_start3A_51 = arith.constant 1 : i32
    %dma_start3A_52 = arith.constant 0 : i32
    %dma_start3A_53 = tpu.memref_slice %arg6[%dma_start3A_51, %dma_start3A_52] : memref<40x128xi32, #tpu.memory_space<vmem>> -> memref<1x128xi32, #tpu.memory_space<vmem>>
    %dma_start3A_54 = tpu.memref_squeeze %dma_start3A_53 : memref<1x128xi32, #tpu.memory_space<vmem>> -> memref<128xi32, #tpu.memory_space<vmem>>
    %dma_start3A_55 = arith.constant 0 : i32
    %dma_start3A_56 = arith.constant 0 : i32
    %dma_start3A_57 = tpu.memref_slice %arg2[%dma_start3A_55, %dma_start3A_56] : memref<10000x128xf32, #tpu.memory_space<hbm>> -> memref<10000x128xf32, #tpu.memory_space<hbm>>
    tpu.enqueue_indirect_dma source(%dma_start3A_57 : memref<10000x128xf32, #tpu.memory_space<hbm>>) target(%arg9 : memref<128x128xf32, #tpu.memory_space<vmem>>) offsets(%dma_start3A_54 : memref<128xi32, #tpu.memory_space<vmem>>) semaphore(%arg12 : memref<!tpu.dma_semaphore, #tpu.memory_space<semaphore_mem>>)
    %scan3A_58 = arith.constant 0 : i32
    %scan3A_59 = arith.constant 20 : i32
    %scan3A_60 = arith.addi %scan3A_58, %scan3A_59 : i32
    %scan3A_61 = arith.constant 1 : i32
    scf.for %scan3A_68 = %scan3A_58 to %scan3A_60 step %scan3A_61  : i32 {
      %mul3A_69 = arith.constant 2 : i32
      %mul3A_70 = arith.muli %scan3A_68, %mul3A_69 : i32
      %add3A_71 = arith.constant 0 : i32
      %add3A_72 = arith.addi %add3A_71, %mul3A_70 : i32
      %dma_wait3A = arith.constant 0 : i32
      %dma_wait3A_73 = tpu.memref_slice %arg6[%add3A_72, %dma_wait3A] : memref<40x128xi32, #tpu.memory_space<vmem>> -> memref<1x128xi32, #tpu.memory_space<vmem>>
      %dma_wait3A_74 = tpu.memref_squeeze %dma_wait3A_73 : memref<1x128xi32, #tpu.memory_space<vmem>> -> memref<128xi32, #tpu.memory_space<vmem>>
      %dma_wait3A_75 = arith.constant 0 : i32
      %dma_wait3A_76 = arith.constant 0 : i32
      %dma_wait3A_77 = tpu.memref_slice %arg2[%dma_wait3A_75, %dma_wait3A_76] : memref<10000x128xf32, #tpu.memory_space<hbm>> -> memref<10000x128xf32, #tpu.memory_space<hbm>>
      tpu.wait_indirect_dma semaphore(%arg11 : memref<!tpu.dma_semaphore, #tpu.memory_space<semaphore_mem>>) src(%dma_wait3A_77 : memref<10000x128xf32, #tpu.memory_space<hbm>>) dst(%arg8 : memref<128x128xf32, #tpu.memory_space<vmem>>)
      "tpu.region"() ({
        %run_scoped3A = tpu.sem_alloc : memref<!tpu.dma_semaphore, #tpu.memory_space<semaphore_mem>>
        %dma_start3A_99 = arith.constant 0 : i32
        %dma_start3A_100 = tpu.memref_slice %arg7[%add3A_72, %dma_start3A_99] : memref<40x128xi32, #tpu.memory_space<vmem>> -> memref<1x128xi32, #tpu.memory_space<vmem>>
        %dma_start3A_101 = tpu.memref_squeeze %dma_start3A_100 : memref<1x128xi32, #tpu.memory_space<vmem>> -> memref<128xi32, #tpu.memory_space<vmem>>
        %dma_start3A_102 = arith.constant 0 : i32
        %dma_start3A_103 = arith.constant 0 : i32
        %dma_start3A_104 = tpu.memref_slice %arg10[%dma_start3A_102, %dma_start3A_103] : memref<10240x128xf32, #tpu.memory_space<vmem_shared>> -> memref<10240x128xf32, #tpu.memory_space<vmem_shared>>
        tpu.enqueue_indirect_dma source(%arg8 : memref<128x128xf32, #tpu.memory_space<vmem>>) target(%dma_start3A_104 : memref<10240x128xf32, #tpu.memory_space<vmem_shared>>) offsets(%dma_start3A_101 : memref<128xi32, #tpu.memory_space<vmem>>) semaphore(%run_scoped3A : memref<!tpu.dma_semaphore, #tpu.memory_space<semaphore_mem>>) {add = true}
        %dma_wait3A_105 = arith.constant 0 : i32
        %dma_wait3A_106 = tpu.memref_slice %arg7[%add3A_72, %dma_wait3A_105] : memref<40x128xi32, #tpu.memory_space<vmem>> -> memref<1x128xi32, #tpu.memory_space<vmem>>
        %dma_wait3A_107 = tpu.memref_squeeze %dma_wait3A_106 : memref<1x128xi32, #tpu.memory_space<vmem>> -> memref<128xi32, #tpu.memory_space<vmem>>
        %dma_wait3A_108 = arith.constant 0 : i32
        %dma_wait3A_109 = arith.constant 0 : i32
        %dma_wait3A_110 = tpu.memref_slice %arg10[%dma_wait3A_108, %dma_wait3A_109] : memref<10240x128xf32, #tpu.memory_space<vmem_shared>> -> memref<10240x128xf32, #tpu.memory_space<vmem_shared>>
        tpu.wait_indirect_dma semaphore(%run_scoped3A : memref<!tpu.dma_semaphore, #tpu.memory_space<semaphore_mem>>) src(%arg8 : memref<128x128xf32, #tpu.memory_space<vmem>>) dst(%dma_wait3A_110 : memref<10240x128xf32, #tpu.memory_space<vmem_shared>>)
        tpu.yield
      }) : () -> ()
      %add3A_78 = arith.constant 2 : i32
      %add3A_79 = arith.addi %add3A_72, %add3A_78 : i32
      %lt3A = arith.constant 40 : i32
      %lt3A_80 = arith.cmpi slt, %add3A_79, %lt3A : i32
      %convert_element_type3A = arith.extui %lt3A_80 : i1 to i32
      %cond3A = arith.constant 0 : i32
      %cond3A_81 = arith.cmpi ne, %convert_element_type3A, %cond3A : i32
      scf.if %cond3A_81 {
        %add3A_99 = arith.constant 2 : i32
        %add3A_100 = arith.addi %add3A_72, %add3A_99 : i32
        %dma_start3A_101 = arith.constant 0 : i32
        %dma_start3A_102 = tpu.memref_slice %arg6[%add3A_100, %dma_start3A_101] : memref<40x128xi32, #tpu.memory_space<vmem>> -> memref<1x128xi32, #tpu.memory_space<vmem>>
        %dma_start3A_103 = tpu.memref_squeeze %dma_start3A_102 : memref<1x128xi32, #tpu.memory_space<vmem>> -> memref<128xi32, #tpu.memory_space<vmem>>
        %dma_start3A_104 = arith.constant 0 : i32
        %dma_start3A_105 = arith.constant 0 : i32
        %dma_start3A_106 = tpu.memref_slice %arg2[%dma_start3A_104, %dma_start3A_105] : memref<10000x128xf32, #tpu.memory_space<hbm>> -> memref<10000x128xf32, #tpu.memory_space<hbm>>
        tpu.enqueue_indirect_dma source(%dma_start3A_106 : memref<10000x128xf32, #tpu.memory_space<hbm>>) target(%arg8 : memref<128x128xf32, #tpu.memory_space<vmem>>) offsets(%dma_start3A_103 : memref<128xi32, #tpu.memory_space<vmem>>) semaphore(%arg11 : memref<!tpu.dma_semaphore, #tpu.memory_space<semaphore_mem>>)
      } else {
      }
      %add3A_82 = arith.constant 1 : i32
      %add3A_83 = arith.addi %add3A_72, %add3A_82 : i32
      %dma_wait3A_84 = arith.constant 0 : i32
      %dma_wait3A_85 = tpu.memref_slice %arg6[%add3A_83, %dma_wait3A_84] : memref<40x128xi32, #tpu.memory_space<vmem>> -> memref<1x128xi32, #tpu.memory_space<vmem>>
      %dma_wait3A_86 = tpu.memref_squeeze %dma_wait3A_85 : memref<1x128xi32, #tpu.memory_space<vmem>> -> memref<128xi32, #tpu.memory_space<vmem>>
      %dma_wait3A_87 = arith.constant 0 : i32
      %dma_wait3A_88 = arith.constant 0 : i32
      %dma_wait3A_89 = tpu.memref_slice %arg2[%dma_wait3A_87, %dma_wait3A_88] : memref<10000x128xf32, #tpu.memory_space<hbm>> -> memref<10000x128xf32, #tpu.memory_space<hbm>>
      tpu.wait_indirect_dma semaphore(%arg12 : memref<!tpu.dma_semaphore, #tpu.memory_space<semaphore_mem>>) src(%dma_wait3A_89 : memref<10000x128xf32, #tpu.memory_space<hbm>>) dst(%arg9 : memref<128x128xf32, #tpu.memory_space<vmem>>)
      %add3A_90 = arith.constant 1 : i32
      %add3A_91 = arith.addi %add3A_72, %add3A_90 : i32
      "tpu.region"() ({
        %run_scoped3A = tpu.sem_alloc : memref<!tpu.dma_semaphore, #tpu.memory_space<semaphore_mem>>
        %dma_start3A_99 = arith.constant 0 : i32
        %dma_start3A_100 = tpu.memref_slice %arg7[%add3A_91, %dma_start3A_99] : memref<40x128xi32, #tpu.memory_space<vmem>> -> memref<1x128xi32, #tpu.memory_space<vmem>>
        %dma_start3A_101 = tpu.memref_squeeze %dma_start3A_100 : memref<1x128xi32, #tpu.memory_space<vmem>> -> memref<128xi32, #tpu.memory_space<vmem>>
        %dma_start3A_102 = arith.constant 0 : i32
        %dma_start3A_103 = arith.constant 0 : i32
        %dma_start3A_104 = tpu.memref_slice %arg10[%dma_start3A_102, %dma_start3A_103] : memref<10240x128xf32, #tpu.memory_space<vmem_shared>> -> memref<10240x128xf32, #tpu.memory_space<vmem_shared>>
        tpu.enqueue_indirect_dma source(%arg9 : memref<128x128xf32, #tpu.memory_space<vmem>>) target(%dma_start3A_104 : memref<10240x128xf32, #tpu.memory_space<vmem_shared>>) offsets(%dma_start3A_101 : memref<128xi32, #tpu.memory_space<vmem>>) semaphore(%run_scoped3A : memref<!tpu.dma_semaphore, #tpu.memory_space<semaphore_mem>>) {add = true}
        %dma_wait3A_105 = arith.constant 0 : i32
        %dma_wait3A_106 = tpu.memref_slice %arg7[%add3A_91, %dma_wait3A_105] : memref<40x128xi32, #tpu.memory_space<vmem>> -> memref<1x128xi32, #tpu.memory_space<vmem>>
        %dma_wait3A_107 = tpu.memref_squeeze %dma_wait3A_106 : memref<1x128xi32, #tpu.memory_space<vmem>> -> memref<128xi32, #tpu.memory_space<vmem>>
        %dma_wait3A_108 = arith.constant 0 : i32
        %dma_wait3A_109 = arith.constant 0 : i32
        %dma_wait3A_110 = tpu.memref_slice %arg10[%dma_wait3A_108, %dma_wait3A_109] : memref<10240x128xf32, #tpu.memory_space<vmem_shared>> -> memref<10240x128xf32, #tpu.memory_space<vmem_shared>>
        tpu.wait_indirect_dma semaphore(%run_scoped3A : memref<!tpu.dma_semaphore, #tpu.memory_space<semaphore_mem>>) src(%arg9 : memref<128x128xf32, #tpu.memory_space<vmem>>) dst(%dma_wait3A_110 : memref<10240x128xf32, #tpu.memory_space<vmem_shared>>)
        tpu.yield
      }) : () -> ()
      %add3A_92 = arith.constant 3 : i32
      %add3A_93 = arith.addi %add3A_72, %add3A_92 : i32
      %lt3A_94 = arith.constant 40 : i32
      %lt3A_95 = arith.cmpi slt, %add3A_93, %lt3A_94 : i32
      %convert_element_type3A_96 = arith.extui %lt3A_95 : i1 to i32
      %cond3A_97 = arith.constant 0 : i32
      %cond3A_98 = arith.cmpi ne, %convert_element_type3A_96, %cond3A_97 : i32
      scf.if %cond3A_98 {
        %add3A_99 = arith.constant 3 : i32
        %add3A_100 = arith.addi %add3A_72, %add3A_99 : i32
        %dma_start3A_101 = arith.constant 0 : i32
        %dma_start3A_102 = tpu.memref_slice %arg6[%add3A_100, %dma_start3A_101] : memref<40x128xi32, #tpu.memory_space<vmem>> -> memref<1x128xi32, #tpu.memory_space<vmem>>
        %dma_start3A_103 = tpu.memref_squeeze %dma_start3A_102 : memref<1x128xi32, #tpu.memory_space<vmem>> -> memref<128xi32, #tpu.memory_space<vmem>>
        %dma_start3A_104 = arith.constant 0 : i32
        %dma_start3A_105 = arith.constant 0 : i32
        %dma_start3A_106 = tpu.memref_slice %arg2[%dma_start3A_104, %dma_start3A_105] : memref<10000x128xf32, #tpu.memory_space<hbm>> -> memref<10000x128xf32, #tpu.memory_space<hbm>>
        tpu.enqueue_indirect_dma source(%dma_start3A_106 : memref<10000x128xf32, #tpu.memory_space<hbm>>) target(%arg9 : memref<128x128xf32, #tpu.memory_space<vmem>>) offsets(%dma_start3A_103 : memref<128xi32, #tpu.memory_space<vmem>>) semaphore(%arg12 : memref<!tpu.dma_semaphore, #tpu.memory_space<semaphore_mem>>)
      } else {
      }
    }
    %scan3A_62 = arith.constant 20 : i32
    %barrier3A_63 = arith.constant 0 : index
    tpu.barrier barrier_id(%barrier3A_63)
    %mul3A_64 = arith.constant 640 : i32
    %mul3A_65 = arith.muli %arg1, %mul3A_64 : i32
    %mul3A_66 = arith.constant 640 : i32
    %mul3A_67 = arith.muli %arg1, %mul3A_66 : i32
    "tpu.region"() ({
      %run_scoped3A = tpu.sem_alloc : memref<!tpu.dma_semaphore, #tpu.memory_space<semaphore_mem>>
      %dma_start3A_68 = arith.constant 0 : i32
      %dma_start3A_69 = tpu.memref_slice %arg5[%arg0, %mul3A_67, %dma_start3A_68] : memref<2x10240x128xf32, #tpu.memory_space<hbm>> -> memref<1x640x128xf32, #tpu.memory_space<hbm>>
      %dma_start3A_70 = tpu.memref_squeeze %dma_start3A_69 : memref<1x640x128xf32, #tpu.memory_space<hbm>> -> memref<640x128xf32, #tpu.memory_space<hbm>>
      %dma_start3A_71 = arith.constant 0 : i32
      %dma_start3A_72 = tpu.memref_slice %arg10[%mul3A_65, %dma_start3A_71] : memref<10240x128xf32, #tpu.memory_space<vmem_shared>> -> memref<640x128xf32, #tpu.memory_space<vmem_shared>>
      tpu.enqueue_dma source(%dma_start3A_72 : memref<640x128xf32, #tpu.memory_space<vmem_shared>>) target(%dma_start3A_70 : memref<640x128xf32, #tpu.memory_space<hbm>>) target_semaphore(%run_scoped3A : memref<!tpu.dma_semaphore, #tpu.memory_space<semaphore_mem>>)
      %dma_wait3A = arith.constant 0 : i32
      %dma_wait3A_73 = tpu.memref_slice %arg5[%arg0, %mul3A_67, %dma_wait3A] : memref<2x10240x128xf32, #tpu.memory_space<hbm>> -> memref<1x640x128xf32, #tpu.memory_space<hbm>>
      %dma_wait3A_74 = tpu.memref_squeeze %dma_wait3A_73 : memref<1x640x128xf32, #tpu.memory_space<hbm>> -> memref<640x128xf32, #tpu.memory_space<hbm>>
      %dma_wait3A_75 = arith.constant 0 : i32
      %dma_wait3A_76 = tpu.memref_slice %arg10[%mul3A_65, %dma_wait3A_75] : memref<10240x128xf32, #tpu.memory_space<vmem_shared>> -> memref<640x128xf32, #tpu.memory_space<vmem_shared>>
      tpu.wait_dma2 semaphore(%run_scoped3A : memref<!tpu.dma_semaphore, #tpu.memory_space<semaphore_mem>>) src(%dma_wait3A_76 : memref<640x128xf32, #tpu.memory_space<vmem_shared>>) dst(%dma_wait3A_74 : memref<640x128xf32, #tpu.memory_space<hbm>>)
      tpu.yield
    }) : () -> ()
    return
  }
}

#map = affine_map<(d0, d1) -> (0, 0)>
#map1 = affine_map<(d0, d1) -> (0, 0, 0)>
module attributes {stable_mosaic.version = 14 : i64} {
  func.func @agg(%arg0: i32, %arg1: i32, %arg2: memref<10000x128xf32, #tpu.memory_space<hbm>>, %arg3: memref<2560x128xi32, #tpu.memory_space<hbm>>, %arg4: memref<2560x128xi32, #tpu.memory_space<hbm>>, %arg5: memref<2x10240x128xf32, #tpu.memory_space<hbm>>, %arg6: memref<40x128xi32, #tpu.memory_space<vmem>>, %arg7: memref<40x128xi32, #tpu.memory_space<vmem>>, %arg8: memref<128x128xf32, #tpu.memory_space<vmem>>, %arg9: memref<128x128xf32, #tpu.memory_space<vmem>>, %arg10: memref<10240x128xf32, #tpu.memory_space<vmem_shared>>, %arg11: memref<!tpu.dma_semaphore, #tpu.memory_space<semaphore_mem>>, %arg12: memref<!tpu.dma_semaphore, #tpu.memory_space<semaphore_mem>>) attributes {dimension_semantics = [#tpu.dimension_semantics<core_parallel>, #tpu.dimension_semantics<subcore_parallel>], iteration_bounds = array<i64: 2, 16>, scalar_prefetch = 0 : i64, scratch_operands = 7 : i64, tpu.core_type = #tpu.core_type<sc_vector_subcore>, window_params = [{transform_indices = #map}, {transform_indices = #map}, {transform_indices = #map}, {transform_indices = #map1}]} {
    %mul3A = arith.constant 16 : i32
    %mul3A_0 = arith.muli %arg0, %mul3A : i32
    %add3A = arith.addi %mul3A_0, %arg1 : i32
    %scan3A = arith.constant 0 : i32
    %scan3A_1 = arith.constant 128 : i32
    %scan3A_2 = arith.addi %scan3A, %scan3A_1 : i32
    %scan3A_3 = arith.constant 1 : i32
    scf.for %scan3A_68 = %scan3A to %scan3A_2 step %scan3A_3  : i32 {
      %mul3A_69 = arith.constant 1 : i32
      %mul3A_70 = arith.muli %scan3A_68, %mul3A_69 : i32
      %add3A_71 = arith.constant 0 : i32
      %add3A_72 = arith.addi %add3A_71, %mul3A_70 : i32
      %scan3A_73 = arith.constant 0 : i32
      %scan3A_74 = arith.constant 8 : i32
      %scan3A_75 = arith.addi %scan3A_73, %scan3A_74 : i32
      %scan3A_76 = arith.constant 1 : i32
      scf.for %scan3A_78 = %scan3A_73 to %scan3A_75 step %scan3A_76  : i32 {
        %mul3A_79 = arith.constant 16 : i32
        %mul3A_80 = arith.muli %scan3A_78, %mul3A_79 : i32
        %add3A_81 = arith.constant 0 : i32
        %add3A_82 = arith.addi %add3A_81, %mul3A_80 : i32
        %broadcast_in_dim3A = arith.constant 0.000000e+00 : f32
        %broadcast_in_dim3A_83 = vector.broadcast %broadcast_in_dim3A : f32 to vector<16xf32>
        %swap3A = arith.index_cast %add3A_72 : i32 to index
        %swap3A_84 = arith.index_cast %add3A_82 : i32 to index
        %swap3A_85 = tpu.vector_load %arg8[%swap3A, %swap3A_84] {strides = array<i32>} : memref<128x128xf32, #tpu.memory_space<vmem>>, vector<1x16xf32>,
        %swap3A_86 = vector.shape_cast %swap3A_85 : vector<1x16xf32> to vector<16xf32>
        %swap3A_87 = vector.shape_cast %broadcast_in_dim3A_83 : vector<16xf32> to vector<1x16xf32>
        tpu.vector_store %arg8[%swap3A, %swap3A_84], %swap3A_87 {strides = array<i32>} : memref<128x128xf32, #tpu.memory_space<vmem>>, vector<1x16xf32>,
      }
      %scan3A_77 = arith.constant 8 : i32
    }
    %scan3A_4 = arith.constant 128 : i32
    %scan3A_5 = arith.constant 0 : i32
    %scan3A_6 = arith.constant 5 : i32
    %scan3A_7 = arith.addi %scan3A_5, %scan3A_6 : i32
    %scan3A_8 = arith.constant 1 : i32
    scf.for %scan3A_68 = %scan3A_5 to %scan3A_7 step %scan3A_8  : i32 {
      %mul3A_69 = arith.constant 1 : i32
      %mul3A_70 = arith.muli %scan3A_68, %mul3A_69 : i32
      %add3A_71 = arith.constant 0 : i32
      %add3A_72 = arith.addi %add3A_71, %mul3A_70 : i32
      %mul3A_73 = arith.constant 640 : i32
      %mul3A_74 = arith.muli %arg1, %mul3A_73 : i32
      %mul3A_75 = arith.constant 128 : i32
      %mul3A_76 = arith.muli %add3A_72, %mul3A_75 : i32
      %add3A_77 = arith.addi %mul3A_74, %mul3A_76 : i32
      "tpu.region"() ({
        %run_scoped3A = tpu.sem_alloc : memref<!tpu.dma_semaphore, #tpu.memory_space<semaphore_mem>>
        %dma_start3A_78 = arith.constant 0 : i32
        %dma_start3A_79 = tpu.memref_slice %arg10[%add3A_77, %dma_start3A_78] : memref<10240x128xf32, #tpu.memory_space<vmem_shared>> -> memref<128x128xf32, #tpu.memory_space<vmem_shared>>
        %dma_start3A_80 = arith.constant 0 : i32
        %dma_start3A_81 = tpu.memref_slice %arg10[%add3A_77, %dma_start3A_80] : memref<10240x128xf32, #tpu.memory_space<vmem_shared>> -> memref<128x128xf32, #tpu.memory_space<vmem_shared>>
        tpu.enqueue_dma source(%arg8 : memref<128x128xf32, #tpu.memory_space<vmem>>) target(%dma_start3A_81 : memref<128x128xf32, #tpu.memory_space<vmem_shared>>) target_semaphore(%run_scoped3A : memref<!tpu.dma_semaphore, #tpu.memory_space<semaphore_mem>>)
        %dma_wait3A = arith.constant 0 : i32
        %dma_wait3A_82 = tpu.memref_slice %arg10[%add3A_77, %dma_wait3A] : memref<10240x128xf32, #tpu.memory_space<vmem_shared>> -> memref<128x128xf32, #tpu.memory_space<vmem_shared>>
        %dma_wait3A_83 = arith.constant 0 : i32
        %dma_wait3A_84 = tpu.memref_slice %arg10[%add3A_77, %dma_wait3A_83] : memref<10240x128xf32, #tpu.memory_space<vmem_shared>> -> memref<128x128xf32, #tpu.memory_space<vmem_shared>>
        tpu.wait_dma2 semaphore(%run_scoped3A : memref<!tpu.dma_semaphore, #tpu.memory_space<semaphore_mem>>) src(%arg8 : memref<128x128xf32, #tpu.memory_space<vmem>>) dst(%dma_wait3A_84 : memref<128x128xf32, #tpu.memory_space<vmem_shared>>)
        tpu.yield
      }) : () -> ()
    }
    %scan3A_9 = arith.constant 5 : i32
    %barrier3A = arith.constant 0 : index
    tpu.barrier barrier_id(%barrier3A)
    %mul3A_10 = arith.constant 80 : i32
    %mul3A_11 = arith.muli %add3A, %mul3A_10 : i32
    %add3A_12 = arith.constant 0 : i32
    %add3A_13 = arith.addi %mul3A_11, %add3A_12 : i32
    "tpu.region"() ({
      %run_scoped3A = tpu.sem_alloc : memref<!tpu.dma_semaphore, #tpu.memory_space<semaphore_mem>>
      %dma_start3A_68 = arith.constant 0 : i32
      %dma_start3A_69 = tpu.memref_slice %arg3[%add3A_13, %dma_start3A_68] : memref<2560x128xi32, #tpu.memory_space<hbm>> -> memref<40x128xi32, #tpu.memory_space<hbm>>
      %dma_start3A_70 = arith.constant 0 : i32
      %dma_start3A_71 = tpu.memref_slice %arg3[%add3A_13, %dma_start3A_70] : memref<2560x128xi32, #tpu.memory_space<hbm>> -> memref<40x128xi32, #tpu.memory_space<hbm>>
      tpu.enqueue_dma source(%dma_start3A_71 : memref<40x128xi32, #tpu.memory_space<hbm>>) target(%arg6 : memref<40x128xi32, #tpu.memory_space<vmem>>) target_semaphore(%run_scoped3A : memref<!tpu.dma_semaphore, #tpu.memory_space<semaphore_mem>>)
      %dma_wait3A = arith.constant 0 : i32
      %dma_wait3A_72 = tpu.memref_slice %arg3[%add3A_13, %dma_wait3A] : memref<2560x128xi32, #tpu.memory_space<hbm>> -> memref<40x128xi32, #tpu.memory_space<hbm>>
      %dma_wait3A_73 = arith.constant 0 : i32
      %dma_wait3A_74 = tpu.memref_slice %arg3[%add3A_13, %dma_wait3A_73] : memref<2560x128xi32, #tpu.memory_space<hbm>> -> memref<40x128xi32, #tpu.memory_space<hbm>>
      tpu.wait_dma2 semaphore(%run_scoped3A : memref<!tpu.dma_semaphore, #tpu.memory_space<semaphore_mem>>) src(%dma_wait3A_74 : memref<40x128xi32, #tpu.memory_space<hbm>>) dst(%arg6 : memref<40x128xi32, #tpu.memory_space<vmem>>)
      tpu.yield
    }) : () -> ()
    %mul3A_14 = arith.constant 80 : i32
    %mul3A_15 = arith.muli %add3A, %mul3A_14 : i32
    %add3A_16 = arith.constant 0 : i32
    %add3A_17 = arith.addi %mul3A_15, %add3A_16 : i32
    "tpu.region"() ({
      %run_scoped3A = tpu.sem_alloc : memref<!tpu.dma_semaphore, #tpu.memory_space<semaphore_mem>>
      %dma_start3A_68 = arith.constant 0 : i32
      %dma_start3A_69 = tpu.memref_slice %arg4[%add3A_17, %dma_start3A_68] : memref<2560x128xi32, #tpu.memory_space<hbm>> -> memref<40x128xi32, #tpu.memory_space<hbm>>
      %dma_start3A_70 = arith.constant 0 : i32
      %dma_start3A_71 = tpu.memref_slice %arg4[%add3A_17, %dma_start3A_70] : memref<2560x128xi32, #tpu.memory_space<hbm>> -> memref<40x128xi32, #tpu.memory_space<hbm>>
      tpu.enqueue_dma source(%dma_start3A_71 : memref<40x128xi32, #tpu.memory_space<hbm>>) target(%arg7 : memref<40x128xi32, #tpu.memory_space<vmem>>) target_semaphore(%run_scoped3A : memref<!tpu.dma_semaphore, #tpu.memory_space<semaphore_mem>>)
      %dma_wait3A = arith.constant 0 : i32
      %dma_wait3A_72 = tpu.memref_slice %arg4[%add3A_17, %dma_wait3A] : memref<2560x128xi32, #tpu.memory_space<hbm>> -> memref<40x128xi32, #tpu.memory_space<hbm>>
      %dma_wait3A_73 = arith.constant 0 : i32
      %dma_wait3A_74 = tpu.memref_slice %arg4[%add3A_17, %dma_wait3A_73] : memref<2560x128xi32, #tpu.memory_space<hbm>> -> memref<40x128xi32, #tpu.memory_space<hbm>>
      tpu.wait_dma2 semaphore(%run_scoped3A : memref<!tpu.dma_semaphore, #tpu.memory_space<semaphore_mem>>) src(%dma_wait3A_74 : memref<40x128xi32, #tpu.memory_space<hbm>>) dst(%arg7 : memref<40x128xi32, #tpu.memory_space<vmem>>)
      tpu.yield
    }) : () -> ()
    %dma_start3A = arith.constant 0 : i32
    %dma_start3A_18 = arith.constant 0 : i32
    %dma_start3A_19 = tpu.memref_slice %arg6[%dma_start3A, %dma_start3A_18] : memref<40x128xi32, #tpu.memory_space<vmem>> -> memref<1x128xi32, #tpu.memory_space<vmem>>
    %dma_start3A_20 = tpu.memref_squeeze %dma_start3A_19 : memref<1x128xi32, #tpu.memory_space<vmem>> -> memref<128xi32, #tpu.memory_space<vmem>>
    %dma_start3A_21 = arith.constant 0 : i32
    %dma_start3A_22 = arith.constant 0 : i32
    %dma_start3A_23 = tpu.memref_slice %arg2[%dma_start3A_21, %dma_start3A_22] : memref<10000x128xf32, #tpu.memory_space<hbm>> -> memref<10000x128xf32, #tpu.memory_space<hbm>>
    tpu.enqueue_indirect_dma source(%dma_start3A_23 : memref<10000x128xf32, #tpu.memory_space<hbm>>) target(%arg8 : memref<128x128xf32, #tpu.memory_space<vmem>>) offsets(%dma_start3A_20 : memref<128xi32, #tpu.memory_space<vmem>>) semaphore(%arg11 : memref<!tpu.dma_semaphore, #tpu.memory_space<semaphore_mem>>)
    %dma_start3A_24 = arith.constant 1 : i32
    %dma_start3A_25 = arith.constant 0 : i32
    %dma_start3A_26 = tpu.memref_slice %arg6[%dma_start3A_24, %dma_start3A_25] : memref<40x128xi32, #tpu.memory_space<vmem>> -> memref<1x128xi32, #tpu.memory_space<vmem>>
    %dma_start3A_27 = tpu.memref_squeeze %dma_start3A_26 : memref<1x128xi32, #tpu.memory_space<vmem>> -> memref<128xi32, #tpu.memory_space<vmem>>
    %dma_start3A_28 = arith.constant 0 : i32
    %dma_start3A_29 = arith.constant 0 : i32
    %dma_start3A_30 = tpu.memref_slice %arg2[%dma_start3A_28, %dma_start3A_29] : memref<10000x128xf32, #tpu.memory_space<hbm>> -> memref<10000x128xf32, #tpu.memory_space<hbm>>
    tpu.enqueue_indirect_dma source(%dma_start3A_30 : memref<10000x128xf32, #tpu.memory_space<hbm>>) target(%arg9 : memref<128x128xf32, #tpu.memory_space<vmem>>) offsets(%dma_start3A_27 : memref<128xi32, #tpu.memory_space<vmem>>) semaphore(%arg12 : memref<!tpu.dma_semaphore, #tpu.memory_space<semaphore_mem>>)
    %scan3A_31 = arith.constant 0 : i32
    %scan3A_32 = arith.constant 20 : i32
    %scan3A_33 = arith.addi %scan3A_31, %scan3A_32 : i32
    %scan3A_34 = arith.constant 1 : i32
    scf.for %scan3A_68 = %scan3A_31 to %scan3A_33 step %scan3A_34  : i32 {
      %mul3A_69 = arith.constant 2 : i32
      %mul3A_70 = arith.muli %scan3A_68, %mul3A_69 : i32
      %add3A_71 = arith.constant 0 : i32
      %add3A_72 = arith.addi %add3A_71, %mul3A_70 : i32
      %dma_wait3A = arith.constant 0 : i32
      %dma_wait3A_73 = tpu.memref_slice %arg6[%add3A_72, %dma_wait3A] : memref<40x128xi32, #tpu.memory_space<vmem>> -> memref<1x128xi32, #tpu.memory_space<vmem>>
      %dma_wait3A_74 = tpu.memref_squeeze %dma_wait3A_73 : memref<1x128xi32, #tpu.memory_space<vmem>> -> memref<128xi32, #tpu.memory_space<vmem>>
      %dma_wait3A_75 = arith.constant 0 : i32
      %dma_wait3A_76 = arith.constant 0 : i32
      %dma_wait3A_77 = tpu.memref_slice %arg2[%dma_wait3A_75, %dma_wait3A_76] : memref<10000x128xf32, #tpu.memory_space<hbm>> -> memref<10000x128xf32, #tpu.memory_space<hbm>>
      tpu.wait_indirect_dma semaphore(%arg11 : memref<!tpu.dma_semaphore, #tpu.memory_space<semaphore_mem>>) src(%dma_wait3A_77 : memref<10000x128xf32, #tpu.memory_space<hbm>>) dst(%arg8 : memref<128x128xf32, #tpu.memory_space<vmem>>)
      "tpu.region"() ({
        %run_scoped3A = tpu.sem_alloc : memref<!tpu.dma_semaphore, #tpu.memory_space<semaphore_mem>>
        %dma_start3A_99 = arith.constant 0 : i32
        %dma_start3A_100 = tpu.memref_slice %arg7[%add3A_72, %dma_start3A_99] : memref<40x128xi32, #tpu.memory_space<vmem>> -> memref<1x128xi32, #tpu.memory_space<vmem>>
        %dma_start3A_101 = tpu.memref_squeeze %dma_start3A_100 : memref<1x128xi32, #tpu.memory_space<vmem>> -> memref<128xi32, #tpu.memory_space<vmem>>
        %dma_start3A_102 = arith.constant 0 : i32
        %dma_start3A_103 = arith.constant 0 : i32
        %dma_start3A_104 = tpu.memref_slice %arg10[%dma_start3A_102, %dma_start3A_103] : memref<10240x128xf32, #tpu.memory_space<vmem_shared>> -> memref<10240x128xf32, #tpu.memory_space<vmem_shared>>
        tpu.enqueue_indirect_dma source(%arg8 : memref<128x128xf32, #tpu.memory_space<vmem>>) target(%dma_start3A_104 : memref<10240x128xf32, #tpu.memory_space<vmem_shared>>) offsets(%dma_start3A_101 : memref<128xi32, #tpu.memory_space<vmem>>) semaphore(%run_scoped3A : memref<!tpu.dma_semaphore, #tpu.memory_space<semaphore_mem>>) {add = true}
        %dma_wait3A_105 = arith.constant 0 : i32
        %dma_wait3A_106 = tpu.memref_slice %arg7[%add3A_72, %dma_wait3A_105] : memref<40x128xi32, #tpu.memory_space<vmem>> -> memref<1x128xi32, #tpu.memory_space<vmem>>
        %dma_wait3A_107 = tpu.memref_squeeze %dma_wait3A_106 : memref<1x128xi32, #tpu.memory_space<vmem>> -> memref<128xi32, #tpu.memory_space<vmem>>
        %dma_wait3A_108 = arith.constant 0 : i32
        %dma_wait3A_109 = arith.constant 0 : i32
        %dma_wait3A_110 = tpu.memref_slice %arg10[%dma_wait3A_108, %dma_wait3A_109] : memref<10240x128xf32, #tpu.memory_space<vmem_shared>> -> memref<10240x128xf32, #tpu.memory_space<vmem_shared>>
        tpu.wait_indirect_dma semaphore(%run_scoped3A : memref<!tpu.dma_semaphore, #tpu.memory_space<semaphore_mem>>) src(%arg8 : memref<128x128xf32, #tpu.memory_space<vmem>>) dst(%dma_wait3A_110 : memref<10240x128xf32, #tpu.memory_space<vmem_shared>>)
        tpu.yield
      }) : () -> ()
      %add3A_78 = arith.constant 2 : i32
      %add3A_79 = arith.addi %add3A_72, %add3A_78 : i32
      %lt3A = arith.constant 40 : i32
      %lt3A_80 = arith.cmpi slt, %add3A_79, %lt3A : i32
      %convert_element_type3A = arith.extui %lt3A_80 : i1 to i32
      %cond3A = arith.constant 0 : i32
      %cond3A_81 = arith.cmpi ne, %convert_element_type3A, %cond3A : i32
      scf.if %cond3A_81 {
        %add3A_99 = arith.constant 2 : i32
        %add3A_100 = arith.addi %add3A_72, %add3A_99 : i32
        %dma_start3A_101 = arith.constant 0 : i32
        %dma_start3A_102 = tpu.memref_slice %arg6[%add3A_100, %dma_start3A_101] : memref<40x128xi32, #tpu.memory_space<vmem>> -> memref<1x128xi32, #tpu.memory_space<vmem>>
        %dma_start3A_103 = tpu.memref_squeeze %dma_start3A_102 : memref<1x128xi32, #tpu.memory_space<vmem>> -> memref<128xi32, #tpu.memory_space<vmem>>
        %dma_start3A_104 = arith.constant 0 : i32
        %dma_start3A_105 = arith.constant 0 : i32
        %dma_start3A_106 = tpu.memref_slice %arg2[%dma_start3A_104, %dma_start3A_105] : memref<10000x128xf32, #tpu.memory_space<hbm>> -> memref<10000x128xf32, #tpu.memory_space<hbm>>
        tpu.enqueue_indirect_dma source(%dma_start3A_106 : memref<10000x128xf32, #tpu.memory_space<hbm>>) target(%arg8 : memref<128x128xf32, #tpu.memory_space<vmem>>) offsets(%dma_start3A_103 : memref<128xi32, #tpu.memory_space<vmem>>) semaphore(%arg11 : memref<!tpu.dma_semaphore, #tpu.memory_space<semaphore_mem>>)
      } else {
      }
      %add3A_82 = arith.constant 1 : i32
      %add3A_83 = arith.addi %add3A_72, %add3A_82 : i32
      %dma_wait3A_84 = arith.constant 0 : i32
      %dma_wait3A_85 = tpu.memref_slice %arg6[%add3A_83, %dma_wait3A_84] : memref<40x128xi32, #tpu.memory_space<vmem>> -> memref<1x128xi32, #tpu.memory_space<vmem>>
      %dma_wait3A_86 = tpu.memref_squeeze %dma_wait3A_85 : memref<1x128xi32, #tpu.memory_space<vmem>> -> memref<128xi32, #tpu.memory_space<vmem>>
      %dma_wait3A_87 = arith.constant 0 : i32
      %dma_wait3A_88 = arith.constant 0 : i32
      %dma_wait3A_89 = tpu.memref_slice %arg2[%dma_wait3A_87, %dma_wait3A_88] : memref<10000x128xf32, #tpu.memory_space<hbm>> -> memref<10000x128xf32, #tpu.memory_space<hbm>>
      tpu.wait_indirect_dma semaphore(%arg12 : memref<!tpu.dma_semaphore, #tpu.memory_space<semaphore_mem>>) src(%dma_wait3A_89 : memref<10000x128xf32, #tpu.memory_space<hbm>>) dst(%arg9 : memref<128x128xf32, #tpu.memory_space<vmem>>)
      %add3A_90 = arith.constant 1 : i32
      %add3A_91 = arith.addi %add3A_72, %add3A_90 : i32
      "tpu.region"() ({
        %run_scoped3A = tpu.sem_alloc : memref<!tpu.dma_semaphore, #tpu.memory_space<semaphore_mem>>
        %dma_start3A_99 = arith.constant 0 : i32
        %dma_start3A_100 = tpu.memref_slice %arg7[%add3A_91, %dma_start3A_99] : memref<40x128xi32, #tpu.memory_space<vmem>> -> memref<1x128xi32, #tpu.memory_space<vmem>>
        %dma_start3A_101 = tpu.memref_squeeze %dma_start3A_100 : memref<1x128xi32, #tpu.memory_space<vmem>> -> memref<128xi32, #tpu.memory_space<vmem>>
        %dma_start3A_102 = arith.constant 0 : i32
        %dma_start3A_103 = arith.constant 0 : i32
        %dma_start3A_104 = tpu.memref_slice %arg10[%dma_start3A_102, %dma_start3A_103] : memref<10240x128xf32, #tpu.memory_space<vmem_shared>> -> memref<10240x128xf32, #tpu.memory_space<vmem_shared>>
        tpu.enqueue_indirect_dma source(%arg9 : memref<128x128xf32, #tpu.memory_space<vmem>>) target(%dma_start3A_104 : memref<10240x128xf32, #tpu.memory_space<vmem_shared>>) offsets(%dma_start3A_101 : memref<128xi32, #tpu.memory_space<vmem>>) semaphore(%run_scoped3A : memref<!tpu.dma_semaphore, #tpu.memory_space<semaphore_mem>>) {add = true}
        %dma_wait3A_105 = arith.constant 0 : i32
        %dma_wait3A_106 = tpu.memref_slice %arg7[%add3A_91, %dma_wait3A_105] : memref<40x128xi32, #tpu.memory_space<vmem>> -> memref<1x128xi32, #tpu.memory_space<vmem>>
        %dma_wait3A_107 = tpu.memref_squeeze %dma_wait3A_106 : memref<1x128xi32, #tpu.memory_space<vmem>> -> memref<128xi32, #tpu.memory_space<vmem>>
        %dma_wait3A_108 = arith.constant 0 : i32
        %dma_wait3A_109 = arith.constant 0 : i32
        %dma_wait3A_110 = tpu.memref_slice %arg10[%dma_wait3A_108, %dma_wait3A_109] : memref<10240x128xf32, #tpu.memory_space<vmem_shared>> -> memref<10240x128xf32, #tpu.memory_space<vmem_shared>>
        tpu.wait_indirect_dma semaphore(%run_scoped3A : memref<!tpu.dma_semaphore, #tpu.memory_space<semaphore_mem>>) src(%arg9 : memref<128x128xf32, #tpu.memory_space<vmem>>) dst(%dma_wait3A_110 : memref<10240x128xf32, #tpu.memory_space<vmem_shared>>)
        tpu.yield
      }) : () -> ()
      %add3A_92 = arith.constant 3 : i32
      %add3A_93 = arith.addi %add3A_72, %add3A_92 : i32
      %lt3A_94 = arith.constant 40 : i32
      %lt3A_95 = arith.cmpi slt, %add3A_93, %lt3A_94 : i32
      %convert_element_type3A_96 = arith.extui %lt3A_95 : i1 to i32
      %cond3A_97 = arith.constant 0 : i32
      %cond3A_98 = arith.cmpi ne, %convert_element_type3A_96, %cond3A_97 : i32
      scf.if %cond3A_98 {
        %add3A_99 = arith.constant 3 : i32
        %add3A_100 = arith.addi %add3A_72, %add3A_99 : i32
        %dma_start3A_101 = arith.constant 0 : i32
        %dma_start3A_102 = tpu.memref_slice %arg6[%add3A_100, %dma_start3A_101] : memref<40x128xi32, #tpu.memory_space<vmem>> -> memref<1x128xi32, #tpu.memory_space<vmem>>
        %dma_start3A_103 = tpu.memref_squeeze %dma_start3A_102 : memref<1x128xi32, #tpu.memory_space<vmem>> -> memref<128xi32, #tpu.memory_space<vmem>>
        %dma_start3A_104 = arith.constant 0 : i32
        %dma_start3A_105 = arith.constant 0 : i32
        %dma_start3A_106 = tpu.memref_slice %arg2[%dma_start3A_104, %dma_start3A_105] : memref<10000x128xf32, #tpu.memory_space<hbm>> -> memref<10000x128xf32, #tpu.memory_space<hbm>>
        tpu.enqueue_indirect_dma source(%dma_start3A_106 : memref<10000x128xf32, #tpu.memory_space<hbm>>) target(%arg9 : memref<128x128xf32, #tpu.memory_space<vmem>>) offsets(%dma_start3A_103 : memref<128xi32, #tpu.memory_space<vmem>>) semaphore(%arg12 : memref<!tpu.dma_semaphore, #tpu.memory_space<semaphore_mem>>)
      } else {
      }
    }
    %scan3A_35 = arith.constant 20 : i32
    %mul3A_36 = arith.constant 80 : i32
    %mul3A_37 = arith.muli %add3A, %mul3A_36 : i32
    %add3A_38 = arith.constant 40 : i32
    %add3A_39 = arith.addi %mul3A_37, %add3A_38 : i32
    "tpu.region"() ({
      %run_scoped3A = tpu.sem_alloc : memref<!tpu.dma_semaphore, #tpu.memory_space<semaphore_mem>>
      %dma_start3A_68 = arith.constant 0 : i32
      %dma_start3A_69 = tpu.memref_slice %arg3[%add3A_39, %dma_start3A_68] : memref<2560x128xi32, #tpu.memory_space<hbm>> -> memref<40x128xi32, #tpu.memory_space<hbm>>
      %dma_start3A_70 = arith.constant 0 : i32
      %dma_start3A_71 = tpu.memref_slice %arg3[%add3A_39, %dma_start3A_70] : memref<2560x128xi32, #tpu.memory_space<hbm>> -> memref<40x128xi32, #tpu.memory_space<hbm>>
      tpu.enqueue_dma source(%dma_start3A_71 : memref<40x128xi32, #tpu.memory_space<hbm>>) target(%arg6 : memref<40x128xi32, #tpu.memory_space<vmem>>) target_semaphore(%run_scoped3A : memref<!tpu.dma_semaphore, #tpu.memory_space<semaphore_mem>>)
      %dma_wait3A = arith.constant 0 : i32
      %dma_wait3A_72 = tpu.memref_slice %arg3[%add3A_39, %dma_wait3A] : memref<2560x128xi32, #tpu.memory_space<hbm>> -> memref<40x128xi32, #tpu.memory_space<hbm>>
      %dma_wait3A_73 = arith.constant 0 : i32
      %dma_wait3A_74 = tpu.memref_slice %arg3[%add3A_39, %dma_wait3A_73] : memref<2560x128xi32, #tpu.memory_space<hbm>> -> memref<40x128xi32, #tpu.memory_space<hbm>>
      tpu.wait_dma2 semaphore(%run_scoped3A : memref<!tpu.dma_semaphore, #tpu.memory_space<semaphore_mem>>) src(%dma_wait3A_74 : memref<40x128xi32, #tpu.memory_space<hbm>>) dst(%arg6 : memref<40x128xi32, #tpu.memory_space<vmem>>)
      tpu.yield
    }) : () -> ()
    %mul3A_40 = arith.constant 80 : i32
    %mul3A_41 = arith.muli %add3A, %mul3A_40 : i32
    %add3A_42 = arith.constant 40 : i32
    %add3A_43 = arith.addi %mul3A_41, %add3A_42 : i32
    "tpu.region"() ({
      %run_scoped3A = tpu.sem_alloc : memref<!tpu.dma_semaphore, #tpu.memory_space<semaphore_mem>>
      %dma_start3A_68 = arith.constant 0 : i32
      %dma_start3A_69 = tpu.memref_slice %arg4[%add3A_43, %dma_start3A_68] : memref<2560x128xi32, #tpu.memory_space<hbm>> -> memref<40x128xi32, #tpu.memory_space<hbm>>
      %dma_start3A_70 = arith.constant 0 : i32
      %dma_start3A_71 = tpu.memref_slice %arg4[%add3A_43, %dma_start3A_70] : memref<2560x128xi32, #tpu.memory_space<hbm>> -> memref<40x128xi32, #tpu.memory_space<hbm>>
      tpu.enqueue_dma source(%dma_start3A_71 : memref<40x128xi32, #tpu.memory_space<hbm>>) target(%arg7 : memref<40x128xi32, #tpu.memory_space<vmem>>) target_semaphore(%run_scoped3A : memref<!tpu.dma_semaphore, #tpu.memory_space<semaphore_mem>>)
      %dma_wait3A = arith.constant 0 : i32
      %dma_wait3A_72 = tpu.memref_slice %arg4[%add3A_43, %dma_wait3A] : memref<2560x128xi32, #tpu.memory_space<hbm>> -> memref<40x128xi32, #tpu.memory_space<hbm>>
      %dma_wait3A_73 = arith.constant 0 : i32
      %dma_wait3A_74 = tpu.memref_slice %arg4[%add3A_43, %dma_wait3A_73] : memref<2560x128xi32, #tpu.memory_space<hbm>> -> memref<40x128xi32, #tpu.memory_space<hbm>>
      tpu.wait_dma2 semaphore(%run_scoped3A : memref<!tpu.dma_semaphore, #tpu.memory_space<semaphore_mem>>) src(%dma_wait3A_74 : memref<40x128xi32, #tpu.memory_space<hbm>>) dst(%arg7 : memref<40x128xi32, #tpu.memory_space<vmem>>)
      tpu.yield
    }) : () -> ()
    %dma_start3A_44 = arith.constant 0 : i32
    %dma_start3A_45 = arith.constant 0 : i32
    %dma_start3A_46 = tpu.memref_slice %arg6[%dma_start3A_44, %dma_start3A_45] : memref<40x128xi32, #tpu.memory_space<vmem>> -> memref<1x128xi32, #tpu.memory_space<vmem>>
    %dma_start3A_47 = tpu.memref_squeeze %dma_start3A_46 : memref<1x128xi32, #tpu.memory_space<vmem>> -> memref<128xi32, #tpu.memory_space<vmem>>
    %dma_start3A_48 = arith.constant 0 : i32
    %dma_start3A_49 = arith.constant 0 : i32
    %dma_start3A_50 = tpu.memref_slice %arg2[%dma_start3A_48, %dma_start3A_49] : memref<10000x128xf32, #tpu.memory_space<hbm>> -> memref<10000x128xf32, #tpu.memory_space<hbm>>
    tpu.enqueue_indirect_dma source(%dma_start3A_50 : memref<10000x128xf32, #tpu.memory_space<hbm>>) target(%arg8 : memref<128x128xf32, #tpu.memory_space<vmem>>) offsets(%dma_start3A_47 : memref<128xi32, #tpu.memory_space<vmem>>) semaphore(%arg11 : memref<!tpu.dma_semaphore, #tpu.memory_space<semaphore_mem>>)
    %dma_start3A_51 = arith.constant 1 : i32
    %dma_start3A_52 = arith.constant 0 : i32
    %dma_start3A_53 = tpu.memref_slice %arg6[%dma_start3A_51, %dma_start3A_52] : memref<40x128xi32, #tpu.memory_space<vmem>> -> memref<1x128xi32, #tpu.memory_space<vmem>>
    %dma_start3A_54 = tpu.memref_squeeze %dma_start3A_53 : memref<1x128xi32, #tpu.memory_space<vmem>> -> memref<128xi32, #tpu.memory_space<vmem>>
    %dma_start3A_55 = arith.constant 0 : i32
    %dma_start3A_56 = arith.constant 0 : i32
    %dma_start3A_57 = tpu.memref_slice %arg2[%dma_start3A_55, %dma_start3A_56] : memref<10000x128xf32, #tpu.memory_space<hbm>> -> memref<10000x128xf32, #tpu.memory_space<hbm>>
    tpu.enqueue_indirect_dma source(%dma_start3A_57 : memref<10000x128xf32, #tpu.memory_space<hbm>>) target(%arg9 : memref<128x128xf32, #tpu.memory_space<vmem>>) offsets(%dma_start3A_54 : memref<128xi32, #tpu.memory_space<vmem>>) semaphore(%arg12 : memref<!tpu.dma_semaphore, #tpu.memory_space<semaphore_mem>>)
    %scan3A_58 = arith.constant 0 : i32
    %scan3A_59 = arith.constant 20 : i32
    %scan3A_60 = arith.addi %scan3A_58, %scan3A_59 : i32
    %scan3A_61 = arith.constant 1 : i32
    scf.for %scan3A_68 = %scan3A_58 to %scan3A_60 step %scan3A_61  : i32 {
      %mul3A_69 = arith.constant 2 : i32
      %mul3A_70 = arith.muli %scan3A_68, %mul3A_69 : i32
      %add3A_71 = arith.constant 0 : i32
      %add3A_72 = arith.addi %add3A_71, %mul3A_70 : i32
      %dma_wait3A = arith.constant 0 : i32
      %dma_wait3A_73 = tpu.memref_slice %arg6[%add3A_72, %dma_wait3A] : memref<40x128xi32, #tpu.memory_space<vmem>> -> memref<1x128xi32, #tpu.memory_space<vmem>>
      %dma_wait3A_74 = tpu.memref_squeeze %dma_wait3A_73 : memref<1x128xi32, #tpu.memory_space<vmem>> -> memref<128xi32, #tpu.memory_space<vmem>>
      %dma_wait3A_75 = arith.constant 0 : i32
      %dma_wait3A_76 = arith.constant 0 : i32
      %dma_wait3A_77 = tpu.memref_slice %arg2[%dma_wait3A_75, %dma_wait3A_76] : memref<10000x128xf32, #tpu.memory_space<hbm>> -> memref<10000x128xf32, #tpu.memory_space<hbm>>
      tpu.wait_indirect_dma semaphore(%arg11 : memref<!tpu.dma_semaphore, #tpu.memory_space<semaphore_mem>>) src(%dma_wait3A_77 : memref<10000x128xf32, #tpu.memory_space<hbm>>) dst(%arg8 : memref<128x128xf32, #tpu.memory_space<vmem>>)
      "tpu.region"() ({
        %run_scoped3A = tpu.sem_alloc : memref<!tpu.dma_semaphore, #tpu.memory_space<semaphore_mem>>
        %dma_start3A_99 = arith.constant 0 : i32
        %dma_start3A_100 = tpu.memref_slice %arg7[%add3A_72, %dma_start3A_99] : memref<40x128xi32, #tpu.memory_space<vmem>> -> memref<1x128xi32, #tpu.memory_space<vmem>>
        %dma_start3A_101 = tpu.memref_squeeze %dma_start3A_100 : memref<1x128xi32, #tpu.memory_space<vmem>> -> memref<128xi32, #tpu.memory_space<vmem>>
        %dma_start3A_102 = arith.constant 0 : i32
        %dma_start3A_103 = arith.constant 0 : i32
        %dma_start3A_104 = tpu.memref_slice %arg10[%dma_start3A_102, %dma_start3A_103] : memref<10240x128xf32, #tpu.memory_space<vmem_shared>> -> memref<10240x128xf32, #tpu.memory_space<vmem_shared>>
        tpu.enqueue_indirect_dma source(%arg8 : memref<128x128xf32, #tpu.memory_space<vmem>>) target(%dma_start3A_104 : memref<10240x128xf32, #tpu.memory_space<vmem_shared>>) offsets(%dma_start3A_101 : memref<128xi32, #tpu.memory_space<vmem>>) semaphore(%run_scoped3A : memref<!tpu.dma_semaphore, #tpu.memory_space<semaphore_mem>>) {add = true}
        %dma_wait3A_105 = arith.constant 0 : i32
        %dma_wait3A_106 = tpu.memref_slice %arg7[%add3A_72, %dma_wait3A_105] : memref<40x128xi32, #tpu.memory_space<vmem>> -> memref<1x128xi32, #tpu.memory_space<vmem>>
        %dma_wait3A_107 = tpu.memref_squeeze %dma_wait3A_106 : memref<1x128xi32, #tpu.memory_space<vmem>> -> memref<128xi32, #tpu.memory_space<vmem>>
        %dma_wait3A_108 = arith.constant 0 : i32
        %dma_wait3A_109 = arith.constant 0 : i32
        %dma_wait3A_110 = tpu.memref_slice %arg10[%dma_wait3A_108, %dma_wait3A_109] : memref<10240x128xf32, #tpu.memory_space<vmem_shared>> -> memref<10240x128xf32, #tpu.memory_space<vmem_shared>>
        tpu.wait_indirect_dma semaphore(%run_scoped3A : memref<!tpu.dma_semaphore, #tpu.memory_space<semaphore_mem>>) src(%arg8 : memref<128x128xf32, #tpu.memory_space<vmem>>) dst(%dma_wait3A_110 : memref<10240x128xf32, #tpu.memory_space<vmem_shared>>)
        tpu.yield
      }) : () -> ()
      %add3A_78 = arith.constant 2 : i32
      %add3A_79 = arith.addi %add3A_72, %add3A_78 : i32
      %lt3A = arith.constant 40 : i32
      %lt3A_80 = arith.cmpi slt, %add3A_79, %lt3A : i32
      %convert_element_type3A = arith.extui %lt3A_80 : i1 to i32
      %cond3A = arith.constant 0 : i32
      %cond3A_81 = arith.cmpi ne, %convert_element_type3A, %cond3A : i32
      scf.if %cond3A_81 {
        %add3A_99 = arith.constant 2 : i32
        %add3A_100 = arith.addi %add3A_72, %add3A_99 : i32
        %dma_start3A_101 = arith.constant 0 : i32
        %dma_start3A_102 = tpu.memref_slice %arg6[%add3A_100, %dma_start3A_101] : memref<40x128xi32, #tpu.memory_space<vmem>> -> memref<1x128xi32, #tpu.memory_space<vmem>>
        %dma_start3A_103 = tpu.memref_squeeze %dma_start3A_102 : memref<1x128xi32, #tpu.memory_space<vmem>> -> memref<128xi32, #tpu.memory_space<vmem>>
        %dma_start3A_104 = arith.constant 0 : i32
        %dma_start3A_105 = arith.constant 0 : i32
        %dma_start3A_106 = tpu.memref_slice %arg2[%dma_start3A_104, %dma_start3A_105] : memref<10000x128xf32, #tpu.memory_space<hbm>> -> memref<10000x128xf32, #tpu.memory_space<hbm>>
        tpu.enqueue_indirect_dma source(%dma_start3A_106 : memref<10000x128xf32, #tpu.memory_space<hbm>>) target(%arg8 : memref<128x128xf32, #tpu.memory_space<vmem>>) offsets(%dma_start3A_103 : memref<128xi32, #tpu.memory_space<vmem>>) semaphore(%arg11 : memref<!tpu.dma_semaphore, #tpu.memory_space<semaphore_mem>>)
      } else {
      }
      %add3A_82 = arith.constant 1 : i32
      %add3A_83 = arith.addi %add3A_72, %add3A_82 : i32
      %dma_wait3A_84 = arith.constant 0 : i32
      %dma_wait3A_85 = tpu.memref_slice %arg6[%add3A_83, %dma_wait3A_84] : memref<40x128xi32, #tpu.memory_space<vmem>> -> memref<1x128xi32, #tpu.memory_space<vmem>>
      %dma_wait3A_86 = tpu.memref_squeeze %dma_wait3A_85 : memref<1x128xi32, #tpu.memory_space<vmem>> -> memref<128xi32, #tpu.memory_space<vmem>>
      %dma_wait3A_87 = arith.constant 0 : i32
      %dma_wait3A_88 = arith.constant 0 : i32
      %dma_wait3A_89 = tpu.memref_slice %arg2[%dma_wait3A_87, %dma_wait3A_88] : memref<10000x128xf32, #tpu.memory_space<hbm>> -> memref<10000x128xf32, #tpu.memory_space<hbm>>
      tpu.wait_indirect_dma semaphore(%arg12 : memref<!tpu.dma_semaphore, #tpu.memory_space<semaphore_mem>>) src(%dma_wait3A_89 : memref<10000x128xf32, #tpu.memory_space<hbm>>) dst(%arg9 : memref<128x128xf32, #tpu.memory_space<vmem>>)
      %add3A_90 = arith.constant 1 : i32
      %add3A_91 = arith.addi %add3A_72, %add3A_90 : i32
      "tpu.region"() ({
        %run_scoped3A = tpu.sem_alloc : memref<!tpu.dma_semaphore, #tpu.memory_space<semaphore_mem>>
        %dma_start3A_99 = arith.constant 0 : i32
        %dma_start3A_100 = tpu.memref_slice %arg7[%add3A_91, %dma_start3A_99] : memref<40x128xi32, #tpu.memory_space<vmem>> -> memref<1x128xi32, #tpu.memory_space<vmem>>
        %dma_start3A_101 = tpu.memref_squeeze %dma_start3A_100 : memref<1x128xi32, #tpu.memory_space<vmem>> -> memref<128xi32, #tpu.memory_space<vmem>>
        %dma_start3A_102 = arith.constant 0 : i32
        %dma_start3A_103 = arith.constant 0 : i32
        %dma_start3A_104 = tpu.memref_slice %arg10[%dma_start3A_102, %dma_start3A_103] : memref<10240x128xf32, #tpu.memory_space<vmem_shared>> -> memref<10240x128xf32, #tpu.memory_space<vmem_shared>>
        tpu.enqueue_indirect_dma source(%arg9 : memref<128x128xf32, #tpu.memory_space<vmem>>) target(%dma_start3A_104 : memref<10240x128xf32, #tpu.memory_space<vmem_shared>>) offsets(%dma_start3A_101 : memref<128xi32, #tpu.memory_space<vmem>>) semaphore(%run_scoped3A : memref<!tpu.dma_semaphore, #tpu.memory_space<semaphore_mem>>) {add = true}
        %dma_wait3A_105 = arith.constant 0 : i32
        %dma_wait3A_106 = tpu.memref_slice %arg7[%add3A_91, %dma_wait3A_105] : memref<40x128xi32, #tpu.memory_space<vmem>> -> memref<1x128xi32, #tpu.memory_space<vmem>>
        %dma_wait3A_107 = tpu.memref_squeeze %dma_wait3A_106 : memref<1x128xi32, #tpu.memory_space<vmem>> -> memref<128xi32, #tpu.memory_space<vmem>>
        %dma_wait3A_108 = arith.constant 0 : i32
        %dma_wait3A_109 = arith.constant 0 : i32
        %dma_wait3A_110 = tpu.memref_slice %arg10[%dma_wait3A_108, %dma_wait3A_109] : memref<10240x128xf32, #tpu.memory_space<vmem_shared>> -> memref<10240x128xf32, #tpu.memory_space<vmem_shared>>
        tpu.wait_indirect_dma semaphore(%run_scoped3A : memref<!tpu.dma_semaphore, #tpu.memory_space<semaphore_mem>>) src(%arg9 : memref<128x128xf32, #tpu.memory_space<vmem>>) dst(%dma_wait3A_110 : memref<10240x128xf32, #tpu.memory_space<vmem_shared>>)
        tpu.yield
      }) : () -> ()
      %add3A_92 = arith.constant 3 : i32
      %add3A_93 = arith.addi %add3A_72, %add3A_92 : i32
      %lt3A_94 = arith.constant 40 : i32
      %lt3A_95 = arith.cmpi slt, %add3A_93, %lt3A_94 : i32
      %convert_element_type3A_96 = arith.extui %lt3A_95 : i1 to i32
      %cond3A_97 = arith.constant 0 : i32
      %cond3A_98 = arith.cmpi ne, %convert_element_type3A_96, %cond3A_97 : i32
      scf.if %cond3A_98 {
        %add3A_99 = arith.constant 3 : i32
        %add3A_100 = arith.addi %add3A_72, %add3A_99 : i32
        %dma_start3A_101 = arith.constant 0 : i32
        %dma_start3A_102 = tpu.memref_slice %arg6[%add3A_100, %dma_start3A_101] : memref<40x128xi32, #tpu.memory_space<vmem>> -> memref<1x128xi32, #tpu.memory_space<vmem>>
        %dma_start3A_103 = tpu.memref_squeeze %dma_start3A_102 : memref<1x128xi32, #tpu.memory_space<vmem>> -> memref<128xi32, #tpu.memory_space<vmem>>
        %dma_start3A_104 = arith.constant 0 : i32
        %dma_start3A_105 = arith.constant 0 : i32
        %dma_start3A_106 = tpu.memref_slice %arg2[%dma_start3A_104, %dma_start3A_105] : memref<10000x128xf32, #tpu.memory_space<hbm>> -> memref<10000x128xf32, #tpu.memory_space<hbm>>
        tpu.enqueue_indirect_dma source(%dma_start3A_106 : memref<10000x128xf32, #tpu.memory_space<hbm>>) target(%arg9 : memref<128x128xf32, #tpu.memory_space<vmem>>) offsets(%dma_start3A_103 : memref<128xi32, #tpu.memory_space<vmem>>) semaphore(%arg12 : memref<!tpu.dma_semaphore, #tpu.memory_space<semaphore_mem>>)
      } else {
      }
    }
    %scan3A_62 = arith.constant 20 : i32
    %barrier3A_63 = arith.constant 0 : index
    tpu.barrier barrier_id(%barrier3A_63)
    %mul3A_64 = arith.constant 640 : i32
    %mul3A_65 = arith.muli %arg1, %mul3A_64 : i32
    %mul3A_66 = arith.constant 640 : i32
    %mul3A_67 = arith.muli %arg1, %mul3A_66 : i32
    "tpu.region"() ({
      %run_scoped3A = tpu.sem_alloc : memref<!tpu.dma_semaphore, #tpu.memory_space<semaphore_mem>>
      %dma_start3A_68 = arith.constant 0 : i32
      %dma_start3A_69 = tpu.memref_slice %arg5[%arg0, %mul3A_67, %dma_start3A_68] : memref<2x10240x128xf32, #tpu.memory_space<hbm>> -> memref<1x640x128xf32, #tpu.memory_space<hbm>>
      %dma_start3A_70 = tpu.memref_squeeze %dma_start3A_69 : memref<1x640x128xf32, #tpu.memory_space<hbm>> -> memref<640x128xf32, #tpu.memory_space<hbm>>
      %dma_start3A_71 = arith.constant 0 : i32
      %dma_start3A_72 = tpu.memref_slice %arg10[%mul3A_65, %dma_start3A_71] : memref<10240x128xf32, #tpu.memory_space<vmem_shared>> -> memref<640x128xf32, #tpu.memory_space<vmem_shared>>
      tpu.enqueue_dma source(%dma_start3A_72 : memref<640x128xf32, #tpu.memory_space<vmem_shared>>) target(%dma_start3A_70 : memref<640x128xf32, #tpu.memory_space<hbm>>) target_semaphore(%run_scoped3A : memref<!tpu.dma_semaphore, #tpu.memory_space<semaphore_mem>>)
      %dma_wait3A = arith.constant 0 : i32
      %dma_wait3A_73 = tpu.memref_slice %arg5[%arg0, %mul3A_67, %dma_wait3A] : memref<2x10240x128xf32, #tpu.memory_space<hbm>> -> memref<1x640x128xf32, #tpu.memory_space<hbm>>
      %dma_wait3A_74 = tpu.memref_squeeze %dma_wait3A_73 : memref<1x640x128xf32, #tpu.memory_space<hbm>> -> memref<640x128xf32, #tpu.memory_space<hbm>>
      %dma_wait3A_75 = arith.constant 0 : i32
      %dma_wait3A_76 = tpu.memref_slice %arg10[%mul3A_65, %dma_wait3A_75] : memref<10240x128xf32, #tpu.memory_space<vmem_shared>> -> memref<640x128xf32, #tpu.memory_space<vmem_shared>>
      tpu.wait_dma2 semaphore(%run_scoped3A : memref<!tpu.dma_semaphore, #tpu.memory_space<semaphore_mem>>) src(%dma_wait3A_76 : memref<640x128xf32, #tpu.memory_space<vmem_shared>>) dst(%dma_wait3A_74 : memref<640x128xf32, #tpu.memory_space<hbm>>)
      tpu.yield
    }) : () -> ()
    return
  }
}

module attributes {stable_mosaic.version = 14 : i64} {
  func.func @_layer_body(%arg0: i32, %arg1: memref<2x1000x128xf32, #tpu.memory_space<vmem>>, %arg2: memref<1000x128xf32, #tpu.memory_space<vmem>>, %arg3: memref<128x128xf32, #tpu.memory_space<vmem>>, %arg4: memref<128x128xf32, #tpu.memory_space<vmem>>, %arg5: memref<1x128xf32, #tpu.memory_space<vmem>>, %arg6: memref<1000x128xf32, #tpu.memory_space<vmem>>) attributes {dimension_semantics = [#tpu.dimension_semantics<arbitrary>], iteration_bounds = array<i64: 10>, scalar_prefetch = 0 : i64, scratch_operands = 0 : i64, tpu.core_type = #tpu.core_type<tc>, window_params = [{transform_indices = @transform_0, window_bounds = array<i64: 2, 1000, 128>}, {transform_indices = @transform_1, window_bounds = array<i64: 1000, 128>}, {pipeline_mode = #tpu.pipeline_mode<synchronous>, transform_indices = @transform_2, window_bounds = array<i64: 128, 128>}, {pipeline_mode = #tpu.pipeline_mode<synchronous>, transform_indices = @transform_3, window_bounds = array<i64: 128, 128>}, {pipeline_mode = #tpu.pipeline_mode<synchronous>, transform_indices = @transform_4, window_bounds = array<i64: 1, 128>}, {transform_indices = @transform_5, window_bounds = array<i64: 1000, 128>}]} {
    %get3A = arith.constant 0 : index
    %get3A_0 = arith.constant 0 : index
    %get3A_1 = arith.constant 0 : index
    %get3A_2 = vector.load %arg1[%get3A, %get3A_0, %get3A_1] : memref<2x1000x128xf32, #tpu.memory_space<vmem>>, vector<1x1000x128xf32>
    %get3A_3 = vector.shape_cast %get3A_2 : vector<1x1000x128xf32> to vector<1000x128xf32>
    %get3A_4 = arith.constant 1 : index
    %get3A_5 = arith.constant 0 : index
    %get3A_6 = arith.constant 0 : index
    %get3A_7 = vector.load %arg1[%get3A_4, %get3A_5, %get3A_6] : memref<2x1000x128xf32, #tpu.memory_space<vmem>>, vector<1x1000x128xf32>
    %get3A_8 = vector.shape_cast %get3A_7 : vector<1x1000x128xf32> to vector<1000x128xf32>
    %add3A = arith.addf %get3A_3, %get3A_8 : vector<1000x128xf32>
    %get3A_9 = arith.constant 0 : index
    %get3A_10 = arith.constant 0 : index
    %get3A_11 = vector.load %arg3[%get3A_9, %get3A_10] : memref<128x128xf32, #tpu.memory_space<vmem>>, vector<128x128xf32>
    %dot_general3A = arith.constant dense<0.000000e+00> : vector<1000x128xf32>
    %dot_general3A_12 = tpu.matmul %add3A, %get3A_11, %dot_general3A {dimension_numbers = #tpu.dot_dimension_numbers<[1], [0], [0], [1], [0, 0, 1, 1], [], []>, transpose_lhs_hint = false} : vector<1000x128xf32>, vector<128x128xf32>, vector<1000x128xf32> -> vector<1000x128xf32>
    %get3A_13 = arith.constant 0 : index
    %get3A_14 = arith.constant 0 : index
    %get3A_15 = vector.load %arg2[%get3A_13, %get3A_14] : memref<1000x128xf32, #tpu.memory_space<vmem>>, vector<1000x128xf32>
    %get3A_16 = arith.constant 0 : index
    %get3A_17 = arith.constant 0 : index
    %get3A_18 = vector.load %arg4[%get3A_16, %get3A_17] : memref<128x128xf32, #tpu.memory_space<vmem>>, vector<128x128xf32>
    %dot_general3A_19 = arith.constant dense<0.000000e+00> : vector<1000x128xf32>
    %dot_general3A_20 = tpu.matmul %get3A_15, %get3A_18, %dot_general3A_19 {dimension_numbers = #tpu.dot_dimension_numbers<[1], [0], [0], [1], [0, 0, 1, 1], [], []>, transpose_lhs_hint = false} : vector<1000x128xf32>, vector<128x128xf32>, vector<1000x128xf32> -> vector<1000x128xf32>
    %add3A_21 = arith.addf %dot_general3A_12, %dot_general3A_20 : vector<1000x128xf32>
    %get3A_22 = arith.constant 0 : index
    %get3A_23 = arith.constant 0 : index
    %get3A_24 = vector.load %arg5[%get3A_22, %get3A_23] : memref<1x128xf32, #tpu.memory_space<vmem>>, vector<1x128xf32>
    %add3A_25 = vector.broadcast %get3A_24 : vector<1x128xf32> to vector<1000x128xf32>
    %add3A_26 = arith.addf %add3A_21, %add3A_25 : vector<1000x128xf32>
    %max3A = arith.constant 0.000000e+00 : f32
    %max3A_27 = vector.broadcast %max3A : f32 to vector<1000x128xf32>
    %max3A_28 = arith.maximumf %add3A_26, %max3A_27 : vector<1000x128xf32>
    %swap3A = arith.constant 0 : index
    %swap3A_29 = arith.constant 0 : index
    %swap3A_30 = vector.load %arg6[%swap3A, %swap3A_29] : memref<1000x128xf32, #tpu.memory_space<vmem>>, vector<1000x128xf32>
    tpu.vector_store %arg6[%swap3A, %swap3A_29], %max3A_28 {strides = array<i32>} : memref<1000x128xf32, #tpu.memory_space<vmem>>, vector<1000x128xf32>,
    return
  }
  func.func @transform_0(%arg0: i32) -> (i32, i32, i32) {
    %c0_i32 = arith.constant 0 : i32
    %c0_i32_0 = arith.constant 0 : i32
    %c0_i32_1 = arith.constant 0 : i32
    return %c0_i32, %arg0, %c0_i32_0 : i32, i32, i32
  }
  func.func @transform_1(%arg0: i32) -> (i32, i32) {
    %c0_i32 = arith.constant 0 : i32
    %c0_i32_0 = arith.constant 0 : i32
    return %arg0, %c0_i32 : i32, i32
  }
  func.func @transform_2(%arg0: i32) -> (i32, i32) {
    %c0_i32 = arith.constant 0 : i32
    %c0_i32_0 = arith.constant 0 : i32
    %c0_i32_1 = arith.constant 0 : i32
    return %c0_i32, %c0_i32_0 : i32, i32
  }
  func.func @transform_3(%arg0: i32) -> (i32, i32) {
    %c0_i32 = arith.constant 0 : i32
    %c0_i32_0 = arith.constant 0 : i32
    %c0_i32_1 = arith.constant 0 : i32
    return %c0_i32, %c0_i32_0 : i32, i32
  }
  func.func @transform_4(%arg0: i32) -> (i32, i32) {
    %c0_i32 = arith.constant 0 : i32
    %c0_i32_0 = arith.constant 0 : i32
    %c0_i32_1 = arith.constant 0 : i32
    return %c0_i32, %c0_i32_0 : i32, i32
  }
  func.func @transform_5(%arg0: i32) -> (i32, i32) {
    %c0_i32 = arith.constant 0 : i32
    %c0_i32_0 = arith.constant 0 : i32
    return %arg0, %c0_i32 : i32, i32
  }
}

module attributes {stable_mosaic.version = 14 : i64} {
  func.func @_final_body(%arg0: i32, %arg1: memref<2x1000x128xf32, #tpu.memory_space<vmem>>, %arg2: memref<1000x128xf32, #tpu.memory_space<vmem>>, %arg3: memref<128x128xf32, #tpu.memory_space<vmem>>, %arg4: memref<128x128xf32, #tpu.memory_space<vmem>>, %arg5: memref<1x128xf32, #tpu.memory_space<vmem>>, %arg6: memref<1x1x1000xi32, #tpu.memory_space<vmem>>, %arg7: memref<128x256xf32, #tpu.memory_space<vmem>>, %arg8: memref<1x256xf32, #tpu.memory_space<vmem>>, %arg9: memref<256x64xf32, #tpu.memory_space<vmem>>, %arg10: memref<1x64xf32, #tpu.memory_space<vmem>>, %arg11: memref<128x64xf32, #tpu.memory_space<vmem>>, %arg12: memref<128x128xf32, #tpu.memory_space<vmem>>) attributes {dimension_semantics = [#tpu.dimension_semantics<arbitrary>], iteration_bounds = array<i64: 10>, scalar_prefetch = 0 : i64, scratch_operands = 0 : i64, tpu.core_type = #tpu.core_type<tc>, window_params = [{transform_indices = @transform_0, window_bounds = array<i64: 2, 1000, 128>}, {transform_indices = @transform_1, window_bounds = array<i64: 1000, 128>}, {pipeline_mode = #tpu.pipeline_mode<synchronous>, transform_indices = @transform_2, window_bounds = array<i64: 128, 128>}, {pipeline_mode = #tpu.pipeline_mode<synchronous>, transform_indices = @transform_3, window_bounds = array<i64: 128, 128>}, {pipeline_mode = #tpu.pipeline_mode<synchronous>, transform_indices = @transform_4, window_bounds = array<i64: 1, 128>}, {transform_indices = @transform_5, window_bounds = array<i64: 1, 1, 1000>}, {pipeline_mode = #tpu.pipeline_mode<synchronous>, transform_indices = @transform_6, window_bounds = array<i64: 128, 256>}, {pipeline_mode = #tpu.pipeline_mode<synchronous>, transform_indices = @transform_7, window_bounds = array<i64: 1, 256>}, {pipeline_mode = #tpu.pipeline_mode<synchronous>, transform_indices = @transform_8, window_bounds = array<i64: 256, 64>}, {pipeline_mode = #tpu.pipeline_mode<synchronous>, transform_indices = @transform_9, window_bounds = array<i64: 1, 64>}, {pipeline_mode = #tpu.pipeline_mode<synchronous>, transform_indices = @transform_10, window_bounds = array<i64: 128, 64>}, {pipeline_mode = #tpu.pipeline_mode<synchronous>, transform_indices = @transform_11, window_bounds = array<i64: 128, 128>}]} {
    %get3A = arith.constant 0 : index
    %get3A_0 = arith.constant 0 : index
    %get3A_1 = arith.constant 0 : index
    %get3A_2 = vector.load %arg1[%get3A, %get3A_0, %get3A_1] : memref<2x1000x128xf32, #tpu.memory_space<vmem>>, vector<1x1000x128xf32>
    %get3A_3 = vector.shape_cast %get3A_2 : vector<1x1000x128xf32> to vector<1000x128xf32>
    %get3A_4 = arith.constant 1 : index
    %get3A_5 = arith.constant 0 : index
    %get3A_6 = arith.constant 0 : index
    %get3A_7 = vector.load %arg1[%get3A_4, %get3A_5, %get3A_6] : memref<2x1000x128xf32, #tpu.memory_space<vmem>>, vector<1x1000x128xf32>
    %get3A_8 = vector.shape_cast %get3A_7 : vector<1x1000x128xf32> to vector<1000x128xf32>
    %add3A = arith.addf %get3A_3, %get3A_8 : vector<1000x128xf32>
    %get3A_9 = arith.constant 0 : index
    %get3A_10 = arith.constant 0 : index
    %get3A_11 = vector.load %arg3[%get3A_9, %get3A_10] : memref<128x128xf32, #tpu.memory_space<vmem>>, vector<128x128xf32>
    %dot_general3A = arith.constant dense<0.000000e+00> : vector<1000x128xf32>
    %dot_general3A_12 = tpu.matmul %add3A, %get3A_11, %dot_general3A {dimension_numbers = #tpu.dot_dimension_numbers<[1], [0], [0], [1], [0, 0, 1, 1], [], []>, transpose_lhs_hint = false} : vector<1000x128xf32>, vector<128x128xf32>, vector<1000x128xf32> -> vector<1000x128xf32>
    %get3A_13 = arith.constant 0 : index
    %get3A_14 = arith.constant 0 : index
    %get3A_15 = vector.load %arg2[%get3A_13, %get3A_14] : memref<1000x128xf32, #tpu.memory_space<vmem>>, vector<1000x128xf32>
    %get3A_16 = arith.constant 0 : index
    %get3A_17 = arith.constant 0 : index
    %get3A_18 = vector.load %arg4[%get3A_16, %get3A_17] : memref<128x128xf32, #tpu.memory_space<vmem>>, vector<128x128xf32>
    %dot_general3A_19 = arith.constant dense<0.000000e+00> : vector<1000x128xf32>
    %dot_general3A_20 = tpu.matmul %get3A_15, %get3A_18, %dot_general3A_19 {dimension_numbers = #tpu.dot_dimension_numbers<[1], [0], [0], [1], [0, 0, 1, 1], [], []>, transpose_lhs_hint = false} : vector<1000x128xf32>, vector<128x128xf32>, vector<1000x128xf32> -> vector<1000x128xf32>
    %add3A_21 = arith.addf %dot_general3A_12, %dot_general3A_20 : vector<1000x128xf32>
    %get3A_22 = arith.constant 0 : index
    %get3A_23 = arith.constant 0 : index
    %get3A_24 = vector.load %arg5[%get3A_22, %get3A_23] : memref<1x128xf32, #tpu.memory_space<vmem>>, vector<1x128xf32>
    %add3A_25 = vector.broadcast %get3A_24 : vector<1x128xf32> to vector<1000x128xf32>
    %add3A_26 = arith.addf %add3A_21, %add3A_25 : vector<1000x128xf32>
    %max3A = arith.constant 0.000000e+00 : f32
    %max3A_27 = vector.broadcast %max3A : f32 to vector<1000x128xf32>
    %max3A_28 = arith.maximumf %add3A_26, %max3A_27 : vector<1000x128xf32>
    %get3A_29 = arith.constant 0 : index
    %get3A_30 = arith.constant 0 : index
    %get3A_31 = arith.constant 0 : index
    %get3A_32 = vector.load %arg6[%get3A_29, %get3A_30, %get3A_31] : memref<1x1x1000xi32, #tpu.memory_space<vmem>>, vector<1x1x1000xi32>
    %get3A_33 = vector.shape_cast %get3A_32 : vector<1x1x1000xi32> to vector<1000xi32>
    %iota3A = tpu.iota {dimensions = array<i32: 0>} : vector<128x1000xi32>
    %broadcast_in_dim3A = vector.shape_cast %get3A_33 : vector<1000xi32> to vector<1x1000xi32>
    %eq3A = vector.broadcast %broadcast_in_dim3A : vector<1x1000xi32> to vector<128x1000xi32>
    %eq3A_34 = arith.cmpi eq, %iota3A, %eq3A : vector<128x1000xi32>
    %convert_element_type3A = arith.extui %eq3A_34 : vector<128x1000xi1> to vector<128x1000xi32>
    %convert_element_type3A_35 = arith.sitofp %convert_element_type3A : vector<128x1000xi32> to vector<128x1000xf32>
    %dot_general3A_36 = arith.constant dense<0.000000e+00> : vector<128x128xf32>
    %dot_general3A_37 = tpu.matmul %convert_element_type3A_35, %max3A_28, %dot_general3A_36 {dimension_numbers = #tpu.dot_dimension_numbers<[1], [0], [0], [1], [0, 0, 1, 1], [], []>, transpose_lhs_hint = false} : vector<128x1000xf32>, vector<1000x128xf32>, vector<128x128xf32> -> vector<128x128xf32>
    %eq3A_38 = arith.constant 0 : i32
    %eq3A_39 = arith.cmpi eq, %arg0, %eq3A_38 : i32
    %convert_element_type3A_40 = arith.extui %eq3A_39 : i1 to i32
    %cond3A = arith.constant 0 : i32
    %cond3A_41 = arith.cmpi ne, %convert_element_type3A_40, %cond3A : i32
    scf.if %cond3A_41 {
      %swap3A = arith.constant 0 : index
      %swap3A_51 = arith.constant 0 : index
      %swap3A_52 = vector.load %arg12[%swap3A, %swap3A_51] : memref<128x128xf32, #tpu.memory_space<vmem>>, vector<128x128xf32>
      tpu.vector_store %arg12[%swap3A, %swap3A_51], %dot_general3A_37 {strides = array<i32>} : memref<128x128xf32, #tpu.memory_space<vmem>>, vector<128x128xf32>,
    } else {
    }
    %gt3A = arith.constant 0 : i32
    %gt3A_42 = arith.cmpi sgt, %arg0, %gt3A : i32
    %convert_element_type3A_43 = arith.extui %gt3A_42 : i1 to i32
    %cond3A_44 = arith.constant 0 : i32
    %cond3A_45 = arith.cmpi ne, %convert_element_type3A_43, %cond3A_44 : i32
    scf.if %cond3A_45 {
      %get3A_51 = arith.constant 0 : index
      %get3A_52 = arith.constant 0 : index
      %get3A_53 = vector.load %arg12[%get3A_51, %get3A_52] : memref<128x128xf32, #tpu.memory_space<vmem>>, vector<128x128xf32>
      %add3A_54 = arith.addf %get3A_53, %dot_general3A_37 : vector<128x128xf32>
      %swap3A = arith.constant 0 : index
      %swap3A_55 = arith.constant 0 : index
      %swap3A_56 = vector.load %arg12[%swap3A, %swap3A_55] : memref<128x128xf32, #tpu.memory_space<vmem>>, vector<128x128xf32>
      tpu.vector_store %arg12[%swap3A, %swap3A_55], %add3A_54 {strides = array<i32>} : memref<128x128xf32, #tpu.memory_space<vmem>>, vector<128x128xf32>,
    } else {
    }
    %eq3A_46 = arith.constant 9 : i32
    %eq3A_47 = arith.cmpi eq, %arg0, %eq3A_46 : i32
    %convert_element_type3A_48 = arith.extui %eq3A_47 : i1 to i32
    %cond3A_49 = arith.constant 0 : i32
    %cond3A_50 = arith.cmpi ne, %convert_element_type3A_48, %cond3A_49 : i32
    scf.if %cond3A_50 {
      %get3A_51 = arith.constant 0 : index
      %get3A_52 = arith.constant 0 : index
      %get3A_53 = vector.load %arg12[%get3A_51, %get3A_52] : memref<128x128xf32, #tpu.memory_space<vmem>>, vector<128x128xf32>
      %get3A_54 = arith.constant 0 : index
      %get3A_55 = arith.constant 0 : index
      %get3A_56 = vector.load %arg7[%get3A_54, %get3A_55] : memref<128x256xf32, #tpu.memory_space<vmem>>, vector<128x256xf32>
      %dot_general3A_57 = arith.constant dense<0.000000e+00> : vector<128x256xf32>
      %dot_general3A_58 = tpu.matmul %get3A_53, %get3A_56, %dot_general3A_57 {dimension_numbers = #tpu.dot_dimension_numbers<[1], [0], [0], [1], [0, 0, 1, 1], [], []>, transpose_lhs_hint = false} : vector<128x128xf32>, vector<128x256xf32>, vector<128x256xf32> -> vector<128x256xf32>
      %get3A_59 = arith.constant 0 : index
      %get3A_60 = arith.constant 0 : index
      %get3A_61 = vector.load %arg8[%get3A_59, %get3A_60] : memref<1x256xf32, #tpu.memory_space<vmem>>, vector<1x256xf32>
      %add3A_62 = vector.broadcast %get3A_61 : vector<1x256xf32> to vector<128x256xf32>
      %add3A_63 = arith.addf %dot_general3A_58, %add3A_62 : vector<128x256xf32>
      %max3A_64 = arith.constant 0.000000e+00 : f32
      %max3A_65 = vector.broadcast %max3A_64 : f32 to vector<128x256xf32>
      %max3A_66 = arith.maximumf %add3A_63, %max3A_65 : vector<128x256xf32>
      %get3A_67 = arith.constant 0 : index
      %get3A_68 = arith.constant 0 : index
      %get3A_69 = vector.load %arg9[%get3A_67, %get3A_68] : memref<256x64xf32, #tpu.memory_space<vmem>>, vector<256x64xf32>
      %dot_general3A_70 = arith.constant dense<0.000000e+00> : vector<128x64xf32>
      %dot_general3A_71 = tpu.matmul %max3A_66, %get3A_69, %dot_general3A_70 {dimension_numbers = #tpu.dot_dimension_numbers<[1], [0], [0], [1], [0, 0, 1, 1], [], []>, transpose_lhs_hint = false} : vector<128x256xf32>, vector<256x64xf32>, vector<128x64xf32> -> vector<128x64xf32>
      %get3A_72 = arith.constant 0 : index
      %get3A_73 = arith.constant 0 : index
      %get3A_74 = vector.load %arg10[%get3A_72, %get3A_73] : memref<1x64xf32, #tpu.memory_space<vmem>>, vector<1x64xf32>
      %add3A_75 = vector.broadcast %get3A_74 : vector<1x64xf32> to vector<128x64xf32>
      %add3A_76 = arith.addf %dot_general3A_71, %add3A_75 : vector<128x64xf32>
      %logistic3A = arith.negf %add3A_76 : vector<128x64xf32>
      %logistic3A_77 = math.exp %logistic3A : vector<128x64xf32>
      %logistic3A_78 = arith.constant 1.000000e+00 : f32
      %logistic3A_79 = vector.broadcast %logistic3A_78 : f32 to vector<128x64xf32>
      %logistic3A_80 = arith.addf %logistic3A_79, %logistic3A_77 : vector<128x64xf32>
      %logistic3A_81 = arith.divf %logistic3A_79, %logistic3A_80 : vector<128x64xf32>
      %swap3A = arith.constant 0 : index
      %swap3A_82 = arith.constant 0 : index
      %swap3A_83 = vector.load %arg11[%swap3A, %swap3A_82] : memref<128x64xf32, #tpu.memory_space<vmem>>, vector<128x64xf32>
      tpu.vector_store %arg11[%swap3A, %swap3A_82], %logistic3A_81 {strides = array<i32>} : memref<128x64xf32, #tpu.memory_space<vmem>>, vector<128x64xf32>,
    } else {
    }
    return
  }
  func.func @transform_0(%arg0: i32) -> (i32, i32, i32) {
    %c0_i32 = arith.constant 0 : i32
    %c0_i32_0 = arith.constant 0 : i32
    %c0_i32_1 = arith.constant 0 : i32
    return %c0_i32, %arg0, %c0_i32_0 : i32, i32, i32
  }
  func.func @transform_1(%arg0: i32) -> (i32, i32) {
    %c0_i32 = arith.constant 0 : i32
    %c0_i32_0 = arith.constant 0 : i32
    return %arg0, %c0_i32 : i32, i32
  }
  func.func @transform_2(%arg0: i32) -> (i32, i32) {
    %c0_i32 = arith.constant 0 : i32
    %c0_i32_0 = arith.constant 0 : i32
    %c0_i32_1 = arith.constant 0 : i32
    return %c0_i32, %c0_i32_0 : i32, i32
  }
  func.func @transform_3(%arg0: i32) -> (i32, i32) {
    %c0_i32 = arith.constant 0 : i32
    %c0_i32_0 = arith.constant 0 : i32
    %c0_i32_1 = arith.constant 0 : i32
    return %c0_i32, %c0_i32_0 : i32, i32
  }
  func.func @transform_4(%arg0: i32) -> (i32, i32) {
    %c0_i32 = arith.constant 0 : i32
    %c0_i32_0 = arith.constant 0 : i32
    %c0_i32_1 = arith.constant 0 : i32
    return %c0_i32, %c0_i32_0 : i32, i32
  }
  func.func @transform_5(%arg0: i32) -> (i32, i32, i32) {
    %c0_i32 = arith.constant 0 : i32
    %c0_i32_0 = arith.constant 0 : i32
    %c0_i32_1 = arith.constant 0 : i32
    return %arg0, %c0_i32, %c0_i32_0 : i32, i32, i32
  }
  func.func @transform_6(%arg0: i32) -> (i32, i32) {
    %c0_i32 = arith.constant 0 : i32
    %c0_i32_0 = arith.constant 0 : i32
    %c0_i32_1 = arith.constant 0 : i32
    return %c0_i32, %c0_i32_0 : i32, i32
  }
  func.func @transform_7(%arg0: i32) -> (i32, i32) {
    %c0_i32 = arith.constant 0 : i32
    %c0_i32_0 = arith.constant 0 : i32
    %c0_i32_1 = arith.constant 0 : i32
    return %c0_i32, %c0_i32_0 : i32, i32
  }
  func.func @transform_8(%arg0: i32) -> (i32, i32) {
    %c0_i32 = arith.constant 0 : i32
    %c0_i32_0 = arith.constant 0 : i32
    %c0_i32_1 = arith.constant 0 : i32
    return %c0_i32, %c0_i32_0 : i32, i32
  }
  func.func @transform_9(%arg0: i32) -> (i32, i32) {
    %c0_i32 = arith.constant 0 : i32
    %c0_i32_0 = arith.constant 0 : i32
    %c0_i32_1 = arith.constant 0 : i32
    return %c0_i32, %c0_i32_0 : i32, i32
  }
  func.func @transform_10(%arg0: i32) -> (i32, i32) {
    %c0_i32 = arith.constant 0 : i32
    %c0_i32_0 = arith.constant 0 : i32
    %c0_i32_1 = arith.constant 0 : i32
    return %c0_i32, %c0_i32_0 : i32, i32
  }
  func.func @transform_11(%arg0: i32) -> (i32, i32) {
    %c0_i32 = arith.constant 0 : i32
    %c0_i32_0 = arith.constant 0 : i32
    %c0_i32_1 = arith.constant 0 : i32
    return %c0_i32, %c0_i32_0 : i32, i32
  }
}

</mosaic_0001>

<sc_bundles>
// kernel: kernel.11.cloned.1.call-start
scs
__scs_entry_jumppad:
0x0: {  	(pc) =	sbr.rel $0x88, $3  }
0x1: {  	(tag) =	ssettag $0x0;
	lr =	simm.s32 $0x1  }
0x2: {  	[smem:$0x3F91] =	sst lr;
	_ =	strace $0xD0000000  }
0x3: {  	_ = 	snop  }
0x4: {  	_ = 	snop  }
0x5: {  	_ = 	snop  }
0x6: {  	_ = 	snop  }
0x7: {  	_ = 	snop  }
__scs_overlays_trampoline_lowered:
0x8: {  	[smem:$0x3FA0] =	sst s0  }
0x9: {  	[smem:$0x3FA1] =	sst s1  }
0xa: {  	[smem:$0x3FA2] =	sst s2  }
0xb: {  	[smem:$0x3FA3] =	sst s3  }
0xc: {  	[smem:$0x3FA4] =	sst s4  }
0xd: {  	[smem:$0x3FA5] =	sst s5  }
0xe: {  	[smem:$0x3FA6] =	sst s6  }
0xf: {  	[smem:$0x3FA7] =	sst s7  }
0x10: {  	[smem:$0x3FA8] =	sst s8  }
0x11: {  	[smem:$0x3FA9] =	sst s9;
	s0 =	simm.s32 @!p0 $0x0  }
0x12: {  	s1 =	sld [smem:$0x3F8F];
	s0 =	simm.s32 @p0 $0x1  }
0x13: {  	[smem:$0x3FAA] =	sst s0;
	s0 =	simm.s32 @!p1 $0x0  }
0x14: {  	s2 =	sld [smem:$0x3F8E];
	s0 =	simm.s32 @p1 $0x1  }
0x15: {  	[smem:$0x3FAB] =	sst s0;
	s0 =	simm.s32 @!p2 $0x0  }
0x16: {  	s3 =	sld [smem:$0x3FDB];
	s0 =	simm.s32 @p2 $0x1  }
0x17: {  	s4 =	simm.s32 $0x1BF5;
	[smem:$0x3FAD] =	sst s0  }
0x18: {  	s0 =	sld [smem:$0x3F90];
	_ =	swait.ge [sflag:s4], $0x0  }
0x19: {  	s7 =	sld [smem:$0x3F91]  }
0x1a: {  	s8 =	sadd.s32 $0xFFFFE003, lr  }
0x1b: {  	s9 =	sadd.s32 $0xFFFFFEF7, lr;
	s5 =	simm.s32 $0xFFFFFFFF;
	p2 =	slt.u32 s8, $0xFFFFF086  }
0x1c: {  	p1 =	slt.u32 s9, $0xF7A;
	s5 =	simm.s32 @!p2 $0x0  }
0x1d: {  	s5 =	simm.s32 @p1 $0x1;
	p0 =	seq.s32 s7, s2  }
0x1e: {  	s7 =	smul.u32 @!p0 $0xF7A, s2;
	p2 =	seq.s32 @!p0 s5, $0x0  }
0x1f: {  	s9 =	smul.u32 $0xF7A, s1;
	s8 =	simm.s32 @!p0 $0x1BF5;
	p2 =	por !p2, p0  }
0x20: {  	[sflag:s8] =	ssyncset.s32 @!p0 $0xFFFFF086;
	s6 =	sadd.s32 @!p0 s3, s7;
	s7 =	simm.s32 @!p0 $0x108  }
0x21: {  	s3 =	sadd.s32 s3, s9;
	s6 =	sadd.s32 @!p0 $0x88, s6;
	s7 =	simm.s32 @p2 $0x1082  }
0x22: {  	[simem:s7], [sflag:s8] =	dma.local @!p0 [hbm:s6], $0xF7A  }
0x23: {  	s9 =	sor.u32 $0xD0000000, s2;
	s6 =	simm.s32 $0x108;
	_ =	swait.ge @!p0 [sflag:s8], $0x0  }
0x24: {  	s3 =	sadd.s32 $0x88, s3;
	s6 =	simm.s32 @!p1 $0x1082;
	[sflag:s4] =	ssyncset.s32 $0xFFFFF086  }
0x25: {  	[simem:s6], [sflag:s4] =	dma.local [hbm:s3], $0xF7A  }
0x26: {  	[smem:$0x3F91] =	sst s1;
	(tag) =	ssettag s2;
	_ =	strace s9  }
0x27: {  	s1 =	sld [smem:$0x3FA1]  }
0x28: {  	s2 =	sld [smem:$0x3FA2]  }
0x29: {  	s4 =	sld [smem:$0x3FA4]  }
0x2a: {  	p0 =	seq.s32 s5, $0x0;
	s5 =	sld [smem:$0x3FA5]  }
0x2b: {  	s6 =	sld [smem:$0x3FA6]  }
0x2c: {  	s7 =	sld [smem:$0x3FA7]  }
0x2d: {  	s3 =	simm.s32 $0x108;
	s8 =	sld [smem:$0x3FA8]  }
0x2e: {  	s3 =	simm.s32 @!p0 $0x1082;
	s9 =	sld [smem:$0x3FA9]  }
0x2f: {  	lr =	sadd.s32 s0, s3;
	s0 =	sld [smem:$0x3FA0]  }
0x30: {  	s3 =	sld [smem:$0x3FA3]  }
0x31: {  	[smem:$0x3FAC] =	sst s10  }
0x32: {  	s10 =	sld [smem:$0x3FAA];
	_ =	sdelay $0x3  }
0x33: {  	p0 =	seq.s32 s10, $0x1;
	s10 =	sld [smem:$0x3FAC];
	_ =	sdelay $0x3  }
0x34: {  	[smem:$0x3FAC] =	sst s10  }
0x35: {  	s10 =	sld [smem:$0x3FAB];
	_ =	sdelay $0x3  }
0x36: {  	p1 =	seq.s32 s10, $0x1;
	s10 =	sld [smem:$0x3FAC];
	_ =	sdelay $0x3  }
0x37: {  	[smem:$0x3FAC] =	sst s10  }
0x38: {  	s10 =	sld [smem:$0x3FAD]  }
0x39: {  	_ = 	snop;
	(pc) =	sbr.ind lr, $3  }
0x3a: {  	_ = 	snop  }
0x3b: {  	_ = 	snop  }
0x3c: {  	p2 =	seq.s32 s10, $0x1;
	s10 =	sld [smem:$0x3FAC]  }
0x3d: {  	_ =	shalt  }
0x3e: {  	_ =	shalt  }
0x3f: {  	_ =	shalt  }
0x40: {  	_ =	shalt  }
0x41: {  	_ =	shalt  }
0x42: {  	_ =	shalt  }
0x43: {  	_ =	shalt  }
0x44: {  	_ =	shalt  }
0x45: {  	_ =	shalt  }
0x46: {  	_ =	shalt  }
0x47: {  	_ =	shalt  }
0x48: {  	_ =	shalt  }
0x49: {  	_ =	shalt  }
0x4a: {  	_ =	shalt  }
0x4b: {  	_ =	shalt  }
0x4c: {  	_ =	shalt  }
0x4d: {  	_ =	shalt  }
0x4e: {  	_ =	shalt  }
0x4f: {  	_ =	shalt  }
0x50: {  	_ =	shalt  }
0x51: {  	_ =	shalt  }
0x52: {  	_ =	shalt  }
0x53: {  	_ =	shalt  }
0x54: {  	_ =	shalt  }
0x55: {  	_ =	shalt  }
0x56: {  	_ =	shalt  }
0x57: {  	_ =	shalt  }
0x58: {  	_ =	shalt  }
0x59: {  	_ =	shalt  }
0x5a: {  	_ =	shalt  }
0x5b: {  	_ =	shalt  }
0x5c: {  	_ =	shalt  }
0x5d: {  	_ =	shalt  }
0x5e: {  	_ =	shalt  }
0x5f: {  	_ =	shalt  }
0x60: {  	_ =	shalt  }
0x61: {  	_ =	shalt  }
0x62: {  	_ =	shalt  }
0x63: {  	_ =	shalt  }
0x64: {  	_ =	shalt  }
0x65: {  	_ =	shalt  }
0x66: {  	_ =	shalt  }
0x67: {  	_ =	shalt  }
0x68: {  	_ =	shalt  }
0x69: {  	_ =	shalt  }
0x6a: {  	_ =	shalt  }
0x6b: {  	_ =	shalt  }
0x6c: {  	_ =	shalt  }
0x6d: {  	_ =	shalt  }
0x6e: {  	_ =	shalt  }
0x6f: {  	_ =	shalt  }
0x70: {  	_ =	shalt  }
0x71: {  	_ =	shalt  }
0x72: {  	_ =	shalt  }
0x73: {  	_ =	shalt  }
0x74: {  	_ =	shalt  }
0x75: {  	_ =	shalt  }
0x76: {  	_ =	shalt  }
0x77: {  	_ =	shalt  }
0x78: {  	_ =	shalt  }
0x79: {  	_ =	shalt  }
0x7a: {  	_ =	shalt  }
0x7b: {  	_ =	shalt  }
0x7c: {  	_ =	shalt  }
0x7d: {  	_ =	shalt  }
0x7e: {  	_ =	shalt  }
0x7f: {  	_ =	shalt  }
0x80: {  	_ =	shalt  }
0x81: {  	_ =	shalt  }
0x82: {  	_ =	shalt  }
0x83: {  	_ =	shalt  }
0x84: {  	_ =	shalt  }
0x85: {  	_ =	shalt  }
0x86: {  	_ =	shalt  }
0x87: {  	_ =	shalt  }
.Lfunc_end0:
.L_simem_size_0:
called_computation.1_lowered:
.L_overlay_start_0:
0x88: {  	s2 =	sld [smem:$0x3FD9]  }
0x89: {  	s3 =	sld [smem:$0x3FFE];
	_ =	sdelay $0x1  }
0x8a: {  	s1 =	srdreg.scid  }
0x8b: {  	s0 =	sand.u32 $0x1, s1  }
0x8c: {  	s16 =	sshll.u32 s0, $0xA;
	s2 =	sadd.s32 s3, s2  }
0x8d: {  	s2 =	sadd.s32 s2, s16  }
0x8e: {  	[smem:$0x3FB8] =	sst s2  }
0x8f: {  	_ = 	snop  }
0x90: {  	(tm) =	ssettm $0x1  }
0x91: {  	s17 =	sld [smem:$0x3FFB];
	_ =	sdelay $0x3  }
0x92: {  	_ =	strace s17  }
0x93: {  	s2 =	sld [smem:$0x3FFC];
	_ =	sdelay $0x3  }
0x94: {  	_ =	strace s2  }
0x95: {  	s2 =	sld [smem:$0x3FFD];
	_ =	sdelay $0x3  }
0x96: {  	_ =	strace s2  }
0x97: {  	_ =	strace $0x8FFFFFFF  }
0x98: {  	s18 =	sld [smem:$0x3FDB];
	_ =	sdelay $0x1  }
0x99: {  	s19 =	simm.s32 $_scs_section_size  }
0x9a: {  	s4 =	simm.s32 $_size__tile_overlayer_lowered;
	s5 =	simm.s32 $_tile_overlayer_lowered  }
0x9b: {  	s22 =	simm.s32 $0x1BFF;
	s21 =	sshll.u32 s5, $0x1;
	s2 =	sadd.s32 s19, s18  }
0x9c: {  	s6 =	simm.s32 $0x0;
	s20 =	sshll.u32 s4, $0x1;
	s4 =	sadd.s32 s21, s2  }
0x9d: {  	[timem:s6], [sflag:s22] =	dma.local [hbm:s4], s20  }
0x9e: {  	_ =	swait.ge [sflag:s22], s20  }
0x9f: {  	s3 =	ssub.s32 $0x0, s20;
	[sflag:s22] =	ssyncset.done $0x0  }
0xa0: {  	[sflag:s22] =	ssyncadd.s32 s3;
	_ =	sdelay $0x1  }
0xa1: {  	s23 =	simm.s32 $0x1B8B  }
0xa2: {  	_ =	swait.ge [sflag:s23], $0x1  }
0xa3: {  	[sflag:s23] =	ssyncset.done $0x0  }
0xa4: {  	s25 =	simm.s32 $0x1B8E;
	s24 =	sld [smem:$0x3FFE];
	[sflag:s23] =	ssyncadd.s32 $0xFFFFFFFF  }
0xa5: {  	s26 =	simm.s32 $execute0_lowered;
	[smem:$0x3FD2] =	sst s25  }
0xa6: {  	s4 =	sshll.u32 s26, $0x1;
	_ =	strace $0x80000049;
	[dreg:$0x1] =	wrdreg $0xFFFFFFFF  }
0xa7: {  	s28 =	simm.s32 $_size_execute0_lowered;
	s2 =	sadd.s32 s2, s4;
	[dreg:$0x0] =	wrdreg $0x0  }
0xa8: {  	s4 =	sshll.u32 s28, $0x1;
	[dreg:$0x2] =	wrdreg s2  }
0xa9: {  	[dreg:$0x3] =	wrdreg s4  }
0xaa: {  	[dreg:$0x4] =	wrdreg $0xC0  }
0xab: {  	_ =	task [dreg:s6], $0x5FFFF  }
0xac: {  	[dreg:$0x1] =	wrdreg $0xFFFFFFFF  }
0xad: {  	[dreg:$0x0] =	wrdreg $0x60  }
0xae: {  	[dreg:$0x2] =	wrdreg s24  }
0xaf: {  	[dreg:$0x3] =	wrdreg $0xA8000  }
0xb0: {  	[dreg:$0x4] =	wrdreg $0x9  }
0xb1: {  	_ =	task.clear_ibuf [dreg:s6], $0x5FFFF;
	_ =	strace $0x90000049  }
0xb2: {  	s29 =	simm.s32 $0x9;
	_ =	strace $0x8000004B  }
0xb3: {  	_ =	swait.ge [sflag:s29], $0x1  }
0xb4: {  	[sflag:s29] =	ssyncadd.s32 $0xFFFFFFFF  }
0xb5: {  	_ =	strace $0x9000004B  }
0xb6: {  	_ =	sfence  }
0xb7: {  	s30 =	sld [smem:$0x0];
	_ =	sdelay $0x2  }
0xb8: {  	s31 =	sshll.u32 s1, $0xD;
	s1 =	sshrl.u32 s1, $0x2  }
0xb9: {  	s3 =	sand.u32 $0x4000, s31;
	s1 =	sadd.s32 s1, s30  }
0xba: {  	s0 =	sor.u32 s3, s0;
	s1 =	sshll.u32 s1, $0x11  }
0xbb: {  	s0 =	sor.u32 s1, s0  }
0xbc: {  	s0 =	sadd.s32 $0x8F2B, s0  }
0xbd: {  	[sflag:s0] =	ssyncadd.remote.s32 $0x1  }
0xbe: {  	_ =	sfence.sel $0xFFFF  }
0xbf: {  	[dreg:$0x0] =	wrdreg $0xFFFFFFFF;
	(pc) =	sbr.abs _section_cstart, $3  }
0xc0: {  	[dreg:$0x1] =	wrdreg $0xFFFFFFFF  }
0xc1: {  	_ =	task.clear_ibuf [dreg:s6], $0x2FFFF;
	_ =	strace $0x9FFFFFFF  }
0xc2: {  	(tm) =	ssettm $0x7FFFFFFF  }
0xc3: {  	_ =	shalt  }
tec
execute0_lowered:
.L_overlay_start_1:
0x0: {  	(tag) =	ssettag $0x1  }
0x1: {  	s5 =	rddreg [dreg:$0x0]  }
0x2: {  	s1 =	rddreg [dreg:$0x1]  }
0x3: {  	s0 =	rddreg [dreg:$0x2]  }
0x4: {  	s3 =	simm.s32 $0x0;
	s2 =	srdreg.scid;
	s16 =	simm.s32 $0x2800  }
0x5: {  	s17 =	simm.s32 $0x3;
	s18 =	simm.s32 $0x1400;
	s19 =	simm.s32 $0x80  }
0x6: {  	s20 =	simm.s32 $0x6800;
	s21 =	simm.s32 $0x1;
	s22 =	simm.s32 $0x2  }
0x7: {  	s23 =	simm.s32 $0x2700;
	[smem:$0x7FF] =	sst s3;
	s6 =	sand.u32 $0x1, s2  }
0x8: {  	s2 =	stileid.u32;
	s4 =	sadd.s32 $0x17A00, s5;
	s7 =	smul.u32 $0x140000, s6  }
0x9: {  	s9 =	sadd.s32 $0xDA00, s5;
	s8 =	smul.u32 $0x14000, s2;
	s11 =	sshll.u32 s6, $0x4  }
0xa: {  	s10 =	sadd.s32 $0x3A00, s5;
	s25 =	smul.u32 $0x50000, s2;
	s24 =	sor.u32 s2, s11  }
0xb: {  	_ =	strace $0x8000004A;
	s6 =	ssub.s32 $0x2, s6;
	s12 =	smul.u32 $0x2800, s24  }
0xc: {  	s26 =	sshrl.u32 s6, $0x1;
	s7 =	sadd.s32 s8, s7;
	s28 =	smul.u32 $0x500, s24  }
0xd: {  	s14 =	ssub.s32 s6, s26;
	s29 =	sshrl.u32 s25, $0x2;
	s7 =	sshrl.u32 s7, $0x3  }
0xe: {  	s24 =	simm.s32 $0x2780;
	s11 =	smax.u32 s14, $0x1;
	s13 =	sadd.s32 s7, s5  }
0xf: {  	s30 =	sshrl.u32 s12, $0x3;
	s5 =	sadd.s32 s29, s1;
	s6 =	sadd.s32 s9, s28  }
0x10: {  	s7 =	sadd.s32 s10, s28;
	s31 =	sadd.s32 $0x280, s30;
	s12 =	sadd.s32 $0x4000, s5  }
0x11: {  	s14 =	sadd.s32 $0xC000, s5;
	s15 =	sadd.s32 $0x10000, s5;
	s8 =	sadd.s32 s9, s31  }
0x12: {  	v0 =	vimm.f32 $0.0e+00;
	s9 =	sadd.s32 s10, s31;
	s10 =	sadd.s32 $0x3EC00, s13;
	s13 =	sadd.s32 $0x8000, s5  }
.LBB2_1:
0x13: {  	s25 =	simm.s32 $0x0;
	s26 =	simm.s32 $0x200  }
.LBB2_2:
0x14: {  	p0 =	sne.s32 s26, $0xFE00;
	[tilespmem:s25+$0x2870] =	vst v0  }
0x15: {  	[tilespmem:s25+$0x2800] =	vst v0  }
0x16: {  	[tilespmem:s25+$0x2810] =	vst v0  }
.Ltmp0:
0x17: {  	[tilespmem:s25+$0x2820] =	vst v0;
	(pc) =	sbr.rel @p0 .LBB2_2-.Ltmp0, $4  }
0x18: {  	[tilespmem:s25+$0x2830] =	vst v0  }
0x19: {  	[tilespmem:s25+$0x2840] =	vst v0  }
0x1a: {  	[tilespmem:s25+$0x2850] =	vst v0  }
0x1b: {  	[tilespmem:s25+$0x2860] =	vst v0;
	s25 =	sshra.s32 s26, $0x2;
	s26 =	sadd.s32 $0x200, s26  }
0x1c: {  	[tilespmem:s25+$0x2870] =	vst v0  }
0x1d: {  	[tilespmem:s25+$0x2800] =	vst v0  }
0x1e: {  	[tilespmem:s25+$0x2810] =	vst v0  }
0x1f: {  	[tilespmem:s25+$0x2820] =	vst v0  }
0x20: {  	[tilespmem:s25+$0x2830] =	vst v0  }
0x21: {  	[tilespmem:s25+$0x2840] =	vst v0  }
0x22: {  	[tilespmem:s25+$0x2850] =	vst v0  }
0x23: {  	[tilespmem:s25+$0x2860] =	vst v0  }
0x24: {  	[spmem:s5] =	stream.linear.scatter [tilespmem:s16], [sflag:$0x3], $0x4000, $0x38;
	[tilespmem:$0x1E800] =	vst v63  }
0x25: {  	_ =	swait.ge [sflag:s17], $0x4000  }
0x26: {  	[sflag:s17] =	ssyncset.done $0x0  }
0x27: {  	[sflag:s17] =	ssyncadd.s32 $0xFFFFC000  }
0x28: {  	[spmem:s12] =	stream.linear.scatter [tilespmem:s16], [sflag:$0x3], $0x4000, $0x38;
	[tilespmem:$0x1E800] =	vst v63  }
0x29: {  	_ =	swait.ge [sflag:s17], $0x4000  }
0x2a: {  	[sflag:s17] =	ssyncset.done $0x0  }
0x2b: {  	[sflag:s17] =	ssyncadd.s32 $0xFFFFC000  }
0x2c: {  	[spmem:s13] =	stream.linear.scatter [tilespmem:s16], [sflag:$0x3], $0x4000, $0x38;
	[tilespmem:$0x1E800] =	vst v63  }
0x2d: {  	_ =	swait.ge [sflag:s17], $0x4000  }
0x2e: {  	[sflag:s17] =	ssyncset.done $0x0  }
0x2f: {  	[sflag:s17] =	ssyncadd.s32 $0xFFFFC000  }
0x30: {  	[spmem:s14] =	stream.linear.scatter [tilespmem:s16], [sflag:$0x3], $0x4000, $0x38;
	[tilespmem:$0x1E800] =	vst v63  }
0x31: {  	_ =	swait.ge [sflag:s17], $0x4000  }
0x32: {  	[sflag:s17] =	ssyncset.done $0x0  }
0x33: {  	[sflag:s17] =	ssyncadd.s32 $0xFFFFC000  }
0x34: {  	[spmem:s15] =	stream.linear.scatter [tilespmem:s16], [sflag:$0x3], $0x4000, $0x38;
	[tilespmem:$0x1E800] =	vst v63  }
0x35: {  	_ =	swait.ge [sflag:s17], $0x4000  }
0x36: {  	[sflag:s17] =	ssyncset.done $0x0  }
0x37: {  	[sflag:s17] =	ssyncadd.s32 $0xFFFFC000  }
0x38: {  	s28 =	simm.s32 $0x0;
	[bflag:$0x0] =	sbarrier.arrive $0xFFFF  }
0x39: {  	[tilespmem:s28], [sflag:$0x3] =	stream.linear.gather [hbm4b:s6+s28], $0x1400, $0x38;
	[tilespmem:$0x1E800] =	vst v63  }
0x3a: {  	_ =	swait.ge [sflag:s17], $0x1400  }
0x3b: {  	[sflag:s17] =	ssyncset.done $0x0  }
0x3c: {  	[sflag:s17] =	ssyncadd.s32 $0xFFFFEC00  }
0x3d: {  	[tilespmem:s18], [sflag:$0x3] =	stream.linear.gather [hbm4b:s7+s28], $0x1400, $0x38;
	[tilespmem:$0x1E800] =	vst v63  }
0x3e: {  	_ =	swait.ge [sflag:s17], $0x1400  }
0x3f: {  	[sflag:s17] =	ssyncset.done $0x0  }
0x40: {  	[sflag:s17] =	ssyncadd.s32 $0xFFFFEC00  }
0x41: {  	[tilespmem:s16], [sflag:$0x1] =	stream.indirect.gather [hbm4b:s4+s19], $0x80, s28, s19, $0xb8;
	[tilespmem:$0x1E800] =	vst v63  }
0x42: {  	_ = 	snop  }
0x43: {  	[tilespmem:s20], [sflag:$0x2] =	stream.indirect.gather [hbm4b:s4+s19], $0x80, s19, s19, $0xb8;
	[tilespmem:$0x1E800] =	vst v63  }
0x44: {  	_ =	swait.ge [sflag:s21], $0x4000  }
0x45: {  	[sflag:s21] =	ssyncset.done $0x0  }
0x46: {  	s29 =	simm.s32 $0x1400;
	[sflag:s21] =	ssyncadd.s32 $0xFFFFC000  }
0x47: {  	[spmem:s1] =	stream.indirect.scatter.add.f32 [tilespmem:s16], [sflag:$0x3], $0x80, s29, s19, $0xb8;
	[tilespmem:$0x1E800] =	vst v63  }
0x48: {  	_ =	swait.ge [sflag:s17], $0x4000  }
0x49: {  	[sflag:s17] =	ssyncset.done $0x0  }
0x4a: {  	s30 =	simm.s32 $0x100;
	[sflag:s17] =	ssyncadd.s32 $0xFFFFC000  }
0x4b: {  	[tilespmem:s16], [sflag:$0x1] =	stream.indirect.gather [hbm4b:s4+s19], $0x80, s30, s19, $0xb8;
	[tilespmem:$0x1E800] =	vst v63  }
0x4c: {  	_ =	swait.ge [sflag:s22], $0x4000  }
0x4d: {  	[sflag:s22] =	ssyncset.done $0x0  }
0x4e: {  	s31 =	simm.s32 $0x1480;
	[sflag:s22] =	ssyncadd.s32 $0xFFFFC000  }
0x4f: {  	[spmem:s1] =	stream.indirect.scatter.add.f32 [tilespmem:s20], [sflag:$0x3], $0x80, s31, s19, $0xb8;
	[tilespmem:$0x1E800] =	vst v63  }
0x50: {  	_ =	swait.ge [sflag:s17], $0x4000  }
0x51: {  	[sflag:s17] =	ssyncset.done $0x0  }
0x52: {  	s25 =	simm.s32 $0x400;
	s26 =	simm.s32 $0x180;
	[sflag:s17] =	ssyncadd.s32 $0xFFFFC000  }
.LBB2_4:
0x53: {  	[tilespmem:s20], [sflag:$0x2] =	stream.indirect.gather [hbm4b:s4+s19], $0x80, s26, s19, $0xb8;
	[tilespmem:$0x1E800] =	vst v63  }
0x54: {  	s26 =	smov.u32 s25  }
0x55: {  	p0 =	sne.s32 s25, $0x4800;
	s25 =	sadd.s32 $0x400, s25;
	_ =	swait.ge [sflag:s21], $0x4000  }
0x56: {  	s26 =	sshra.s32 s26, $0x2;
	[sflag:s21] =	ssyncset.done $0x0  }
0x57: {  	s28 =	sadd.s32 $0x1400, s26;
	[sflag:s21] =	ssyncadd.s32 $0xFFFFC000  }
0x58: {  	[spmem:s1] =	stream.indirect.scatter.add.f32 [tilespmem:s16], [sflag:$0x3], $0x80, s28, s19, $0xb8;
	[tilespmem:$0x1E800] =	vst v63  }
0x59: {  	_ =	swait.ge [sflag:s17], $0x4000  }
0x5a: {  	[sflag:s17] =	ssyncset.done $0x0  }
0x5b: {  	s28 =	sadd.s32 $0x100, s26;
	[sflag:s17] =	ssyncadd.s32 $0xFFFFC000  }
0x5c: {  	[tilespmem:s16], [sflag:$0x1] =	stream.indirect.gather [hbm4b:s4+s19], $0x80, s28, s19, $0xb8;
	[tilespmem:$0x1E800] =	vst v63  }
0x5d: {  	_ =	swait.ge [sflag:s22], $0x4000  }
0x5e: {  	[sflag:s22] =	ssyncset.done $0x0  }
.Ltmp1:
0x5f: {  	s28 =	sadd.s32 $0x1480, s26;
	[sflag:s22] =	ssyncadd.s32 $0xFFFFC000;
	(pc) =	sbr.rel @p0 .LBB2_4-.Ltmp1, $4  }
0x60: {  	[spmem:s1] =	stream.indirect.scatter.add.f32 [tilespmem:s20], [sflag:$0x3], $0x80, s28, s19, $0xb8;
	[tilespmem:$0x1E800] =	vst v63  }
0x61: {  	_ =	swait.ge [sflag:s17], $0x4000  }
0x62: {  	[sflag:s17] =	ssyncset.done $0x0  }
0x63: {  	s26 =	sadd.s32 $0x180, s26;
	[sflag:s17] =	ssyncadd.s32 $0xFFFFC000  }
0x64: {  	[tilespmem:s20], [sflag:$0x2] =	stream.indirect.gather [hbm4b:s4+s19], $0x80, s26, s19, $0xb8;
	[tilespmem:$0x1E800] =	vst v63  }
0x65: {  	_ =	swait.ge [sflag:s21], $0x4000  }
0x66: {  	[sflag:s21] =	ssyncset.done $0x0  }
0x67: {  	[sflag:s21] =	ssyncadd.s32 $0xFFFFC000  }
0x68: {  	[spmem:s1] =	stream.indirect.scatter.add.f32 [tilespmem:s16], [sflag:$0x3], $0x80, s23, s19, $0xb8;
	[tilespmem:$0x1E800] =	vst v63  }
0x69: {  	_ =	swait.ge [sflag:s17], $0x4000  }
0x6a: {  	[sflag:s17] =	ssyncset.done $0x0  }
0x6b: {  	[sflag:s17] =	ssyncadd.s32 $0xFFFFC000  }
0x6c: {  	_ =	swait.ge [sflag:s22], $0x4000  }
0x6d: {  	[sflag:s22] =	ssyncset.done $0x0  }
0x6e: {  	[sflag:s22] =	ssyncadd.s32 $0xFFFFC000  }
0x6f: {  	[spmem:s1] =	stream.indirect.scatter.add.f32 [tilespmem:s20], [sflag:$0x3], $0x80, s24, s19, $0xb8;
	[tilespmem:$0x1E800] =	vst v63  }
0x70: {  	_ =	swait.ge [sflag:s17], $0x4000  }
0x71: {  	[sflag:s17] =	ssyncset.done $0x0  }
0x72: {  	s25 =	simm.s32 $0x0;
	[sflag:s17] =	ssyncadd.s32 $0xFFFFC000  }
0x73: {  	[tilespmem:s25], [sflag:$0x3] =	stream.linear.gather [hbm4b:s8+s25], $0x1400, $0x38;
	[tilespmem:$0x1E800] =	vst v63  }
0x74: {  	_ =	swait.ge [sflag:s17], $0x1400  }
0x75: {  	[sflag:s17] =	ssyncset.done $0x0  }
0x76: {  	[sflag:s17] =	ssyncadd.s32 $0xFFFFEC00  }
0x77: {  	[tilespmem:s18], [sflag:$0x3] =	stream.linear.gather [hbm4b:s9+s25], $0x1400, $0x38;
	[tilespmem:$0x1E800] =	vst v63  }
0x78: {  	_ =	swait.ge [sflag:s17], $0x1400  }
0x79: {  	[sflag:s17] =	ssyncset.done $0x0  }
0x7a: {  	[sflag:s17] =	ssyncadd.s32 $0xFFFFEC00  }
0x7b: {  	[tilespmem:s16], [sflag:$0x1] =	stream.indirect.gather [hbm4b:s4+s19], $0x80, s25, s19, $0xb8;
	[tilespmem:$0x1E800] =	vst v63  }
0x7c: {  	_ = 	snop  }
0x7d: {  	[tilespmem:s20], [sflag:$0x2] =	stream.indirect.gather [hbm4b:s4+s19], $0x80, s19, s19, $0xb8;
	[tilespmem:$0x1E800] =	vst v63  }
0x7e: {  	_ =	swait.ge [sflag:s21], $0x4000  }
0x7f: {  	[sflag:s21] =	ssyncset.done $0x0  }
0x80: {  	s29 =	simm.s32 $0x1400;
	[sflag:s21] =	ssyncadd.s32 $0xFFFFC000  }
0x81: {  	[spmem:s1] =	stream.indirect.scatter.add.f32 [tilespmem:s16], [sflag:$0x3], $0x80, s29, s19, $0xb8;
	[tilespmem:$0x1E800] =	vst v63  }
0x82: {  	_ =	swait.ge [sflag:s17], $0x4000  }
0x83: {  	[sflag:s17] =	ssyncset.done $0x0  }
0x84: {  	s30 =	simm.s32 $0x100;
	[sflag:s17] =	ssyncadd.s32 $0xFFFFC000  }
0x85: {  	[tilespmem:s16], [sflag:$0x1] =	stream.indirect.gather [hbm4b:s4+s19], $0x80, s30, s19, $0xb8;
	[tilespmem:$0x1E800] =	vst v63  }
0x86: {  	_ =	swait.ge [sflag:s22], $0x4000  }
0x87: {  	[sflag:s22] =	ssyncset.done $0x0  }
0x88: {  	s31 =	simm.s32 $0x1480;
	[sflag:s22] =	ssyncadd.s32 $0xFFFFC000  }
0x89: {  	[spmem:s1] =	stream.indirect.scatter.add.f32 [tilespmem:s20], [sflag:$0x3], $0x80, s31, s19, $0xb8;
	[tilespmem:$0x1E800] =	vst v63  }
0x8a: {  	_ =	swait.ge [sflag:s17], $0x4000  }
0x8b: {  	[sflag:s17] =	ssyncset.done $0x0  }
0x8c: {  	s26 =	simm.s32 $0x180;
	s25 =	simm.s32 $0x400;
	[sflag:s17] =	ssyncadd.s32 $0xFFFFC000  }
.LBB2_6:
0x8d: {  	[tilespmem:s20], [sflag:$0x2] =	stream.indirect.gather [hbm4b:s4+s19], $0x80, s26, s19, $0xb8;
	[tilespmem:$0x1E800] =	vst v63  }
0x8e: {  	s26 =	smov.u32 s25  }
0x8f: {  	p0 =	sne.s32 s25, $0x4800;
	s25 =	sadd.s32 $0x400, s25;
	_ =	swait.ge [sflag:s21], $0x4000  }
0x90: {  	s26 =	sshra.s32 s26, $0x2;
	[sflag:s21] =	ssyncset.done $0x0  }
0x91: {  	s28 =	sadd.s32 $0x1400, s26;
	[sflag:s21] =	ssyncadd.s32 $0xFFFFC000  }
0x92: {  	[spmem:s1] =	stream.indirect.scatter.add.f32 [tilespmem:s16], [sflag:$0x3], $0x80, s28, s19, $0xb8;
	[tilespmem:$0x1E800] =	vst v63  }
0x93: {  	_ =	swait.ge [sflag:s17], $0x4000  }
0x94: {  	[sflag:s17] =	ssyncset.done $0x0  }
0x95: {  	s28 =	sadd.s32 $0x100, s26;
	[sflag:s17] =	ssyncadd.s32 $0xFFFFC000  }
0x96: {  	[tilespmem:s16], [sflag:$0x1] =	stream.indirect.gather [hbm4b:s4+s19], $0x80, s28, s19, $0xb8;
	[tilespmem:$0x1E800] =	vst v63  }
0x97: {  	_ =	swait.ge [sflag:s22], $0x4000  }
0x98: {  	[sflag:s22] =	ssyncset.done $0x0  }
.Ltmp2:
0x99: {  	s28 =	sadd.s32 $0x1480, s26;
	[sflag:s22] =	ssyncadd.s32 $0xFFFFC000;
	(pc) =	sbr.rel @p0 .LBB2_6-.Ltmp2, $4  }
0x9a: {  	[spmem:s1] =	stream.indirect.scatter.add.f32 [tilespmem:s20], [sflag:$0x3], $0x80, s28, s19, $0xb8;
	[tilespmem:$0x1E800] =	vst v63  }
0x9b: {  	_ =	swait.ge [sflag:s17], $0x4000  }
0x9c: {  	[sflag:s17] =	ssyncset.done $0x0  }
0x9d: {  	s26 =	sadd.s32 $0x180, s26;
	[sflag:s17] =	ssyncadd.s32 $0xFFFFC000  }
0x9e: {  	[tilespmem:s20], [sflag:$0x2] =	stream.indirect.gather [hbm4b:s4+s19], $0x80, s26, s19, $0xb8;
	[tilespmem:$0x1E800] =	vst v63  }
0x9f: {  	_ =	swait.ge [sflag:s21], $0x4000  }
0xa0: {  	[sflag:s21] =	ssyncset.done $0x0  }
0xa1: {  	[sflag:s21] =	ssyncadd.s32 $0xFFFFC000  }
0xa2: {  	[spmem:s1] =	stream.indirect.scatter.add.f32 [tilespmem:s16], [sflag:$0x3], $0x80, s23, s19, $0xb8;
	[tilespmem:$0x1E800] =	vst v63  }
0xa3: {  	_ =	swait.ge [sflag:s17], $0x4000  }
0xa4: {  	[sflag:s17] =	ssyncset.done $0x0  }
0xa5: {  	[sflag:s17] =	ssyncadd.s32 $0xFFFFC000  }
0xa6: {  	_ =	swait.ge [sflag:s22], $0x4000  }
0xa7: {  	[sflag:s22] =	ssyncset.done $0x0  }
0xa8: {  	[sflag:s22] =	ssyncadd.s32 $0xFFFFC000  }
0xa9: {  	[spmem:s1] =	stream.indirect.scatter.add.f32 [tilespmem:s20], [sflag:$0x3], $0x80, s24, s19, $0xb8;
	[tilespmem:$0x1E800] =	vst v63  }
0xaa: {  	_ =	swait.ge [sflag:s17], $0x4000  }
0xab: {  	s25 =	sshll.u32 s2, $0x6;
	s3 =	sadd.s32 $0x1, s3;
	[sflag:s17] =	ssyncset.done $0x0  }
0xac: {  	s31 =	sshrl.u32 s5, $0x3;
	p0 =	sne.s32 s3, s11;
	[sflag:s17] =	ssyncadd.s32 $0xFFFFC000  }
.Ltmp3:
0xad: {  	s25 =	sor.u32 $0x1C03, s25;
	[bflag:$0x0] =	sbarrier.arrive $0xFFFF;
	(pc) =	sbr.rel @p0 .LBB2_1-.Ltmp3, $4  }
0xae: {  	[hbm:s10], [sflag:s25] =	dma.local [spmem:s31], $0x2800  }
0xaf: {  	_ =	swait.ge [sflag:s17], $0x2800  }
0xb0: {  	[sflag:s17] =	ssyncset.done $0x0  }
0xb1: {  	[sflag:s17] =	ssyncadd.s32 $0xFFFFD800  }
0xb2: {  	_ =	sfence.sel $0x180000  }
0xb3: {  	[bflag:$0x0] =	sbarrier.arrive $0xFFFF  }
0xb4: {  	p0 =	sne.s32 s2, $0x0;
	_ =	strace $0x9000004A  }
0xb5: {  	s0 =	sadd.s32 @!p0 $0x100000, s0;
	[bflag:$0x2] =	sbarrier.arrive $0xFFFF  }
0xb6: {  	[sflag:s0] =	ssyncadd.tile.s32 @!p0 $0x1;
	_ =	shalt  }
.Lfunc_end2:
_tile_overlayer_lowered:
.L_overlay_start_2:
0xb7: {  	(tag) =	ssettag $0x2  }
0xb8: {  	s0 =	rddreg [dreg:$0x0];
	s2 =	stileid.u32  }
0xb9: {  	s1 =	rddreg [dreg:$0x1];
	p0 =	sne.s32 s2, $0x0  }
0xba: {  	s3 =	rddreg [dreg:$0x2];
	[bflag:$0x3] =	sbarrier.arrive $0xFFFF;
	s2 =	simm.s32 @!p0 $0x1C03  }
0xbb: {  	[timem:s3], [sflag:s2] =	dma.local @!p0 [hbm:s0], s1  }
0xbc: {  	s0 =	simm.s32 @!p0 $0x3  }
0xbd: {  	_ =	swait.ge @!p0 [sflag:s0], s1  }
0xbe: {  	s1 =	ssub.s32 @!p0 $0x0, s1;
	[sflag:s0] =	ssyncset.done @!p0 $0x0  }
0xbf: {  	[sflag:s0] =	ssyncadd.s32 @!p0 s1  }
0xc0: {  	[bflag:$0x3] =	sbarrier.arrive $0xFFFF  }
0xc1: {  	_ =	shalt  }

// kernel: kernel.14.cloned.1.call-start
scs
__scs_entry_jumppad:
0x0: {  	(pc) =	sbr.rel $0x88, $3  }
0x1: {  	(tag) =	ssettag $0x0;
	lr =	simm.s32 $0x1  }
0x2: {  	[smem:$0x3F91] =	sst lr;
	_ =	strace $0xD0000000  }
0x3: {  	_ = 	snop  }
0x4: {  	_ = 	snop  }
0x5: {  	_ = 	snop  }
0x6: {  	_ = 	snop  }
0x7: {  	_ = 	snop  }
__scs_overlays_trampoline_lowered:
0x8: {  	[smem:$0x3FA0] =	sst s0  }
0x9: {  	[smem:$0x3FA1] =	sst s1  }
0xa: {  	[smem:$0x3FA2] =	sst s2  }
0xb: {  	[smem:$0x3FA3] =	sst s3  }
0xc: {  	[smem:$0x3FA4] =	sst s4  }
0xd: {  	[smem:$0x3FA5] =	sst s5  }
0xe: {  	[smem:$0x3FA6] =	sst s6  }
0xf: {  	[smem:$0x3FA7] =	sst s7  }
0x10: {  	[smem:$0x3FA8] =	sst s8  }
0x11: {  	[smem:$0x3FA9] =	sst s9;
	s0 =	simm.s32 @!p0 $0x0  }
0x12: {  	s1 =	sld [smem:$0x3F8F];
	s0 =	simm.s32 @p0 $0x1  }
0x13: {  	[smem:$0x3FAA] =	sst s0;
	s0 =	simm.s32 @!p1 $0x0  }
0x14: {  	s2 =	sld [smem:$0x3F8E];
	s0 =	simm.s32 @p1 $0x1  }
0x15: {  	[smem:$0x3FAB] =	sst s0;
	s0 =	simm.s32 @!p2 $0x0  }
0x16: {  	s3 =	sld [smem:$0x3FDB];
	s0 =	simm.s32 @p2 $0x1  }
0x17: {  	s4 =	simm.s32 $0x1BF5;
	[smem:$0x3FAD] =	sst s0  }
0x18: {  	s0 =	sld [smem:$0x3F90];
	_ =	swait.ge [sflag:s4], $0x0  }
0x19: {  	s7 =	sld [smem:$0x3F91]  }
0x1a: {  	s8 =	sadd.s32 $0xFFFFE003, lr  }
0x1b: {  	s9 =	sadd.s32 $0xFFFFFEF7, lr;
	s5 =	simm.s32 $0xFFFFFFFF;
	p2 =	slt.u32 s8, $0xFFFFF086  }
0x1c: {  	p1 =	slt.u32 s9, $0xF7A;
	s5 =	simm.s32 @!p2 $0x0  }
0x1d: {  	s5 =	simm.s32 @p1 $0x1;
	p0 =	seq.s32 s7, s2  }
0x1e: {  	s7 =	smul.u32 @!p0 $0xF7A, s2;
	p2 =	seq.s32 @!p0 s5, $0x0  }
0x1f: {  	s9 =	smul.u32 $0xF7A, s1;
	s8 =	simm.s32 @!p0 $0x1BF5;
	p2 =	por !p2, p0  }
0x20: {  	[sflag:s8] =	ssyncset.s32 @!p0 $0xFFFFF086;
	s6 =	sadd.s32 @!p0 s3, s7;
	s7 =	simm.s32 @!p0 $0x108  }
0x21: {  	s3 =	sadd.s32 s3, s9;
	s6 =	sadd.s32 @!p0 $0x88, s6;
	s7 =	simm.s32 @p2 $0x1082  }
0x22: {  	[simem:s7], [sflag:s8] =	dma.local @!p0 [hbm:s6], $0xF7A  }
0x23: {  	s9 =	sor.u32 $0xD0000000, s2;
	s6 =	simm.s32 $0x108;
	_ =	swait.ge @!p0 [sflag:s8], $0x0  }
0x24: {  	s3 =	sadd.s32 $0x88, s3;
	s6 =	simm.s32 @!p1 $0x1082;
	[sflag:s4] =	ssyncset.s32 $0xFFFFF086  }
0x25: {  	[simem:s6], [sflag:s4] =	dma.local [hbm:s3], $0xF7A  }
0x26: {  	[smem:$0x3F91] =	sst s1;
	(tag) =	ssettag s2;
	_ =	strace s9  }
0x27: {  	s1 =	sld [smem:$0x3FA1]  }
0x28: {  	s2 =	sld [smem:$0x3FA2]  }
0x29: {  	s4 =	sld [smem:$0x3FA4]  }
0x2a: {  	p0 =	seq.s32 s5, $0x0;
	s5 =	sld [smem:$0x3FA5]  }
0x2b: {  	s6 =	sld [smem:$0x3FA6]  }
0x2c: {  	s7 =	sld [smem:$0x3FA7]  }
0x2d: {  	s3 =	simm.s32 $0x108;
	s8 =	sld [smem:$0x3FA8]  }
0x2e: {  	s3 =	simm.s32 @!p0 $0x1082;
	s9 =	sld [smem:$0x3FA9]  }
0x2f: {  	lr =	sadd.s32 s0, s3;
	s0 =	sld [smem:$0x3FA0]  }
0x30: {  	s3 =	sld [smem:$0x3FA3]  }
0x31: {  	[smem:$0x3FAC] =	sst s10  }
0x32: {  	s10 =	sld [smem:$0x3FAA];
	_ =	sdelay $0x3  }
0x33: {  	p0 =	seq.s32 s10, $0x1;
	s10 =	sld [smem:$0x3FAC];
	_ =	sdelay $0x3  }
0x34: {  	[smem:$0x3FAC] =	sst s10  }
0x35: {  	s10 =	sld [smem:$0x3FAB];
	_ =	sdelay $0x3  }
0x36: {  	p1 =	seq.s32 s10, $0x1;
	s10 =	sld [smem:$0x3FAC];
	_ =	sdelay $0x3  }
0x37: {  	[smem:$0x3FAC] =	sst s10  }
0x38: {  	s10 =	sld [smem:$0x3FAD]  }
0x39: {  	_ = 	snop;
	(pc) =	sbr.ind lr, $3  }
0x3a: {  	_ = 	snop  }
0x3b: {  	_ = 	snop  }
0x3c: {  	p2 =	seq.s32 s10, $0x1;
	s10 =	sld [smem:$0x3FAC]  }
0x3d: {  	_ =	shalt  }
0x3e: {  	_ =	shalt  }
0x3f: {  	_ =	shalt  }
0x40: {  	_ =	shalt  }
0x41: {  	_ =	shalt  }
0x42: {  	_ =	shalt  }
0x43: {  	_ =	shalt  }
0x44: {  	_ =	shalt  }
0x45: {  	_ =	shalt  }
0x46: {  	_ =	shalt  }
0x47: {  	_ =	shalt  }
0x48: {  	_ =	shalt  }
0x49: {  	_ =	shalt  }
0x4a: {  	_ =	shalt  }
0x4b: {  	_ =	shalt  }
0x4c: {  	_ =	shalt  }
0x4d: {  	_ =	shalt  }
0x4e: {  	_ =	shalt  }
0x4f: {  	_ =	shalt  }
0x50: {  	_ =	shalt  }
0x51: {  	_ =	shalt  }
0x52: {  	_ =	shalt  }
0x53: {  	_ =	shalt  }
0x54: {  	_ =	shalt  }
0x55: {  	_ =	shalt  }
0x56: {  	_ =	shalt  }
0x57: {  	_ =	shalt  }
0x58: {  	_ =	shalt  }
0x59: {  	_ =	shalt  }
0x5a: {  	_ =	shalt  }
0x5b: {  	_ =	shalt  }
0x5c: {  	_ =	shalt  }
0x5d: {  	_ =	shalt  }
0x5e: {  	_ =	shalt  }
0x5f: {  	_ =	shalt  }
0x60: {  	_ =	shalt  }
0x61: {  	_ =	shalt  }
0x62: {  	_ =	shalt  }
0x63: {  	_ =	shalt  }
0x64: {  	_ =	shalt  }
0x65: {  	_ =	shalt  }
0x66: {  	_ =	shalt  }
0x67: {  	_ =	shalt  }
0x68: {  	_ =	shalt  }
0x69: {  	_ =	shalt  }
0x6a: {  	_ =	shalt  }
0x6b: {  	_ =	shalt  }
0x6c: {  	_ =	shalt  }
0x6d: {  	_ =	shalt  }
0x6e: {  	_ =	shalt  }
0x6f: {  	_ =	shalt  }
0x70: {  	_ =	shalt  }
0x71: {  	_ =	shalt  }
0x72: {  	_ =	shalt  }
0x73: {  	_ =	shalt  }
0x74: {  	_ =	shalt  }
0x75: {  	_ =	shalt  }
0x76: {  	_ =	shalt  }
0x77: {  	_ =	shalt  }
0x78: {  	_ =	shalt  }
0x79: {  	_ =	shalt  }
0x7a: {  	_ =	shalt  }
0x7b: {  	_ =	shalt  }
0x7c: {  	_ =	shalt  }
0x7d: {  	_ =	shalt  }
0x7e: {  	_ =	shalt  }
0x7f: {  	_ =	shalt  }
0x80: {  	_ =	shalt  }
0x81: {  	_ =	shalt  }
0x82: {  	_ =	shalt  }
0x83: {  	_ =	shalt  }
0x84: {  	_ =	shalt  }
0x85: {  	_ =	shalt  }
0x86: {  	_ =	shalt  }
0x87: {  	_ =	shalt  }
.Lfunc_end0:
.L_simem_size_0:
called_computation.2_lowered:
.L_overlay_start_0:
0x88: {  	s2 =	sld [smem:$0x3FD9]  }
0x89: {  	s3 =	sld [smem:$0x3FFE];
	_ =	sdelay $0x1  }
0x8a: {  	s1 =	srdreg.scid  }
0x8b: {  	s0 =	sand.u32 $0x1, s1  }
0x8c: {  	s16 =	sshll.u32 s0, $0xA;
	s2 =	sadd.s32 s3, s2  }
0x8d: {  	s2 =	sadd.s32 s2, s16  }
0x8e: {  	[smem:$0x3FB8] =	sst s2  }
0x8f: {  	_ = 	snop  }
0x90: {  	(tm) =	ssettm $0x1  }
0x91: {  	s17 =	sld [smem:$0x3FFB];
	_ =	sdelay $0x3  }
0x92: {  	_ =	strace s17  }
0x93: {  	s2 =	sld [smem:$0x3FFC];
	_ =	sdelay $0x3  }
0x94: {  	_ =	strace s2  }
0x95: {  	s2 =	sld [smem:$0x3FFD];
	_ =	sdelay $0x3  }
0x96: {  	_ =	strace s2  }
0x97: {  	_ =	strace $0x8FFFFFFF  }
0x98: {  	s18 =	sld [smem:$0x3FDB];
	_ =	sdelay $0x1  }
0x99: {  	s19 =	simm.s32 $_scs_section_size  }
0x9a: {  	s4 =	simm.s32 $_size__tile_overlayer_lowered;
	s5 =	simm.s32 $_tile_overlayer_lowered  }
0x9b: {  	s22 =	simm.s32 $0x1BFF;
	s21 =	sshll.u32 s5, $0x1;
	s2 =	sadd.s32 s19, s18  }
0x9c: {  	s6 =	simm.s32 $0x0;
	s20 =	sshll.u32 s4, $0x1;
	s4 =	sadd.s32 s21, s2  }
0x9d: {  	[timem:s6], [sflag:s22] =	dma.local [hbm:s4], s20  }
0x9e: {  	_ =	swait.ge [sflag:s22], s20  }
0x9f: {  	s3 =	ssub.s32 $0x0, s20;
	[sflag:s22] =	ssyncset.done $0x0  }
0xa0: {  	[sflag:s22] =	ssyncadd.s32 s3;
	_ =	sdelay $0x1  }
0xa1: {  	s23 =	simm.s32 $0x1B8B  }
0xa2: {  	_ =	swait.ge [sflag:s23], $0x1  }
0xa3: {  	[sflag:s23] =	ssyncset.done $0x0  }
0xa4: {  	s25 =	simm.s32 $0x1B8E;
	s24 =	sld [smem:$0x3FFE];
	[sflag:s23] =	ssyncadd.s32 $0xFFFFFFFF  }
0xa5: {  	s26 =	simm.s32 $execute0_lowered;
	[smem:$0x3FD2] =	sst s25  }
0xa6: {  	s4 =	sshll.u32 s26, $0x1;
	_ =	strace $0x8000004C;
	[dreg:$0x1] =	wrdreg $0xFFFFFFFF  }
0xa7: {  	s28 =	simm.s32 $_size_execute0_lowered;
	s2 =	sadd.s32 s2, s4;
	[dreg:$0x0] =	wrdreg $0x0  }
0xa8: {  	s4 =	sshll.u32 s28, $0x1;
	[dreg:$0x2] =	wrdreg s2  }
0xa9: {  	[dreg:$0x3] =	wrdreg s4  }
0xaa: {  	[dreg:$0x4] =	wrdreg $0xC0  }
0xab: {  	_ =	task [dreg:s6], $0x5FFFF  }
0xac: {  	[dreg:$0x1] =	wrdreg $0xFFFFFFFF  }
0xad: {  	[dreg:$0x0] =	wrdreg $0x60  }
0xae: {  	[dreg:$0x2] =	wrdreg s24  }
0xaf: {  	[dreg:$0x3] =	wrdreg $0xA8000  }
0xb0: {  	[dreg:$0x4] =	wrdreg $0x9  }
0xb1: {  	_ =	task.clear_ibuf [dreg:s6], $0x5FFFF;
	_ =	strace $0x9000004C  }
0xb2: {  	s29 =	simm.s32 $0x9;
	_ =	strace $0x8000004E  }
0xb3: {  	_ =	swait.ge [sflag:s29], $0x1  }
0xb4: {  	[sflag:s29] =	ssyncadd.s32 $0xFFFFFFFF  }
0xb5: {  	_ =	strace $0x9000004E  }
0xb6: {  	_ =	sfence  }
0xb7: {  	s30 =	sld [smem:$0x0];
	_ =	sdelay $0x2  }
0xb8: {  	s31 =	sshll.u32 s1, $0xD;
	s1 =	sshrl.u32 s1, $0x2  }
0xb9: {  	s3 =	sand.u32 $0x4000, s31;
	s1 =	sadd.s32 s1, s30  }
0xba: {  	s0 =	sor.u32 s3, s0;
	s1 =	sshll.u32 s1, $0x11  }
0xbb: {  	s0 =	sor.u32 s1, s0  }
0xbc: {  	s0 =	sadd.s32 $0x8F2B, s0  }
0xbd: {  	[sflag:s0] =	ssyncadd.remote.s32 $0x1  }
0xbe: {  	_ =	sfence.sel $0xFFFF  }
0xbf: {  	[dreg:$0x0] =	wrdreg $0xFFFFFFFF;
	(pc) =	sbr.abs _section_cstart, $3  }
0xc0: {  	[dreg:$0x1] =	wrdreg $0xFFFFFFFF  }
0xc1: {  	_ =	task.clear_ibuf [dreg:s6], $0x2FFFF;
	_ =	strace $0x9FFFFFFF  }
0xc2: {  	(tm) =	ssettm $0x7FFFFFFF  }
0xc3: {  	_ =	shalt  }
tec
execute0_lowered:
.L_overlay_start_1:
0x0: {  	(tag) =	ssettag $0x1  }
0x1: {  	s5 =	rddreg [dreg:$0x0]  }
0x2: {  	s1 =	rddreg [dreg:$0x1]  }
0x3: {  	s0 =	rddreg [dreg:$0x2]  }
0x4: {  	s3 =	simm.s32 $0x0;
	s2 =	srdreg.scid;
	s16 =	simm.s32 $0x2800  }
0x5: {  	s17 =	simm.s32 $0x3;
	s18 =	simm.s32 $0x1400;
	s19 =	simm.s32 $0x80  }
0x6: {  	s20 =	simm.s32 $0x6800;
	s21 =	simm.s32 $0x1;
	s22 =	simm.s32 $0x2  }
0x7: {  	s23 =	simm.s32 $0x2700;
	[smem:$0x7FF] =	sst s3;
	s6 =	sand.u32 $0x1, s2  }
0x8: {  	s2 =	stileid.u32;
	s4 =	sadd.s32 $0x17A00, s5;
	s7 =	smul.u32 $0x140000, s6  }
0x9: {  	s9 =	sadd.s32 $0xDA00, s5;
	s8 =	smul.u32 $0x14000, s2;
	s11 =	sshll.u32 s6, $0x4  }
0xa: {  	s10 =	sadd.s32 $0x3A00, s5;
	s25 =	smul.u32 $0x50000, s2;
	s24 =	sor.u32 s2, s11  }
0xb: {  	_ =	strace $0x8000004D;
	s6 =	ssub.s32 $0x2, s6;
	s12 =	smul.u32 $0x2800, s24  }
0xc: {  	s26 =	sshrl.u32 s6, $0x1;
	s7 =	sadd.s32 s8, s7;
	s28 =	smul.u32 $0x500, s24  }
0xd: {  	s14 =	ssub.s32 s6, s26;
	s29 =	sshrl.u32 s25, $0x2;
	s7 =	sshrl.u32 s7, $0x3  }
0xe: {  	s24 =	simm.s32 $0x2780;
	s11 =	smax.u32 s14, $0x1;
	s13 =	sadd.s32 s7, s5  }
0xf: {  	s30 =	sshrl.u32 s12, $0x3;
	s5 =	sadd.s32 s29, s1;
	s6 =	sadd.s32 s9, s28  }
0x10: {  	s7 =	sadd.s32 s10, s28;
	s31 =	sadd.s32 $0x280, s30;
	s12 =	sadd.s32 $0x4000, s5  }
0x11: {  	s14 =	sadd.s32 $0xC000, s5;
	s15 =	sadd.s32 $0x10000, s5;
	s8 =	sadd.s32 s9, s31  }
0x12: {  	v0 =	vimm.f32 $0.0e+00;
	s9 =	sadd.s32 s10, s31;
	s10 =	sadd.s32 $0x3EC00, s13;
	s13 =	sadd.s32 $0x8000, s5  }
.LBB2_1:
0x13: {  	s25 =	simm.s32 $0x0;
	s26 =	simm.s32 $0x200  }
.LBB2_2:
0x14: {  	p0 =	sne.s32 s26, $0xFE00;
	[tilespmem:s25+$0x2870] =	vst v0  }
0x15: {  	[tilespmem:s25+$0x2800] =	vst v0  }
0x16: {  	[tilespmem:s25+$0x2810] =	vst v0  }
.Ltmp0:
0x17: {  	[tilespmem:s25+$0x2820] =	vst v0;
	(pc) =	sbr.rel @p0 .LBB2_2-.Ltmp0, $4  }
0x18: {  	[tilespmem:s25+$0x2830] =	vst v0  }
0x19: {  	[tilespmem:s25+$0x2840] =	vst v0  }
0x1a: {  	[tilespmem:s25+$0x2850] =	vst v0  }
0x1b: {  	[tilespmem:s25+$0x2860] =	vst v0;
	s25 =	sshra.s32 s26, $0x2;
	s26 =	sadd.s32 $0x200, s26  }
0x1c: {  	[tilespmem:s25+$0x2870] =	vst v0  }
0x1d: {  	[tilespmem:s25+$0x2800] =	vst v0  }
0x1e: {  	[tilespmem:s25+$0x2810] =	vst v0  }
0x1f: {  	[tilespmem:s25+$0x2820] =	vst v0  }
0x20: {  	[tilespmem:s25+$0x2830] =	vst v0  }
0x21: {  	[tilespmem:s25+$0x2840] =	vst v0  }
0x22: {  	[tilespmem:s25+$0x2850] =	vst v0  }
0x23: {  	[tilespmem:s25+$0x2860] =	vst v0  }
0x24: {  	[spmem:s5] =	stream.linear.scatter [tilespmem:s16], [sflag:$0x3], $0x4000, $0x38;
	[tilespmem:$0x1E800] =	vst v63  }
0x25: {  	_ =	swait.ge [sflag:s17], $0x4000  }
0x26: {  	[sflag:s17] =	ssyncset.done $0x0  }
0x27: {  	[sflag:s17] =	ssyncadd.s32 $0xFFFFC000  }
0x28: {  	[spmem:s12] =	stream.linear.scatter [tilespmem:s16], [sflag:$0x3], $0x4000, $0x38;
	[tilespmem:$0x1E800] =	vst v63  }
0x29: {  	_ =	swait.ge [sflag:s17], $0x4000  }
0x2a: {  	[sflag:s17] =	ssyncset.done $0x0  }
0x2b: {  	[sflag:s17] =	ssyncadd.s32 $0xFFFFC000  }
0x2c: {  	[spmem:s13] =	stream.linear.scatter [tilespmem:s16], [sflag:$0x3], $0x4000, $0x38;
	[tilespmem:$0x1E800] =	vst v63  }
0x2d: {  	_ =	swait.ge [sflag:s17], $0x4000  }
0x2e: {  	[sflag:s17] =	ssyncset.done $0x0  }
0x2f: {  	[sflag:s17] =	ssyncadd.s32 $0xFFFFC000  }
0x30: {  	[spmem:s14] =	stream.linear.scatter [tilespmem:s16], [sflag:$0x3], $0x4000, $0x38;
	[tilespmem:$0x1E800] =	vst v63  }
0x31: {  	_ =	swait.ge [sflag:s17], $0x4000  }
0x32: {  	[sflag:s17] =	ssyncset.done $0x0  }
0x33: {  	[sflag:s17] =	ssyncadd.s32 $0xFFFFC000  }
0x34: {  	[spmem:s15] =	stream.linear.scatter [tilespmem:s16], [sflag:$0x3], $0x4000, $0x38;
	[tilespmem:$0x1E800] =	vst v63  }
0x35: {  	_ =	swait.ge [sflag:s17], $0x4000  }
0x36: {  	[sflag:s17] =	ssyncset.done $0x0  }
0x37: {  	[sflag:s17] =	ssyncadd.s32 $0xFFFFC000  }
0x38: {  	s28 =	simm.s32 $0x0;
	[bflag:$0x0] =	sbarrier.arrive $0xFFFF  }
0x39: {  	[tilespmem:s28], [sflag:$0x3] =	stream.linear.gather [hbm4b:s6+s28], $0x1400, $0x38;
	[tilespmem:$0x1E800] =	vst v63  }
0x3a: {  	_ =	swait.ge [sflag:s17], $0x1400  }
0x3b: {  	[sflag:s17] =	ssyncset.done $0x0  }
0x3c: {  	[sflag:s17] =	ssyncadd.s32 $0xFFFFEC00  }
0x3d: {  	[tilespmem:s18], [sflag:$0x3] =	stream.linear.gather [hbm4b:s7+s28], $0x1400, $0x38;
	[tilespmem:$0x1E800] =	vst v63  }
0x3e: {  	_ =	swait.ge [sflag:s17], $0x1400  }
0x3f: {  	[sflag:s17] =	ssyncset.done $0x0  }
0x40: {  	[sflag:s17] =	ssyncadd.s32 $0xFFFFEC00  }
0x41: {  	[tilespmem:s16], [sflag:$0x1] =	stream.indirect.gather [hbm4b:s4+s19], $0x80, s28, s19, $0xb8;
	[tilespmem:$0x1E800] =	vst v63  }
0x42: {  	_ = 	snop  }
0x43: {  	[tilespmem:s20], [sflag:$0x2] =	stream.indirect.gather [hbm4b:s4+s19], $0x80, s19, s19, $0xb8;
	[tilespmem:$0x1E800] =	vst v63  }
0x44: {  	_ =	swait.ge [sflag:s21], $0x4000  }
0x45: {  	[sflag:s21] =	ssyncset.done $0x0  }
0x46: {  	s29 =	simm.s32 $0x1400;
	[sflag:s21] =	ssyncadd.s32 $0xFFFFC000  }
0x47: {  	[spmem:s1] =	stream.indirect.scatter.add.f32 [tilespmem:s16], [sflag:$0x3], $0x80, s29, s19, $0xb8;
	[tilespmem:$0x1E800] =	vst v63  }
0x48: {  	_ =	swait.ge [sflag:s17], $0x4000  }
0x49: {  	[sflag:s17] =	ssyncset.done $0x0  }
0x4a: {  	s30 =	simm.s32 $0x100;
	[sflag:s17] =	ssyncadd.s32 $0xFFFFC000  }
0x4b: {  	[tilespmem:s16], [sflag:$0x1] =	stream.indirect.gather [hbm4b:s4+s19], $0x80, s30, s19, $0xb8;
	[tilespmem:$0x1E800] =	vst v63  }
0x4c: {  	_ =	swait.ge [sflag:s22], $0x4000  }
0x4d: {  	[sflag:s22] =	ssyncset.done $0x0  }
0x4e: {  	s31 =	simm.s32 $0x1480;
	[sflag:s22] =	ssyncadd.s32 $0xFFFFC000  }
0x4f: {  	[spmem:s1] =	stream.indirect.scatter.add.f32 [tilespmem:s20], [sflag:$0x3], $0x80, s31, s19, $0xb8;
	[tilespmem:$0x1E800] =	vst v63  }
0x50: {  	_ =	swait.ge [sflag:s17], $0x4000  }
0x51: {  	[sflag:s17] =	ssyncset.done $0x0  }
0x52: {  	s25 =	simm.s32 $0x400;
	s26 =	simm.s32 $0x180;
	[sflag:s17] =	ssyncadd.s32 $0xFFFFC000  }
.LBB2_4:
0x53: {  	[tilespmem:s20], [sflag:$0x2] =	stream.indirect.gather [hbm4b:s4+s19], $0x80, s26, s19, $0xb8;
	[tilespmem:$0x1E800] =	vst v63  }
0x54: {  	s26 =	smov.u32 s25  }
0x55: {  	p0 =	sne.s32 s25, $0x4800;
	s25 =	sadd.s32 $0x400, s25;
	_ =	swait.ge [sflag:s21], $0x4000  }
0x56: {  	s26 =	sshra.s32 s26, $0x2;
	[sflag:s21] =	ssyncset.done $0x0  }
0x57: {  	s28 =	sadd.s32 $0x1400, s26;
	[sflag:s21] =	ssyncadd.s32 $0xFFFFC000  }
0x58: {  	[spmem:s1] =	stream.indirect.scatter.add.f32 [tilespmem:s16], [sflag:$0x3], $0x80, s28, s19, $0xb8;
	[tilespmem:$0x1E800] =	vst v63  }
0x59: {  	_ =	swait.ge [sflag:s17], $0x4000  }
0x5a: {  	[sflag:s17] =	ssyncset.done $0x0  }
0x5b: {  	s28 =	sadd.s32 $0x100, s26;
	[sflag:s17] =	ssyncadd.s32 $0xFFFFC000  }
0x5c: {  	[tilespmem:s16], [sflag:$0x1] =	stream.indirect.gather [hbm4b:s4+s19], $0x80, s28, s19, $0xb8;
	[tilespmem:$0x1E800] =	vst v63  }
0x5d: {  	_ =	swait.ge [sflag:s22], $0x4000  }
0x5e: {  	[sflag:s22] =	ssyncset.done $0x0  }
.Ltmp1:
0x5f: {  	s28 =	sadd.s32 $0x1480, s26;
	[sflag:s22] =	ssyncadd.s32 $0xFFFFC000;
	(pc) =	sbr.rel @p0 .LBB2_4-.Ltmp1, $4  }
0x60: {  	[spmem:s1] =	stream.indirect.scatter.add.f32 [tilespmem:s20], [sflag:$0x3], $0x80, s28, s19, $0xb8;
	[tilespmem:$0x1E800] =	vst v63  }
0x61: {  	_ =	swait.ge [sflag:s17], $0x4000  }
0x62: {  	[sflag:s17] =	ssyncset.done $0x0  }
0x63: {  	s26 =	sadd.s32 $0x180, s26;
	[sflag:s17] =	ssyncadd.s32 $0xFFFFC000  }
0x64: {  	[tilespmem:s20], [sflag:$0x2] =	stream.indirect.gather [hbm4b:s4+s19], $0x80, s26, s19, $0xb8;
	[tilespmem:$0x1E800] =	vst v63  }
0x65: {  	_ =	swait.ge [sflag:s21], $0x4000  }
0x66: {  	[sflag:s21] =	ssyncset.done $0x0  }
0x67: {  	[sflag:s21] =	ssyncadd.s32 $0xFFFFC000  }
0x68: {  	[spmem:s1] =	stream.indirect.scatter.add.f32 [tilespmem:s16], [sflag:$0x3], $0x80, s23, s19, $0xb8;
	[tilespmem:$0x1E800] =	vst v63  }
0x69: {  	_ =	swait.ge [sflag:s17], $0x4000  }
0x6a: {  	[sflag:s17] =	ssyncset.done $0x0  }
0x6b: {  	[sflag:s17] =	ssyncadd.s32 $0xFFFFC000  }
0x6c: {  	_ =	swait.ge [sflag:s22], $0x4000  }
0x6d: {  	[sflag:s22] =	ssyncset.done $0x0  }
0x6e: {  	[sflag:s22] =	ssyncadd.s32 $0xFFFFC000  }
0x6f: {  	[spmem:s1] =	stream.indirect.scatter.add.f32 [tilespmem:s20], [sflag:$0x3], $0x80, s24, s19, $0xb8;
	[tilespmem:$0x1E800] =	vst v63  }
0x70: {  	_ =	swait.ge [sflag:s17], $0x4000  }
0x71: {  	[sflag:s17] =	ssyncset.done $0x0  }
0x72: {  	s25 =	simm.s32 $0x0;
	[sflag:s17] =	ssyncadd.s32 $0xFFFFC000  }
0x73: {  	[tilespmem:s25], [sflag:$0x3] =	stream.linear.gather [hbm4b:s8+s25], $0x1400, $0x38;
	[tilespmem:$0x1E800] =	vst v63  }
0x74: {  	_ =	swait.ge [sflag:s17], $0x1400  }
0x75: {  	[sflag:s17] =	ssyncset.done $0x0  }
0x76: {  	[sflag:s17] =	ssyncadd.s32 $0xFFFFEC00  }
0x77: {  	[tilespmem:s18], [sflag:$0x3] =	stream.linear.gather [hbm4b:s9+s25], $0x1400, $0x38;
	[tilespmem:$0x1E800] =	vst v63  }
0x78: {  	_ =	swait.ge [sflag:s17], $0x1400  }
0x79: {  	[sflag:s17] =	ssyncset.done $0x0  }
0x7a: {  	[sflag:s17] =	ssyncadd.s32 $0xFFFFEC00  }
0x7b: {  	[tilespmem:s16], [sflag:$0x1] =	stream.indirect.gather [hbm4b:s4+s19], $0x80, s25, s19, $0xb8;
	[tilespmem:$0x1E800] =	vst v63  }
0x7c: {  	_ = 	snop  }
0x7d: {  	[tilespmem:s20], [sflag:$0x2] =	stream.indirect.gather [hbm4b:s4+s19], $0x80, s19, s19, $0xb8;
	[tilespmem:$0x1E800] =	vst v63  }
0x7e: {  	_ =	swait.ge [sflag:s21], $0x4000  }
0x7f: {  	[sflag:s21] =	ssyncset.done $0x0  }
0x80: {  	s29 =	simm.s32 $0x1400;
	[sflag:s21] =	ssyncadd.s32 $0xFFFFC000  }
0x81: {  	[spmem:s1] =	stream.indirect.scatter.add.f32 [tilespmem:s16], [sflag:$0x3], $0x80, s29, s19, $0xb8;
	[tilespmem:$0x1E800] =	vst v63  }
0x82: {  	_ =	swait.ge [sflag:s17], $0x4000  }
0x83: {  	[sflag:s17] =	ssyncset.done $0x0  }
0x84: {  	s30 =	simm.s32 $0x100;
	[sflag:s17] =	ssyncadd.s32 $0xFFFFC000  }
0x85: {  	[tilespmem:s16], [sflag:$0x1] =	stream.indirect.gather [hbm4b:s4+s19], $0x80, s30, s19, $0xb8;
	[tilespmem:$0x1E800] =	vst v63  }
0x86: {  	_ =	swait.ge [sflag:s22], $0x4000  }
0x87: {  	[sflag:s22] =	ssyncset.done $0x0  }
0x88: {  	s31 =	simm.s32 $0x1480;
	[sflag:s22] =	ssyncadd.s32 $0xFFFFC000  }
0x89: {  	[spmem:s1] =	stream.indirect.scatter.add.f32 [tilespmem:s20], [sflag:$0x3], $0x80, s31, s19, $0xb8;
	[tilespmem:$0x1E800] =	vst v63  }
0x8a: {  	_ =	swait.ge [sflag:s17], $0x4000  }
0x8b: {  	[sflag:s17] =	ssyncset.done $0x0  }
0x8c: {  	s26 =	simm.s32 $0x180;
	s25 =	simm.s32 $0x400;
	[sflag:s17] =	ssyncadd.s32 $0xFFFFC000  }
.LBB2_6:
0x8d: {  	[tilespmem:s20], [sflag:$0x2] =	stream.indirect.gather [hbm4b:s4+s19], $0x80, s26, s19, $0xb8;
	[tilespmem:$0x1E800] =	vst v63  }
0x8e: {  	s26 =	smov.u32 s25  }
0x8f: {  	p0 =	sne.s32 s25, $0x4800;
	s25 =	sadd.s32 $0x400, s25;
	_ =	swait.ge [sflag:s21], $0x4000  }
0x90: {  	s26 =	sshra.s32 s26, $0x2;
	[sflag:s21] =	ssyncset.done $0x0  }
0x91: {  	s28 =	sadd.s32 $0x1400, s26;
	[sflag:s21] =	ssyncadd.s32 $0xFFFFC000  }
0x92: {  	[spmem:s1] =	stream.indirect.scatter.add.f32 [tilespmem:s16], [sflag:$0x3], $0x80, s28, s19, $0xb8;
	[tilespmem:$0x1E800] =	vst v63  }
0x93: {  	_ =	swait.ge [sflag:s17], $0x4000  }
0x94: {  	[sflag:s17] =	ssyncset.done $0x0  }
0x95: {  	s28 =	sadd.s32 $0x100, s26;
	[sflag:s17] =	ssyncadd.s32 $0xFFFFC000  }
0x96: {  	[tilespmem:s16], [sflag:$0x1] =	stream.indirect.gather [hbm4b:s4+s19], $0x80, s28, s19, $0xb8;
	[tilespmem:$0x1E800] =	vst v63  }
0x97: {  	_ =	swait.ge [sflag:s22], $0x4000  }
0x98: {  	[sflag:s22] =	ssyncset.done $0x0  }
.Ltmp2:
0x99: {  	s28 =	sadd.s32 $0x1480, s26;
	[sflag:s22] =	ssyncadd.s32 $0xFFFFC000;
	(pc) =	sbr.rel @p0 .LBB2_6-.Ltmp2, $4  }
0x9a: {  	[spmem:s1] =	stream.indirect.scatter.add.f32 [tilespmem:s20], [sflag:$0x3], $0x80, s28, s19, $0xb8;
	[tilespmem:$0x1E800] =	vst v63  }
0x9b: {  	_ =	swait.ge [sflag:s17], $0x4000  }
0x9c: {  	[sflag:s17] =	ssyncset.done $0x0  }
0x9d: {  	s26 =	sadd.s32 $0x180, s26;
	[sflag:s17] =	ssyncadd.s32 $0xFFFFC000  }
0x9e: {  	[tilespmem:s20], [sflag:$0x2] =	stream.indirect.gather [hbm4b:s4+s19], $0x80, s26, s19, $0xb8;
	[tilespmem:$0x1E800] =	vst v63  }
0x9f: {  	_ =	swait.ge [sflag:s21], $0x4000  }
0xa0: {  	[sflag:s21] =	ssyncset.done $0x0  }
0xa1: {  	[sflag:s21] =	ssyncadd.s32 $0xFFFFC000  }
0xa2: {  	[spmem:s1] =	stream.indirect.scatter.add.f32 [tilespmem:s16], [sflag:$0x3], $0x80, s23, s19, $0xb8;
	[tilespmem:$0x1E800] =	vst v63  }
0xa3: {  	_ =	swait.ge [sflag:s17], $0x4000  }
0xa4: {  	[sflag:s17] =	ssyncset.done $0x0  }
0xa5: {  	[sflag:s17] =	ssyncadd.s32 $0xFFFFC000  }
0xa6: {  	_ =	swait.ge [sflag:s22], $0x4000  }
0xa7: {  	[sflag:s22] =	ssyncset.done $0x0  }
0xa8: {  	[sflag:s22] =	ssyncadd.s32 $0xFFFFC000  }
0xa9: {  	[spmem:s1] =	stream.indirect.scatter.add.f32 [tilespmem:s20], [sflag:$0x3], $0x80, s24, s19, $0xb8;
	[tilespmem:$0x1E800] =	vst v63  }
0xaa: {  	_ =	swait.ge [sflag:s17], $0x4000  }
0xab: {  	s25 =	sshll.u32 s2, $0x6;
	s3 =	sadd.s32 $0x1, s3;
	[sflag:s17] =	ssyncset.done $0x0  }
0xac: {  	s31 =	sshrl.u32 s5, $0x3;
	p0 =	sne.s32 s3, s11;
	[sflag:s17] =	ssyncadd.s32 $0xFFFFC000  }
.Ltmp3:
0xad: {  	s25 =	sor.u32 $0x1C03, s25;
	[bflag:$0x0] =	sbarrier.arrive $0xFFFF;
	(pc) =	sbr.rel @p0 .LBB2_1-.Ltmp3, $4  }
0xae: {  	[hbm:s10], [sflag:s25] =	dma.local [spmem:s31], $0x2800  }
0xaf: {  	_ =	swait.ge [sflag:s17], $0x2800  }
0xb0: {  	[sflag:s17] =	ssyncset.done $0x0  }
0xb1: {  	[sflag:s17] =	ssyncadd.s32 $0xFFFFD800  }
0xb2: {  	_ =	sfence.sel $0x180000  }
0xb3: {  	[bflag:$0x0] =	sbarrier.arrive $0xFFFF  }
0xb4: {  	p0 =	sne.s32 s2, $0x0;
	_ =	strace $0x9000004D  }
0xb5: {  	s0 =	sadd.s32 @!p0 $0x100000, s0;
	[bflag:$0x2] =	sbarrier.arrive $0xFFFF  }
0xb6: {  	[sflag:s0] =	ssyncadd.tile.s32 @!p0 $0x1;
	_ =	shalt  }
.Lfunc_end2:
_tile_overlayer_lowered:
.L_overlay_start_2:
0xb7: {  	(tag) =	ssettag $0x2  }
0xb8: {  	s0 =	rddreg [dreg:$0x0];
	s2 =	stileid.u32  }
0xb9: {  	s1 =	rddreg [dreg:$0x1];
	p0 =	sne.s32 s2, $0x0  }
0xba: {  	s3 =	rddreg [dreg:$0x2];
	[bflag:$0x3] =	sbarrier.arrive $0xFFFF;
	s2 =	simm.s32 @!p0 $0x1C03  }
0xbb: {  	[timem:s3], [sflag:s2] =	dma.local @!p0 [hbm:s0], s1  }
0xbc: {  	s0 =	simm.s32 @!p0 $0x3  }
0xbd: {  	_ =	swait.ge @!p0 [sflag:s0], s1  }
0xbe: {  	s1 =	ssub.s32 @!p0 $0x0, s1;
	[sflag:s0] =	ssyncset.done @!p0 $0x0  }
0xbf: {  	[sflag:s0] =	ssyncadd.s32 @!p0 s1  }
0xc0: {  	[bflag:$0x3] =	sbarrier.arrive $0xFFFF  }
0xc1: {  	_ =	shalt  }

// kernel: kernel.8.cloned.1.call-start
scs
__scs_entry_jumppad:
0x0: {  	(pc) =	sbr.rel $0x88, $3  }
0x1: {  	(tag) =	ssettag $0x0;
	lr =	simm.s32 $0x1  }
0x2: {  	[smem:$0x3F91] =	sst lr;
	_ =	strace $0xD0000000  }
0x3: {  	_ = 	snop  }
0x4: {  	_ = 	snop  }
0x5: {  	_ = 	snop  }
0x6: {  	_ = 	snop  }
0x7: {  	_ = 	snop  }
__scs_overlays_trampoline_lowered:
0x8: {  	[smem:$0x3FA0] =	sst s0  }
0x9: {  	[smem:$0x3FA1] =	sst s1  }
0xa: {  	[smem:$0x3FA2] =	sst s2  }
0xb: {  	[smem:$0x3FA3] =	sst s3  }
0xc: {  	[smem:$0x3FA4] =	sst s4  }
0xd: {  	[smem:$0x3FA5] =	sst s5  }
0xe: {  	[smem:$0x3FA6] =	sst s6  }
0xf: {  	[smem:$0x3FA7] =	sst s7  }
0x10: {  	[smem:$0x3FA8] =	sst s8  }
0x11: {  	[smem:$0x3FA9] =	sst s9;
	s0 =	simm.s32 @!p0 $0x0  }
0x12: {  	s1 =	sld [smem:$0x3F8F];
	s0 =	simm.s32 @p0 $0x1  }
0x13: {  	[smem:$0x3FAA] =	sst s0;
	s0 =	simm.s32 @!p1 $0x0  }
0x14: {  	s2 =	sld [smem:$0x3F8E];
	s0 =	simm.s32 @p1 $0x1  }
0x15: {  	[smem:$0x3FAB] =	sst s0;
	s0 =	simm.s32 @!p2 $0x0  }
0x16: {  	s3 =	sld [smem:$0x3FDB];
	s0 =	simm.s32 @p2 $0x1  }
0x17: {  	s4 =	simm.s32 $0x1BF5;
	[smem:$0x3FAD] =	sst s0  }
0x18: {  	s0 =	sld [smem:$0x3F90];
	_ =	swait.ge [sflag:s4], $0x0  }
0x19: {  	s7 =	sld [smem:$0x3F91]  }
0x1a: {  	s8 =	sadd.s32 $0xFFFFE003, lr  }
0x1b: {  	s9 =	sadd.s32 $0xFFFFFEF7, lr;
	s5 =	simm.s32 $0xFFFFFFFF;
	p2 =	slt.u32 s8, $0xFFFFF086  }
0x1c: {  	p1 =	slt.u32 s9, $0xF7A;
	s5 =	simm.s32 @!p2 $0x0  }
0x1d: {  	s5 =	simm.s32 @p1 $0x1;
	p0 =	seq.s32 s7, s2  }
0x1e: {  	s7 =	smul.u32 @!p0 $0xF7A, s2;
	p2 =	seq.s32 @!p0 s5, $0x0  }
0x1f: {  	s9 =	smul.u32 $0xF7A, s1;
	s8 =	simm.s32 @!p0 $0x1BF5;
	p2 =	por !p2, p0  }
0x20: {  	[sflag:s8] =	ssyncset.s32 @!p0 $0xFFFFF086;
	s6 =	sadd.s32 @!p0 s3, s7;
	s7 =	simm.s32 @!p0 $0x108  }
0x21: {  	s3 =	sadd.s32 s3, s9;
	s6 =	sadd.s32 @!p0 $0x88, s6;
	s7 =	simm.s32 @p2 $0x1082  }
0x22: {  	[simem:s7], [sflag:s8] =	dma.local @!p0 [hbm:s6], $0xF7A  }
0x23: {  	s9 =	sor.u32 $0xD0000000, s2;
	s6 =	simm.s32 $0x108;
	_ =	swait.ge @!p0 [sflag:s8], $0x0  }
0x24: {  	s3 =	sadd.s32 $0x88, s3;
	s6 =	simm.s32 @!p1 $0x1082;
	[sflag:s4] =	ssyncset.s32 $0xFFFFF086  }
0x25: {  	[simem:s6], [sflag:s4] =	dma.local [hbm:s3], $0xF7A  }
0x26: {  	[smem:$0x3F91] =	sst s1;
	(tag) =	ssettag s2;
	_ =	strace s9  }
0x27: {  	s1 =	sld [smem:$0x3FA1]  }
0x28: {  	s2 =	sld [smem:$0x3FA2]  }
0x29: {  	s4 =	sld [smem:$0x3FA4]  }
0x2a: {  	p0 =	seq.s32 s5, $0x0;
	s5 =	sld [smem:$0x3FA5]  }
0x2b: {  	s6 =	sld [smem:$0x3FA6]  }
0x2c: {  	s7 =	sld [smem:$0x3FA7]  }
0x2d: {  	s3 =	simm.s32 $0x108;
	s8 =	sld [smem:$0x3FA8]  }
0x2e: {  	s3 =	simm.s32 @!p0 $0x1082;
	s9 =	sld [smem:$0x3FA9]  }
0x2f: {  	lr =	sadd.s32 s0, s3;
	s0 =	sld [smem:$0x3FA0]  }
0x30: {  	s3 =	sld [smem:$0x3FA3]  }
0x31: {  	[smem:$0x3FAC] =	sst s10  }
0x32: {  	s10 =	sld [smem:$0x3FAA];
	_ =	sdelay $0x3  }
0x33: {  	p0 =	seq.s32 s10, $0x1;
	s10 =	sld [smem:$0x3FAC];
	_ =	sdelay $0x3  }
0x34: {  	[smem:$0x3FAC] =	sst s10  }
0x35: {  	s10 =	sld [smem:$0x3FAB];
	_ =	sdelay $0x3  }
0x36: {  	p1 =	seq.s32 s10, $0x1;
	s10 =	sld [smem:$0x3FAC];
	_ =	sdelay $0x3  }
0x37: {  	[smem:$0x3FAC] =	sst s10  }
0x38: {  	s10 =	sld [smem:$0x3FAD]  }
0x39: {  	_ = 	snop;
	(pc) =	sbr.ind lr, $3  }
0x3a: {  	_ = 	snop  }
0x3b: {  	_ = 	snop  }
0x3c: {  	p2 =	seq.s32 s10, $0x1;
	s10 =	sld [smem:$0x3FAC]  }
0x3d: {  	_ =	shalt  }
0x3e: {  	_ =	shalt  }
0x3f: {  	_ =	shalt  }
0x40: {  	_ =	shalt  }
0x41: {  	_ =	shalt  }
0x42: {  	_ =	shalt  }
0x43: {  	_ =	shalt  }
0x44: {  	_ =	shalt  }
0x45: {  	_ =	shalt  }
0x46: {  	_ =	shalt  }
0x47: {  	_ =	shalt  }
0x48: {  	_ =	shalt  }
0x49: {  	_ =	shalt  }
0x4a: {  	_ =	shalt  }
0x4b: {  	_ =	shalt  }
0x4c: {  	_ =	shalt  }
0x4d: {  	_ =	shalt  }
0x4e: {  	_ =	shalt  }
0x4f: {  	_ =	shalt  }
0x50: {  	_ =	shalt  }
0x51: {  	_ =	shalt  }
0x52: {  	_ =	shalt  }
0x53: {  	_ =	shalt  }
0x54: {  	_ =	shalt  }
0x55: {  	_ =	shalt  }
0x56: {  	_ =	shalt  }
0x57: {  	_ =	shalt  }
0x58: {  	_ =	shalt  }
0x59: {  	_ =	shalt  }
0x5a: {  	_ =	shalt  }
0x5b: {  	_ =	shalt  }
0x5c: {  	_ =	shalt  }
0x5d: {  	_ =	shalt  }
0x5e: {  	_ =	shalt  }
0x5f: {  	_ =	shalt  }
0x60: {  	_ =	shalt  }
0x61: {  	_ =	shalt  }
0x62: {  	_ =	shalt  }
0x63: {  	_ =	shalt  }
0x64: {  	_ =	shalt  }
0x65: {  	_ =	shalt  }
0x66: {  	_ =	shalt  }
0x67: {  	_ =	shalt  }
0x68: {  	_ =	shalt  }
0x69: {  	_ =	shalt  }
0x6a: {  	_ =	shalt  }
0x6b: {  	_ =	shalt  }
0x6c: {  	_ =	shalt  }
0x6d: {  	_ =	shalt  }
0x6e: {  	_ =	shalt  }
0x6f: {  	_ =	shalt  }
0x70: {  	_ =	shalt  }
0x71: {  	_ =	shalt  }
0x72: {  	_ =	shalt  }
0x73: {  	_ =	shalt  }
0x74: {  	_ =	shalt  }
0x75: {  	_ =	shalt  }
0x76: {  	_ =	shalt  }
0x77: {  	_ =	shalt  }
0x78: {  	_ =	shalt  }
0x79: {  	_ =	shalt  }
0x7a: {  	_ =	shalt  }
0x7b: {  	_ =	shalt  }
0x7c: {  	_ =	shalt  }
0x7d: {  	_ =	shalt  }
0x7e: {  	_ =	shalt  }
0x7f: {  	_ =	shalt  }
0x80: {  	_ =	shalt  }
0x81: {  	_ =	shalt  }
0x82: {  	_ =	shalt  }
0x83: {  	_ =	shalt  }
0x84: {  	_ =	shalt  }
0x85: {  	_ =	shalt  }
0x86: {  	_ =	shalt  }
0x87: {  	_ =	shalt  }
.Lfunc_end0:
.L_simem_size_0:
called_computation_lowered:
.L_overlay_start_0:
0x88: {  	s2 =	sld [smem:$0x3FD9]  }
0x89: {  	s3 =	sld [smem:$0x3FFE];
	_ =	sdelay $0x1  }
0x8a: {  	s1 =	srdreg.scid  }
0x8b: {  	s0 =	sand.u32 $0x1, s1  }
0x8c: {  	s17 =	sshll.u32 s0, $0xA;
	s2 =	sadd.s32 s3, s2  }
0x8d: {  	s2 =	sadd.s32 s2, s17  }
0x8e: {  	[smem:$0x3FB8] =	sst s2  }
0x8f: {  	_ = 	snop  }
0x90: {  	s2 =	sld [smem:$0x3FC9];
	(tm) =	ssettm $0x1  }
0x91: {  	s18 =	sld [smem:$0x3FFB];
	_ =	sdelay $0x3  }
0x92: {  	_ =	strace s18  }
0x93: {  	s3 =	sld [smem:$0x3FFC];
	_ =	sdelay $0x3  }
0x94: {  	_ =	strace s3  }
0x95: {  	s3 =	sld [smem:$0x3FFD];
	_ =	sdelay $0x3  }
0x96: {  	_ =	strace s3  }
0x97: {  	_ =	strace $0x8FFFFFFF  }
0x98: {  	s19 =	sld [smem:$0x3FDB];
	_ =	sdelay $0x1  }
0x99: {  	s4 =	simm.s32 $_scs_section_size  }
0x9a: {  	s5 =	simm.s32 $_size__tile_overlayer_lowered;
	s6 =	simm.s32 $_tile_overlayer_lowered  }
0x9b: {  	s22 =	simm.s32 $0x1BFF;
	s21 =	sshll.u32 s6, $0x1;
	s3 =	sadd.s32 s4, s19  }
0x9c: {  	s7 =	simm.s32 $0x0;
	s20 =	sshll.u32 s5, $0x1;
	s5 =	sadd.s32 s21, s3  }
0x9d: {  	[timem:s7], [sflag:s22] =	dma.local [hbm:s5], s20  }
0x9e: {  	_ =	swait.ge [sflag:s22], s20  }
0x9f: {  	s4 =	ssub.s32 $0x0, s20;
	[sflag:s22] =	ssyncset.done $0x0  }
0xa0: {  	[sflag:s22] =	ssyncadd.s32 s4;
	_ =	sdelay $0x1  }
0xa1: {  	s23 =	simm.s32 $0x1B8B  }
0xa2: {  	_ =	swait.ge [sflag:s23], $0x1  }
0xa3: {  	[sflag:s23] =	ssyncset.done $0x0  }
0xa4: {  	s25 =	simm.s32 $0x1B8E;
	s24 =	sld [smem:$0x3FFE];
	[sflag:s23] =	ssyncadd.s32 $0xFFFFFFFF  }
0xa5: {  	s26 =	simm.s32 $execute0_lowered;
	[smem:$0x3FD2] =	sst s25  }
0xa6: {  	s5 =	sshll.u32 s26, $0x1;
	_ =	strace $0x80000046;
	[dreg:$0x1] =	wrdreg $0xFFFFFFFF  }
0xa7: {  	s28 =	simm.s32 $_size_execute0_lowered;
	s3 =	sadd.s32 s3, s5;
	[dreg:$0x0] =	wrdreg $0x0  }
0xa8: {  	s5 =	sshll.u32 s28, $0x1;
	[dreg:$0x2] =	wrdreg s3  }
0xa9: {  	[dreg:$0x3] =	wrdreg s5  }
0xaa: {  	[dreg:$0x4] =	wrdreg $0xC0  }
0xab: {  	_ =	task [dreg:s7], $0x5FFFF  }
0xac: {  	[dreg:$0x1] =	wrdreg $0xFFFFFFFF  }
0xad: {  	[dreg:$0x0] =	wrdreg $0x60  }
0xae: {  	[dreg:$0x2] =	wrdreg s2  }
0xaf: {  	[dreg:$0x3] =	wrdreg s24  }
0xb0: {  	[dreg:$0x4] =	wrdreg $0xA8000  }
0xb1: {  	[dreg:$0x5] =	wrdreg $0x9  }
0xb2: {  	_ =	task.clear_ibuf [dreg:s7], $0x6FFFF;
	_ =	strace $0x90000046  }
0xb3: {  	s29 =	simm.s32 $0x9;
	_ =	strace $0x80000048  }
0xb4: {  	_ =	swait.ge [sflag:s29], $0x1  }
0xb5: {  	[sflag:s29] =	ssyncadd.s32 $0xFFFFFFFF  }
0xb6: {  	_ =	strace $0x90000048  }
0xb7: {  	_ =	sfence  }
0xb8: {  	s30 =	sld [smem:$0x0];
	_ =	sdelay $0x2  }
0xb9: {  	s31 =	sshll.u32 s1, $0xD;
	s1 =	sshrl.u32 s1, $0x2  }
0xba: {  	s3 =	sand.u32 $0x4000, s31;
	s1 =	sadd.s32 s1, s30  }
0xbb: {  	s0 =	sor.u32 s3, s0;
	s1 =	sshll.u32 s1, $0x11  }
0xbc: {  	s0 =	sor.u32 s1, s0  }
0xbd: {  	s0 =	sadd.s32 $0x8F2B, s0  }
0xbe: {  	[sflag:s0] =	ssyncadd.remote.s32 $0x1  }
0xbf: {  	_ =	sfence.sel $0xFFFF  }
0xc0: {  	[dreg:$0x0] =	wrdreg $0xFFFFFFFF;
	(pc) =	sbr.abs _section_cstart, $3  }
0xc1: {  	[dreg:$0x1] =	wrdreg $0xFFFFFFFF  }
0xc2: {  	_ =	task.clear_ibuf [dreg:s7], $0x2FFFF;
	_ =	strace $0x9FFFFFFF  }
0xc3: {  	(tm) =	ssettm $0x7FFFFFFF  }
tec
execute0_lowered:
.L_overlay_start_1:
0x0: {  	(tag) =	ssettag $0x1  }
0x1: {  	s1 =	rddreg [dreg:$0x0]  }
0x2: {  	s5 =	rddreg [dreg:$0x1]  }
0x3: {  	s2 =	rddreg [dreg:$0x2]  }
0x4: {  	s0 =	rddreg [dreg:$0x3];
	s4 =	simm.s32 $0x0;
	s3 =	srdreg.scid  }
0x5: {  	s16 =	simm.s32 $0x2800;
	s17 =	simm.s32 $0x3;
	s18 =	simm.s32 $0x1400  }
0x6: {  	s19 =	simm.s32 $0x80;
	s20 =	simm.s32 $0x6800;
	s21 =	simm.s32 $0x1  }
0x7: {  	s22 =	simm.s32 $0x2;
	[smem:$0x7FF] =	sst s4;
	s6 =	sand.u32 $0x1, s3  }
0x8: {  	s23 =	simm.s32 $0x2700;
	s3 =	stileid.u32;
	s7 =	smul.u32 $0x140000, s6  }
0x9: {  	s9 =	sadd.s32 $0xDA00, s5;
	s8 =	smul.u32 $0x14000, s3;
	s11 =	sshll.u32 s6, $0x4  }
0xa: {  	s10 =	sadd.s32 $0x3A00, s5;
	s25 =	smul.u32 $0x50000, s3;
	s24 =	sor.u32 s3, s11  }
0xb: {  	_ =	strace $0x80000047;
	s6 =	ssub.s32 $0x2, s6;
	s12 =	smul.u32 $0x2800, s24  }
0xc: {  	s26 =	sshrl.u32 s6, $0x1;
	s7 =	sadd.s32 s8, s7;
	s28 =	smul.u32 $0x500, s24  }
0xd: {  	s14 =	ssub.s32 s6, s26;
	s29 =	sshrl.u32 s25, $0x2;
	s7 =	sshrl.u32 s7, $0x3  }
0xe: {  	s24 =	simm.s32 $0x2780;
	s11 =	smax.u32 s14, $0x1;
	s13 =	sadd.s32 s7, s5  }
0xf: {  	s30 =	sshrl.u32 s12, $0x3;
	s5 =	sadd.s32 s29, s2;
	s6 =	sadd.s32 s9, s28  }
0x10: {  	s7 =	sadd.s32 s10, s28;
	s31 =	sadd.s32 $0x280, s30;
	s12 =	sadd.s32 $0x4000, s5  }
0x11: {  	s14 =	sadd.s32 $0xC000, s5;
	s15 =	sadd.s32 $0x10000, s5;
	s8 =	sadd.s32 s9, s31  }
0x12: {  	v0 =	vimm.f32 $0.0e+00;
	s9 =	sadd.s32 s10, s31;
	s10 =	sadd.s32 $0x17A00, s13;
	s13 =	sadd.s32 $0x8000, s5  }
.LBB2_1:
0x13: {  	s25 =	simm.s32 $0x0;
	s26 =	simm.s32 $0x200  }
.LBB2_2:
0x14: {  	p0 =	sne.s32 s26, $0xFE00;
	[tilespmem:s25+$0x2870] =	vst v0  }
0x15: {  	[tilespmem:s25+$0x2800] =	vst v0  }
0x16: {  	[tilespmem:s25+$0x2810] =	vst v0  }
.Ltmp0:
0x17: {  	[tilespmem:s25+$0x2820] =	vst v0;
	(pc) =	sbr.rel @p0 .LBB2_2-.Ltmp0, $4  }
0x18: {  	[tilespmem:s25+$0x2830] =	vst v0  }
0x19: {  	[tilespmem:s25+$0x2840] =	vst v0  }
0x1a: {  	[tilespmem:s25+$0x2850] =	vst v0  }
0x1b: {  	[tilespmem:s25+$0x2860] =	vst v0;
	s25 =	sshra.s32 s26, $0x2;
	s26 =	sadd.s32 $0x200, s26  }
0x1c: {  	[tilespmem:s25+$0x2870] =	vst v0  }
0x1d: {  	[tilespmem:s25+$0x2800] =	vst v0  }
0x1e: {  	[tilespmem:s25+$0x2810] =	vst v0  }
0x1f: {  	[tilespmem:s25+$0x2820] =	vst v0  }
0x20: {  	[tilespmem:s25+$0x2830] =	vst v0  }
0x21: {  	[tilespmem:s25+$0x2840] =	vst v0  }
0x22: {  	[tilespmem:s25+$0x2850] =	vst v0  }
0x23: {  	[tilespmem:s25+$0x2860] =	vst v0  }
0x24: {  	[spmem:s5] =	stream.linear.scatter [tilespmem:s16], [sflag:$0x3], $0x4000, $0x38;
	[tilespmem:$0x1E800] =	vst v63  }
0x25: {  	_ =	swait.ge [sflag:s17], $0x4000  }
0x26: {  	[sflag:s17] =	ssyncset.done $0x0  }
0x27: {  	[sflag:s17] =	ssyncadd.s32 $0xFFFFC000  }
0x28: {  	[spmem:s12] =	stream.linear.scatter [tilespmem:s16], [sflag:$0x3], $0x4000, $0x38;
	[tilespmem:$0x1E800] =	vst v63  }
0x29: {  	_ =	swait.ge [sflag:s17], $0x4000  }
0x2a: {  	[sflag:s17] =	ssyncset.done $0x0  }
0x2b: {  	[sflag:s17] =	ssyncadd.s32 $0xFFFFC000  }
0x2c: {  	[spmem:s13] =	stream.linear.scatter [tilespmem:s16], [sflag:$0x3], $0x4000, $0x38;
	[tilespmem:$0x1E800] =	vst v63  }
0x2d: {  	_ =	swait.ge [sflag:s17], $0x4000  }
0x2e: {  	[sflag:s17] =	ssyncset.done $0x0  }
0x2f: {  	[sflag:s17] =	ssyncadd.s32 $0xFFFFC000  }
0x30: {  	[spmem:s14] =	stream.linear.scatter [tilespmem:s16], [sflag:$0x3], $0x4000, $0x38;
	[tilespmem:$0x1E800] =	vst v63  }
0x31: {  	_ =	swait.ge [sflag:s17], $0x4000  }
0x32: {  	[sflag:s17] =	ssyncset.done $0x0  }
0x33: {  	[sflag:s17] =	ssyncadd.s32 $0xFFFFC000  }
0x34: {  	[spmem:s15] =	stream.linear.scatter [tilespmem:s16], [sflag:$0x3], $0x4000, $0x38;
	[tilespmem:$0x1E800] =	vst v63  }
0x35: {  	_ =	swait.ge [sflag:s17], $0x4000  }
0x36: {  	[sflag:s17] =	ssyncset.done $0x0  }
0x37: {  	[sflag:s17] =	ssyncadd.s32 $0xFFFFC000  }
0x38: {  	s28 =	simm.s32 $0x0;
	[bflag:$0x0] =	sbarrier.arrive $0xFFFF  }
0x39: {  	[tilespmem:s28], [sflag:$0x3] =	stream.linear.gather [hbm4b:s6+s28], $0x1400, $0x38;
	[tilespmem:$0x1E800] =	vst v63  }
0x3a: {  	_ =	swait.ge [sflag:s17], $0x1400  }
0x3b: {  	[sflag:s17] =	ssyncset.done $0x0  }
0x3c: {  	[sflag:s17] =	ssyncadd.s32 $0xFFFFEC00  }
0x3d: {  	[tilespmem:s18], [sflag:$0x3] =	stream.linear.gather [hbm4b:s7+s28], $0x1400, $0x38;
	[tilespmem:$0x1E800] =	vst v63  }
0x3e: {  	_ =	swait.ge [sflag:s17], $0x1400  }
0x3f: {  	[sflag:s17] =	ssyncset.done $0x0  }
0x40: {  	[sflag:s17] =	ssyncadd.s32 $0xFFFFEC00  }
0x41: {  	[tilespmem:s16], [sflag:$0x1] =	stream.indirect.gather [hbm4b:s1+s19], $0x80, s28, s19, $0xb8;
	[tilespmem:$0x1E800] =	vst v63  }
0x42: {  	_ = 	snop  }
0x43: {  	[tilespmem:s20], [sflag:$0x2] =	stream.indirect.gather [hbm4b:s1+s19], $0x80, s19, s19, $0xb8;
	[tilespmem:$0x1E800] =	vst v63  }
0x44: {  	_ =	swait.ge [sflag:s21], $0x4000  }
0x45: {  	[sflag:s21] =	ssyncset.done $0x0  }
0x46: {  	s29 =	simm.s32 $0x1400;
	[sflag:s21] =	ssyncadd.s32 $0xFFFFC000  }
0x47: {  	[spmem:s2] =	stream.indirect.scatter.add.f32 [tilespmem:s16], [sflag:$0x3], $0x80, s29, s19, $0xb8;
	[tilespmem:$0x1E800] =	vst v63  }
0x48: {  	_ =	swait.ge [sflag:s17], $0x4000  }
0x49: {  	[sflag:s17] =	ssyncset.done $0x0  }
0x4a: {  	s30 =	simm.s32 $0x100;
	[sflag:s17] =	ssyncadd.s32 $0xFFFFC000  }
0x4b: {  	[tilespmem:s16], [sflag:$0x1] =	stream.indirect.gather [hbm4b:s1+s19], $0x80, s30, s19, $0xb8;
	[tilespmem:$0x1E800] =	vst v63  }
0x4c: {  	_ =	swait.ge [sflag:s22], $0x4000  }
0x4d: {  	[sflag:s22] =	ssyncset.done $0x0  }
0x4e: {  	s31 =	simm.s32 $0x1480;
	[sflag:s22] =	ssyncadd.s32 $0xFFFFC000  }
0x4f: {  	[spmem:s2] =	stream.indirect.scatter.add.f32 [tilespmem:s20], [sflag:$0x3], $0x80, s31, s19, $0xb8;
	[tilespmem:$0x1E800] =	vst v63  }
0x50: {  	_ =	swait.ge [sflag:s17], $0x4000  }
0x51: {  	[sflag:s17] =	ssyncset.done $0x0  }
0x52: {  	s25 =	simm.s32 $0x400;
	s26 =	simm.s32 $0x180;
	[sflag:s17] =	ssyncadd.s32 $0xFFFFC000  }
.LBB2_4:
0x53: {  	[tilespmem:s20], [sflag:$0x2] =	stream.indirect.gather [hbm4b:s1+s19], $0x80, s26, s19, $0xb8;
	[tilespmem:$0x1E800] =	vst v63  }
0x54: {  	s26 =	smov.u32 s25  }
0x55: {  	p0 =	sne.s32 s25, $0x4800;
	s25 =	sadd.s32 $0x400, s25;
	_ =	swait.ge [sflag:s21], $0x4000  }
0x56: {  	s26 =	sshra.s32 s26, $0x2;
	[sflag:s21] =	ssyncset.done $0x0  }
0x57: {  	s28 =	sadd.s32 $0x1400, s26;
	[sflag:s21] =	ssyncadd.s32 $0xFFFFC000  }
0x58: {  	[spmem:s2] =	stream.indirect.scatter.add.f32 [tilespmem:s16], [sflag:$0x3], $0x80, s28, s19, $0xb8;
	[tilespmem:$0x1E800] =	vst v63  }
0x59: {  	_ =	swait.ge [sflag:s17], $0x4000  }
0x5a: {  	[sflag:s17] =	ssyncset.done $0x0  }
0x5b: {  	s28 =	sadd.s32 $0x100, s26;
	[sflag:s17] =	ssyncadd.s32 $0xFFFFC000  }
0x5c: {  	[tilespmem:s16], [sflag:$0x1] =	stream.indirect.gather [hbm4b:s1+s19], $0x80, s28, s19, $0xb8;
	[tilespmem:$0x1E800] =	vst v63  }
0x5d: {  	_ =	swait.ge [sflag:s22], $0x4000  }
0x5e: {  	[sflag:s22] =	ssyncset.done $0x0  }
.Ltmp1:
0x5f: {  	s28 =	sadd.s32 $0x1480, s26;
	[sflag:s22] =	ssyncadd.s32 $0xFFFFC000;
	(pc) =	sbr.rel @p0 .LBB2_4-.Ltmp1, $4  }
0x60: {  	[spmem:s2] =	stream.indirect.scatter.add.f32 [tilespmem:s20], [sflag:$0x3], $0x80, s28, s19, $0xb8;
	[tilespmem:$0x1E800] =	vst v63  }
0x61: {  	_ =	swait.ge [sflag:s17], $0x4000  }
0x62: {  	[sflag:s17] =	ssyncset.done $0x0  }
0x63: {  	s26 =	sadd.s32 $0x180, s26;
	[sflag:s17] =	ssyncadd.s32 $0xFFFFC000  }
0x64: {  	[tilespmem:s20], [sflag:$0x2] =	stream.indirect.gather [hbm4b:s1+s19], $0x80, s26, s19, $0xb8;
	[tilespmem:$0x1E800] =	vst v63  }
0x65: {  	_ =	swait.ge [sflag:s21], $0x4000  }
0x66: {  	[sflag:s21] =	ssyncset.done $0x0  }
0x67: {  	[sflag:s21] =	ssyncadd.s32 $0xFFFFC000  }
0x68: {  	[spmem:s2] =	stream.indirect.scatter.add.f32 [tilespmem:s16], [sflag:$0x3], $0x80, s23, s19, $0xb8;
	[tilespmem:$0x1E800] =	vst v63  }
0x69: {  	_ =	swait.ge [sflag:s17], $0x4000  }
0x6a: {  	[sflag:s17] =	ssyncset.done $0x0  }
0x6b: {  	[sflag:s17] =	ssyncadd.s32 $0xFFFFC000  }
0x6c: {  	_ =	swait.ge [sflag:s22], $0x4000  }
0x6d: {  	[sflag:s22] =	ssyncset.done $0x0  }
0x6e: {  	[sflag:s22] =	ssyncadd.s32 $0xFFFFC000  }
0x6f: {  	[spmem:s2] =	stream.indirect.scatter.add.f32 [tilespmem:s20], [sflag:$0x3], $0x80, s24, s19, $0xb8;
	[tilespmem:$0x1E800] =	vst v63  }
0x70: {  	_ =	swait.ge [sflag:s17], $0x4000  }
0x71: {  	[sflag:s17] =	ssyncset.done $0x0  }
0x72: {  	s25 =	simm.s32 $0x0;
	[sflag:s17] =	ssyncadd.s32 $0xFFFFC000  }
0x73: {  	[tilespmem:s25], [sflag:$0x3] =	stream.linear.gather [hbm4b:s8+s25], $0x1400, $0x38;
	[tilespmem:$0x1E800] =	vst v63  }
0x74: {  	_ =	swait.ge [sflag:s17], $0x1400  }
0x75: {  	[sflag:s17] =	ssyncset.done $0x0  }
0x76: {  	[sflag:s17] =	ssyncadd.s32 $0xFFFFEC00  }
0x77: {  	[tilespmem:s18], [sflag:$0x3] =	stream.linear.gather [hbm4b:s9+s25], $0x1400, $0x38;
	[tilespmem:$0x1E800] =	vst v63  }
0x78: {  	_ =	swait.ge [sflag:s17], $0x1400  }
0x79: {  	[sflag:s17] =	ssyncset.done $0x0  }
0x7a: {  	[sflag:s17] =	ssyncadd.s32 $0xFFFFEC00  }
0x7b: {  	[tilespmem:s16], [sflag:$0x1] =	stream.indirect.gather [hbm4b:s1+s19], $0x80, s25, s19, $0xb8;
	[tilespmem:$0x1E800] =	vst v63  }
0x7c: {  	_ = 	snop  }
0x7d: {  	[tilespmem:s20], [sflag:$0x2] =	stream.indirect.gather [hbm4b:s1+s19], $0x80, s19, s19, $0xb8;
	[tilespmem:$0x1E800] =	vst v63  }
0x7e: {  	_ =	swait.ge [sflag:s21], $0x4000  }
0x7f: {  	[sflag:s21] =	ssyncset.done $0x0  }
0x80: {  	s29 =	simm.s32 $0x1400;
	[sflag:s21] =	ssyncadd.s32 $0xFFFFC000  }
0x81: {  	[spmem:s2] =	stream.indirect.scatter.add.f32 [tilespmem:s16], [sflag:$0x3], $0x80, s29, s19, $0xb8;
	[tilespmem:$0x1E800] =	vst v63  }
0x82: {  	_ =	swait.ge [sflag:s17], $0x4000  }
0x83: {  	[sflag:s17] =	ssyncset.done $0x0  }
0x84: {  	s30 =	simm.s32 $0x100;
	[sflag:s17] =	ssyncadd.s32 $0xFFFFC000  }
0x85: {  	[tilespmem:s16], [sflag:$0x1] =	stream.indirect.gather [hbm4b:s1+s19], $0x80, s30, s19, $0xb8;
	[tilespmem:$0x1E800] =	vst v63  }
0x86: {  	_ =	swait.ge [sflag:s22], $0x4000  }
0x87: {  	[sflag:s22] =	ssyncset.done $0x0  }
0x88: {  	s31 =	simm.s32 $0x1480;
	[sflag:s22] =	ssyncadd.s32 $0xFFFFC000  }
0x89: {  	[spmem:s2] =	stream.indirect.scatter.add.f32 [tilespmem:s20], [sflag:$0x3], $0x80, s31, s19, $0xb8;
	[tilespmem:$0x1E800] =	vst v63  }
0x8a: {  	_ =	swait.ge [sflag:s17], $0x4000  }
0x8b: {  	[sflag:s17] =	ssyncset.done $0x0  }
0x8c: {  	s26 =	simm.s32 $0x180;
	s25 =	simm.s32 $0x400;
	[sflag:s17] =	ssyncadd.s32 $0xFFFFC000  }
.LBB2_6:
0x8d: {  	[tilespmem:s20], [sflag:$0x2] =	stream.indirect.gather [hbm4b:s1+s19], $0x80, s26, s19, $0xb8;
	[tilespmem:$0x1E800] =	vst v63  }
0x8e: {  	s26 =	smov.u32 s25  }
0x8f: {  	p0 =	sne.s32 s25, $0x4800;
	s25 =	sadd.s32 $0x400, s25;
	_ =	swait.ge [sflag:s21], $0x4000  }
0x90: {  	s26 =	sshra.s32 s26, $0x2;
	[sflag:s21] =	ssyncset.done $0x0  }
0x91: {  	s28 =	sadd.s32 $0x1400, s26;
	[sflag:s21] =	ssyncadd.s32 $0xFFFFC000  }
0x92: {  	[spmem:s2] =	stream.indirect.scatter.add.f32 [tilespmem:s16], [sflag:$0x3], $0x80, s28, s19, $0xb8;
	[tilespmem:$0x1E800] =	vst v63  }
0x93: {  	_ =	swait.ge [sflag:s17], $0x4000  }
0x94: {  	[sflag:s17] =	ssyncset.done $0x0  }
0x95: {  	s28 =	sadd.s32 $0x100, s26;
	[sflag:s17] =	ssyncadd.s32 $0xFFFFC000  }
0x96: {  	[tilespmem:s16], [sflag:$0x1] =	stream.indirect.gather [hbm4b:s1+s19], $0x80, s28, s19, $0xb8;
	[tilespmem:$0x1E800] =	vst v63  }
0x97: {  	_ =	swait.ge [sflag:s22], $0x4000  }
0x98: {  	[sflag:s22] =	ssyncset.done $0x0  }
.Ltmp2:
0x99: {  	s28 =	sadd.s32 $0x1480, s26;
	[sflag:s22] =	ssyncadd.s32 $0xFFFFC000;
	(pc) =	sbr.rel @p0 .LBB2_6-.Ltmp2, $4  }
0x9a: {  	[spmem:s2] =	stream.indirect.scatter.add.f32 [tilespmem:s20], [sflag:$0x3], $0x80, s28, s19, $0xb8;
	[tilespmem:$0x1E800] =	vst v63  }
0x9b: {  	_ =	swait.ge [sflag:s17], $0x4000  }
0x9c: {  	[sflag:s17] =	ssyncset.done $0x0  }
0x9d: {  	s26 =	sadd.s32 $0x180, s26;
	[sflag:s17] =	ssyncadd.s32 $0xFFFFC000  }
0x9e: {  	[tilespmem:s20], [sflag:$0x2] =	stream.indirect.gather [hbm4b:s1+s19], $0x80, s26, s19, $0xb8;
	[tilespmem:$0x1E800] =	vst v63  }
0x9f: {  	_ =	swait.ge [sflag:s21], $0x4000  }
0xa0: {  	[sflag:s21] =	ssyncset.done $0x0  }
0xa1: {  	[sflag:s21] =	ssyncadd.s32 $0xFFFFC000  }
0xa2: {  	[spmem:s2] =	stream.indirect.scatter.add.f32 [tilespmem:s16], [sflag:$0x3], $0x80, s23, s19, $0xb8;
	[tilespmem:$0x1E800] =	vst v63  }
0xa3: {  	_ =	swait.ge [sflag:s17], $0x4000  }
0xa4: {  	[sflag:s17] =	ssyncset.done $0x0  }
0xa5: {  	[sflag:s17] =	ssyncadd.s32 $0xFFFFC000  }
0xa6: {  	_ =	swait.ge [sflag:s22], $0x4000  }
0xa7: {  	[sflag:s22] =	ssyncset.done $0x0  }
0xa8: {  	[sflag:s22] =	ssyncadd.s32 $0xFFFFC000  }
0xa9: {  	[spmem:s2] =	stream.indirect.scatter.add.f32 [tilespmem:s20], [sflag:$0x3], $0x80, s24, s19, $0xb8;
	[tilespmem:$0x1E800] =	vst v63  }
0xaa: {  	_ =	swait.ge [sflag:s17], $0x4000  }
0xab: {  	s25 =	sshll.u32 s3, $0x6;
	s4 =	sadd.s32 $0x1, s4;
	[sflag:s17] =	ssyncset.done $0x0  }
0xac: {  	s31 =	sshrl.u32 s5, $0x3;
	p0 =	sne.s32 s4, s11;
	[sflag:s17] =	ssyncadd.s32 $0xFFFFC000  }
.Ltmp3:
0xad: {  	s25 =	sor.u32 $0x1C03, s25;
	[bflag:$0x0] =	sbarrier.arrive $0xFFFF;
	(pc) =	sbr.rel @p0 .LBB2_1-.Ltmp3, $4  }
0xae: {  	[hbm:s10], [sflag:s25] =	dma.local [spmem:s31], $0x2800  }
0xaf: {  	_ =	swait.ge [sflag:s17], $0x2800  }
0xb0: {  	[sflag:s17] =	ssyncset.done $0x0  }
0xb1: {  	[sflag:s17] =	ssyncadd.s32 $0xFFFFD800  }
0xb2: {  	_ =	sfence.sel $0x180000  }
0xb3: {  	[bflag:$0x0] =	sbarrier.arrive $0xFFFF  }
0xb4: {  	p0 =	sne.s32 s3, $0x0;
	_ =	strace $0x90000047  }
0xb5: {  	s0 =	sadd.s32 @!p0 $0x100000, s0;
	[bflag:$0x2] =	sbarrier.arrive $0xFFFF  }
0xb6: {  	[sflag:s0] =	ssyncadd.tile.s32 @!p0 $0x1;
	_ =	shalt  }
.Lfunc_end2:
_tile_overlayer_lowered:
.L_overlay_start_2:
0xb7: {  	(tag) =	ssettag $0x2  }
0xb8: {  	s0 =	rddreg [dreg:$0x0];
	s2 =	stileid.u32  }
0xb9: {  	s1 =	rddreg [dreg:$0x1];
	p0 =	sne.s32 s2, $0x0  }
0xba: {  	s3 =	rddreg [dreg:$0x2];
	[bflag:$0x3] =	sbarrier.arrive $0xFFFF;
	s2 =	simm.s32 @!p0 $0x1C03  }
0xbb: {  	[timem:s3], [sflag:s2] =	dma.local @!p0 [hbm:s0], s1  }
0xbc: {  	s0 =	simm.s32 @!p0 $0x3  }
0xbd: {  	_ =	swait.ge @!p0 [sflag:s0], s1  }
0xbe: {  	s1 =	ssub.s32 @!p0 $0x0, s1;
	[sflag:s0] =	ssyncset.done @!p0 $0x0  }
0xbf: {  	[sflag:s0] =	ssyncadd.s32 @!p0 s1  }
0xc0: {  	[bflag:$0x3] =	sbarrier.arrive $0xFFFF  }
0xc1: {  	_ =	shalt  }

</sc_bundles>
